<compile_context>
chip_gen: v7x
topology: tpu7x:2x2x1
jax: 0.10.2.dev20260603
libtpu: 0.0.44.dev20260713+nightly
codegen_flags: <defaults>
</compile_context>

<pallas_src>
import jax
import jax.numpy as jnp
from jax import lax
from jax.experimental import pallas as pl
from jax.experimental.pallas import tpu as pltpu
from jax.experimental.pallas import tpu_sc as plsc

N = 10000
E = 320000
D = 128
H = 128

NC = 2
NS = 16
NW = NC * NS
EW = E // NW
CH = 80
NCHUNK = EW // CH
NPAD = 10240
RW = NPAD // NS

F32 = jnp.float32


def _fill_1d(ref, n, val):
    v = jnp.full((16,), val, F32)

    def body(i, _):
        ref[pl.ds(i * 16, 16)] = v
        return 0

    lax.fori_loop(0, n // 16, body, 0)


def _fill_zero_2d(ref, rows):
    zv = jnp.zeros((16,), F32)

    def body(i, _):
        for j in range(D // 16):
            ref[i, pl.ds(j * 16, 16)] = zv
        return 0

    lax.fori_loop(0, rows, body, 0)



def _sc_degree(dst3, out, cnt, idx2, ones_v, zb):
    c = lax.axis_index("c")
    s = lax.axis_index("s")
    wid = s * NC + c

    _fill_1d(zb, RW, 0.0)
    _fill_1d(ones_v, CH, 1.0)

    pltpu.sync_copy(dst3.at[wid], idx2)
    pltpu.sync_copy(zb, cnt.at[pl.ds(s * RW, RW)])
    plsc.subcore_barrier()

    def body(k, _):
        pltpu.sync_copy(ones_v, cnt.at[idx2.at[k]], add=True)
        return 0

    lax.fori_loop(0, NCHUNK, body, 0)
    plsc.subcore_barrier()
    pltpu.sync_copy(cnt.at[pl.ds(s * RW, RW)], out.at[c, pl.ds(s * RW, RW)])


def _degree(dst3):
    return pl.kernel(
        _sc_degree,
        out_type=jax.ShapeDtypeStruct((NC, NPAD), F32),
        mesh=plsc.VectorSubcoreMesh(core_axis_name="c", subcore_axis_name="s"),
        scratch_types=[
            pltpu.VMEM_SHARED((NPAD,), F32),
            pltpu.VMEM((NCHUNK, CH), jnp.int32),
            pltpu.VMEM((CH,), F32),
            pltpu.VMEM((RW,), F32),
        ],
    )(dst3)



def _sc_scatter(g, src, dst3, out0, out1, acc, src1, dst2, rows_a, rows_b,
                sem_a, sem_b):
    c = lax.axis_index("c")
    s = lax.axis_index("s")
    wid = s * NC + c

    _fill_zero_2d(rows_a, CH)
    pltpu.sync_copy(src.at[pl.ds(wid * EW, EW)], src1)
    pltpu.sync_copy(dst3.at[wid], dst2)
    for q in range(RW // CH):
        pltpu.sync_copy(rows_a, acc.at[pl.ds(s * RW + q * CH, CH)])
    plsc.subcore_barrier()

    def idx(k):
        return src1.at[pl.ds(k * CH, CH)]

    pltpu.async_copy(g.at[idx(0)], rows_a, sem_a)
    pltpu.async_copy(g.at[idx(1)], rows_b, sem_b)

    def body(i, _):
        k0 = 2 * i
        pltpu.make_async_copy(g.at[idx(k0)], rows_a, sem_a).wait()
        pltpu.sync_copy(rows_a, acc.at[dst2.at[k0]], add=True)
        pltpu.async_copy(g.at[idx(k0 + 2)], rows_a, sem_a)
        pltpu.make_async_copy(g.at[idx(k0 + 1)], rows_b, sem_b).wait()
        pltpu.sync_copy(rows_b, acc.at[dst2.at[k0 + 1]], add=True)

        @pl.when(i < (NCHUNK - 3) // 2)
        def _():
            pltpu.async_copy(g.at[idx(k0 + 3)], rows_b, sem_b)

        return 0

    lax.fori_loop(0, (NCHUNK - 1) // 2, body, 0)
    pltpu.make_async_copy(g.at[idx(NCHUNK - 1)], rows_a, sem_a).wait()
    pltpu.sync_copy(rows_a, acc.at[dst2.at[NCHUNK - 1]], add=True)

    plsc.subcore_barrier()

    @pl.when(c == 0)
    def _():
        pltpu.sync_copy(acc.at[pl.ds(s * RW, RW)], out0.at[pl.ds(s * RW, RW)])

    @pl.when(c == 1)
    def _():
        pltpu.sync_copy(acc.at[pl.ds(s * RW, RW)], out1.at[pl.ds(s * RW, RW)])


def _scatter_rows(g, src, dst3):
    return pl.kernel(
        _sc_scatter,
        out_type=(jax.ShapeDtypeStruct((NPAD, D), F32),
                  jax.ShapeDtypeStruct((NPAD, D), F32)),
        mesh=plsc.VectorSubcoreMesh(core_axis_name="c", subcore_axis_name="s"),
        scratch_types=[
            pltpu.VMEM_SHARED((NPAD, D), F32),
            pltpu.VMEM((EW,), jnp.int32),
            pltpu.VMEM((NCHUNK, CH), jnp.int32),
            pltpu.VMEM((CH, D), F32),
            pltpu.VMEM((CH, D), F32),
            pltpu.SemaphoreType.DMA,
            pltpu.SemaphoreType.DMA,
        ],
    )(g, src, dst3)



def _sc_score(a, b, ea, src, dst, out, a_v, b_v, sv, dv, ev, ov):
    c = lax.axis_index("c")
    s = lax.axis_index("s")
    wid = s * NC + c
    base = wid * EW

    pltpu.sync_copy(a, a_v)
    pltpu.sync_copy(b, b_v)
    pltpu.sync_copy(src.at[pl.ds(base, EW)], sv)
    pltpu.sync_copy(dst.at[pl.ds(base, EW)], dv)
    pltpu.sync_copy(ea.at[pl.ds(base, EW)], ev)

    def body(j, _):
        o = j * 16
        s16 = sv[pl.ds(o, 16)]
        d16 = dv[pl.ds(o, 16)]
        va = plsc.load_gather(a_v, [s16])
        vb = plsc.load_gather(b_v, [d16])
        ov[pl.ds(o, 16)] = va + vb + ev[pl.ds(o, 16)]
        return 0

    lax.fori_loop(0, EW // 16, body, 0)
    pltpu.sync_copy(ov, out.at[pl.ds(base, EW)])


def _score(a, b, ea, src, dst):
    return pl.kernel(
        _sc_score,
        out_type=jax.ShapeDtypeStruct((E,), F32),
        mesh=plsc.VectorSubcoreMesh(core_axis_name="c", subcore_axis_name="s"),
        compiler_params=pltpu.CompilerParams(needs_layout_passes=False),
        scratch_types=[
            pltpu.VMEM((NPAD,), F32),
            pltpu.VMEM((NPAD,), F32),
            pltpu.VMEM((EW,), jnp.int32),
            pltpu.VMEM((EW,), jnp.int32),
            pltpu.VMEM((EW,), F32),
            pltpu.VMEM((EW,), F32),
        ],
    )(a, b, ea, src, dst)



NB = NPAD // 10
AR = N // 10


def _tc1_body(xb, w1b, d0b, d1b, g1b, disb):
    deg = d0b[...] + d1b[...] + 1.0
    dis = lax.rsqrt(deg)
    disb[...] = dis
    h = jnp.dot(xb[...], w1b[...], preferred_element_type=F32)
    g1b[...] = h * dis[:, None]


def _tc1(x_pad, w1, deg0, deg1):
    return pl.pallas_call(
        _tc1_body,
        grid=(10,),
        in_specs=[
            pl.BlockSpec((NB, D), lambda i: (i, 0)),
            pl.BlockSpec((D, H), lambda i: (0, 0)),
            pl.BlockSpec((NB,), lambda i: (i,)),
            pl.BlockSpec((NB,), lambda i: (i,)),
        ],
        out_specs=[
            pl.BlockSpec((NB, H), lambda i: (i, 0)),
            pl.BlockSpec((NB,), lambda i: (i,)),
        ],
        out_shape=[
            jax.ShapeDtypeStruct((NPAD, H), F32),
            jax.ShapeDtypeStruct((NPAD,), F32),
        ],
    )(x_pad, w1, deg0, deg1)


AR_A = 5120 // 10
AR_B = 4880 // 10


def _tc2_body(a0b, a1b, g1b, db, b1b, w2b, atb, wmb, bpb, g2b, eab):
    dis = db[...]
    t = dis[:, None] * (a0b[...] + a1b[...] + g1b[...]) + b1b[0:1, :]
    t = jnp.maximum(t, 0.0)
    g2b[...] = jnp.dot(t, w2b[...], preferred_element_type=F32) * dis[:, None]
    eab[...] = jnp.dot(atb[...], wmb[...], preferred_element_type=F32) + bpb[0:1, :]


def _tc2(a0, a1, g1, dis, b1b, w2, attr_a, wmat, bpb):
    return pl.pallas_call(
        _tc2_body,
        grid=(10,),
        in_specs=[
            pl.BlockSpec((NB, H), lambda i: (i, 0)),
            pl.BlockSpec((NB, H), lambda i: (i, 0)),
            pl.BlockSpec((NB, H), lambda i: (i, 0)),
            pl.BlockSpec((NB,), lambda i: (i,)),
            pl.BlockSpec((8, H), lambda i: (0, 0)),
            pl.BlockSpec((H, H), lambda i: (0, 0)),
            pl.BlockSpec((AR_A, 128), lambda i: (i, 0)),
            pl.BlockSpec((128, 128), lambda i: (0, 0)),
            pl.BlockSpec((8, 128), lambda i: (0, 0)),
        ],
        out_specs=[
            pl.BlockSpec((NB, H), lambda i: (i, 0)),
            pl.BlockSpec((AR_A, 128), lambda i: (i, 0)),
        ],
        out_shape=[
            jax.ShapeDtypeStruct((NPAD, H), F32),
            jax.ShapeDtypeStruct((5120, 128), F32),
        ],
    )(a0, a1, g1, dis, b1b, w2, attr_a, wmat, bpb)


def _tc3_body(a0b, a1b, g2b, db, b2b, wabb, atb, wmb, bpb, avb, bvb, eab):
    dis = db[...]
    t = dis[:, None] * (a0b[...] + a1b[...] + g2b[...]) + b2b[0:1, :]
    t = jnp.maximum(t, 0.0)
    ab = jnp.dot(t, wabb[...], preferred_element_type=F32)
    avb[...] = ab[:, 0]
    bvb[...] = ab[:, 1]
    eab[...] = jnp.dot(atb[...], wmb[...], preferred_element_type=F32) + bpb[0:1, :]


def _tc3(a0, a1, g2, dis, b2b, wab, attr_b, wmat, bpb):
    return pl.pallas_call(
        _tc3_body,
        grid=(10,),
        in_specs=[
            pl.BlockSpec((NB, H), lambda i: (i, 0)),
            pl.BlockSpec((NB, H), lambda i: (i, 0)),
            pl.BlockSpec((NB, H), lambda i: (i, 0)),
            pl.BlockSpec((NB,), lambda i: (i,)),
            pl.BlockSpec((8, H), lambda i: (0, 0)),
            pl.BlockSpec((H, 128), lambda i: (0, 0)),
            pl.BlockSpec((AR_B, 128), lambda i: (i, 0)),
            pl.BlockSpec((128, 128), lambda i: (0, 0)),
            pl.BlockSpec((8, 128), lambda i: (0, 0)),
        ],
        out_specs=[
            pl.BlockSpec((NB,), lambda i: (i,)),
            pl.BlockSpec((NB,), lambda i: (i,)),
            pl.BlockSpec((AR_B, 128), lambda i: (i, 0)),
        ],
        out_shape=[
            jax.ShapeDtypeStruct((NPAD,), F32),
            jax.ShapeDtypeStruct((NPAD,), F32),
            jax.ShapeDtypeStruct((4880, 128), F32),
        ],
    )(a0, a1, g2, dis, b2b, wab, attr_b, wmat, bpb)



def kernel(x, edge_index, edge_attr, W1, b1, W2, b2, Wp, bp):
    ei = edge_index.astype(jnp.int32)
    src = ei[0]
    dst = ei[1]
    src3 = src.reshape(NW, NCHUNK, CH)
    dst3 = dst.reshape(NW, NCHUNK, CH)

    x_pad = jnp.pad(x, ((0, NPAD - N), (0, 0)))
    attr_a = edge_attr[:163840].reshape(5120, 128)
    attr_b = edge_attr[163840:].reshape(4880, 128)

    wp_e = Wp[2 * H:, 0]
    eye32 = jnp.eye(32, dtype=F32)
    wmat = jnp.pad(jnp.kron(eye32, wp_e[:, None]), ((0, 0), (0, 96)))

    wab = jnp.zeros((H, 128), F32)
    wab = wab.at[:, 0].set(Wp[:H, 0]).at[:, 1].set(Wp[H:2 * H, 0])

    bpb = jnp.broadcast_to(bp.reshape(1, 1), (8, 128)).astype(F32)
    b1b = jnp.broadcast_to(b1[None, :], (8, H))
    b2b = jnp.broadcast_to(b2[None, :], (8, H))

    degp = _degree(dst3)
    g1, dis = _tc1(x_pad, W1, degp[0], degp[1])
    a10, a11 = _scatter_rows(g1, src, dst3)
    g2, ea_a = _tc2(a10, a11, g1, dis, b1b, W2, attr_a, wmat, bpb)
    a20, a21 = _scatter_rows(g2, src, dst3)
    av, bv, ea_b = _tc3(a20, a21, g2, dis, b2b, wab, attr_b, wmat, bpb)
    ea = jnp.concatenate([ea_a[:, :32].reshape(163840),
                          ea_b[:, :32].reshape(156160)])
    scores = _score(av, bv, ea, src, dst)
    return scores.reshape(E, 1)

# --- scband reference (transcript-rebuilt; emitter-appended) ---
"""Pipeline reference for scband-gnnrouting-model-5884105195871 (READ-ONLY COPY).

The authoritative reference and input builder live on the scoring server;
editing this copy changes nothing except your own understanding.
"""

import jax, jax.numpy as jnp
import numpy as np

N = 10000
E = 320000
D = 128
H = 128
DE = 4

def gcn_conv(x, src, dst, W, b, num_nodes):
    # PyG GCNConv: add self loops, symmetric normalization D^-1/2 (A+I) D^-1/2 X W + b
    h = x @ W
    loop = jnp.arange(num_nodes, dtype=src.dtype)
    s = jnp.concatenate([src, loop])
    d = jnp.concatenate([dst, loop])
    deg = jnp.zeros((num_nodes,), x.dtype).at[d].add(1.0)
    dis = jnp.where(deg > 0, 1.0 / jnp.sqrt(deg), 0.0)
    norm = dis[s] * dis[d]
    msgs = h[s] * norm[:, None]
    out = jnp.zeros((num_nodes, W.shape[1]), x.dtype).at[d].add(msgs)
    return out + b

def setup_inputs(seed: int = 0) -> dict:
    key = jax.random.key(seed)
    ks = jax.random.split(key, 10)
    x = jax.random.normal(ks[0], (N, D), dtype=jnp.float32)
    edge_index = jax.random.randint(ks[1], (2, E), 0, N, dtype=jnp.int64)
    edge_attr = jax.random.normal(ks[2], (E, DE), dtype=jnp.float32)
    W1 = jax.random.normal(ks[3], (D, H), dtype=jnp.float32) * (1.0 / np.sqrt(D))
    b1 = jnp.zeros((H,), dtype=jnp.float32)
    W2 = jax.random.normal(ks[4], (H, H), dtype=jnp.float32) * (1.0 / np.sqrt(H))
    b2 = jnp.zeros((H,), dtype=jnp.float32)
    Wp = jax.random.normal(ks[5], (2 * H + DE, 1), dtype=jnp.float32) * (1.0 / np.sqrt(2 * H + DE))
    bp = jnp.zeros((1,), dtype=jnp.float32)
    return {"x": x, "edge_index": edge_index, "edge_attr": edge_attr,
            "W1": W1, "b1": b1, "W2": W2, "b2": b2, "Wp": Wp, "bp": bp}

def reference(x, edge_index, edge_attr, W1, b1, W2, b2, Wp, bp):
    src = edge_index[0]
    dst = edge_index[1]
    h = jax.nn.relu(gcn_conv(x, src, dst, W1, b1, N))
    h = jax.nn.relu(gcn_conv(h, src, dst, W2, b2, N))
    edge_inputs = jnp.concatenate([h[src], h[dst], edge_attr], axis=1)
    edge_scores = edge_inputs @ Wp + bp
    return edge_scores

if __name__ == "__main__":
    import jax
    _d = setup_inputs()
    print(jax.jit(kernel)(*tuple(_d.values())))

</pallas_src>

<mosaic_0001>
#map = affine_map<(d0, d1) -> (0, 0)>
#map1 = affine_map<(d0, d1) -> (0)>
#map2 = affine_map<(d0, d1) -> (0, 0, 0)>
module attributes {stable_mosaic.version = 14 : i64} {
  func.func @_sc_scatter(%arg0: i32, %arg1: i32, %arg2: memref<10240x128xf32, #tpu.memory_space<hbm>>, %arg3: memref<320000xi32, #tpu.memory_space<hbm>>, %arg4: memref<32x125x80xi32, #tpu.memory_space<hbm>>, %arg5: memref<10240x128xf32, #tpu.memory_space<hbm>>, %arg6: memref<10240x128xf32, #tpu.memory_space<hbm>>, %arg7: memref<10240x128xf32, #tpu.memory_space<vmem_shared>>, %arg8: memref<10000xi32, #tpu.memory_space<vmem>>, %arg9: memref<125x80xi32, #tpu.memory_space<vmem>>, %arg10: memref<80x128xf32, #tpu.memory_space<vmem>>, %arg11: memref<80x128xf32, #tpu.memory_space<vmem>>, %arg12: memref<!tpu.dma_semaphore, #tpu.memory_space<semaphore_mem>>, %arg13: memref<!tpu.dma_semaphore, #tpu.memory_space<semaphore_mem>>) attributes {dimension_semantics = [#tpu.dimension_semantics<core_parallel>, #tpu.dimension_semantics<subcore_parallel>], iteration_bounds = array<i64: 2, 16>, scalar_prefetch = 0 : i64, scratch_operands = 7 : i64, tpu.core_type = #tpu.core_type<sc_vector_subcore>, window_params = [{transform_indices = #map}, {transform_indices = #map1}, {transform_indices = #map2}, {transform_indices = #map}, {transform_indices = #map}]} {
    %mul3A = arith.constant 2 : i32
    %mul3A_0 = arith.muli %arg1, %mul3A : i32
    %add3A = arith.addi %mul3A_0, %arg0 : i32
    %broadcast_in_dim3A = arith.constant 0.000000e+00 : f32
    %broadcast_in_dim3A_1 = vector.broadcast %broadcast_in_dim3A : f32 to vector<16xf32>
    %scan3A = arith.constant 0 : i32
    %scan3A_2 = arith.constant 0 : i32
    %scan3A_3 = arith.constant 80 : i32
    %scan3A_4 = arith.addi %scan3A_2, %scan3A_3 : i32
    %scan3A_5 = arith.constant 1 : i32
    %scan3A_6 = scf.for %scan3A_70 = %scan3A_2 to %scan3A_4 step %scan3A_5 iter_args(%scan3A_71 = %scan3A) -> (i32)  : i32 {
      %swap3A = arith.index_cast %scan3A_70 : i32 to index
      %swap3A_72 = arith.constant 0 : index
      %swap3A_73 = tpu.vector_load %arg10[%swap3A, %swap3A_72] {strides = array<i32>} : memref<80x128xf32, #tpu.memory_space<vmem>>, vector<1x16xf32>,
      %swap3A_74 = vector.shape_cast %swap3A_73 : vector<1x16xf32> to vector<16xf32>
      %swap3A_75 = vector.shape_cast %broadcast_in_dim3A_1 : vector<16xf32> to vector<1x16xf32>
      tpu.vector_store %arg10[%swap3A, %swap3A_72], %swap3A_75 {strides = array<i32>} : memref<80x128xf32, #tpu.memory_space<vmem>>, vector<1x16xf32>,
      %swap3A_76 = arith.index_cast %scan3A_70 : i32 to index
      %swap3A_77 = arith.constant 16 : index
      %swap3A_78 = tpu.vector_load %arg10[%swap3A_76, %swap3A_77] {strides = array<i32>} : memref<80x128xf32, #tpu.memory_space<vmem>>, vector<1x16xf32>,
      %swap3A_79 = vector.shape_cast %swap3A_78 : vector<1x16xf32> to vector<16xf32>
      %swap3A_80 = vector.shape_cast %broadcast_in_dim3A_1 : vector<16xf32> to vector<1x16xf32>
      tpu.vector_store %arg10[%swap3A_76, %swap3A_77], %swap3A_80 {strides = array<i32>} : memref<80x128xf32, #tpu.memory_space<vmem>>, vector<1x16xf32>,
      %swap3A_81 = arith.index_cast %scan3A_70 : i32 to index
      %swap3A_82 = arith.constant 32 : index
      %swap3A_83 = tpu.vector_load %arg10[%swap3A_81, %swap3A_82] {strides = array<i32>} : memref<80x128xf32, #tpu.memory_space<vmem>>, vector<1x16xf32>,
      %swap3A_84 = vector.shape_cast %swap3A_83 : vector<1x16xf32> to vector<16xf32>
      %swap3A_85 = vector.shape_cast %broadcast_in_dim3A_1 : vector<16xf32> to vector<1x16xf32>
      tpu.vector_store %arg10[%swap3A_81, %swap3A_82], %swap3A_85 {strides = array<i32>} : memref<80x128xf32, #tpu.memory_space<vmem>>, vector<1x16xf32>,
      %swap3A_86 = arith.index_cast %scan3A_70 : i32 to index
      %swap3A_87 = arith.constant 48 : index
      %swap3A_88 = tpu.vector_load %arg10[%swap3A_86, %swap3A_87] {strides = array<i32>} : memref<80x128xf32, #tpu.memory_space<vmem>>, vector<1x16xf32>,
      %swap3A_89 = vector.shape_cast %swap3A_88 : vector<1x16xf32> to vector<16xf32>
      %swap3A_90 = vector.shape_cast %broadcast_in_dim3A_1 : vector<16xf32> to vector<1x16xf32>
      tpu.vector_store %arg10[%swap3A_86, %swap3A_87], %swap3A_90 {strides = array<i32>} : memref<80x128xf32, #tpu.memory_space<vmem>>, vector<1x16xf32>,
      %swap3A_91 = arith.index_cast %scan3A_70 : i32 to index
      %swap3A_92 = arith.constant 64 : index
      %swap3A_93 = tpu.vector_load %arg10[%swap3A_91, %swap3A_92] {strides = array<i32>} : memref<80x128xf32, #tpu.memory_space<vmem>>, vector<1x16xf32>,
      %swap3A_94 = vector.shape_cast %swap3A_93 : vector<1x16xf32> to vector<16xf32>
      %swap3A_95 = vector.shape_cast %broadcast_in_dim3A_1 : vector<16xf32> to vector<1x16xf32>
      tpu.vector_store %arg10[%swap3A_91, %swap3A_92], %swap3A_95 {strides = array<i32>} : memref<80x128xf32, #tpu.memory_space<vmem>>, vector<1x16xf32>,
      %swap3A_96 = arith.index_cast %scan3A_70 : i32 to index
      %swap3A_97 = arith.constant 80 : index
      %swap3A_98 = tpu.vector_load %arg10[%swap3A_96, %swap3A_97] {strides = array<i32>} : memref<80x128xf32, #tpu.memory_space<vmem>>, vector<1x16xf32>,
      %swap3A_99 = vector.shape_cast %swap3A_98 : vector<1x16xf32> to vector<16xf32>
      %swap3A_100 = vector.shape_cast %broadcast_in_dim3A_1 : vector<16xf32> to vector<1x16xf32>
      tpu.vector_store %arg10[%swap3A_96, %swap3A_97], %swap3A_100 {strides = array<i32>} : memref<80x128xf32, #tpu.memory_space<vmem>>, vector<1x16xf32>,
      %swap3A_101 = arith.index_cast %scan3A_70 : i32 to index
      %swap3A_102 = arith.constant 96 : index
      %swap3A_103 = tpu.vector_load %arg10[%swap3A_101, %swap3A_102] {strides = array<i32>} : memref<80x128xf32, #tpu.memory_space<vmem>>, vector<1x16xf32>,
      %swap3A_104 = vector.shape_cast %swap3A_103 : vector<1x16xf32> to vector<16xf32>
      %swap3A_105 = vector.shape_cast %broadcast_in_dim3A_1 : vector<16xf32> to vector<1x16xf32>
      tpu.vector_store %arg10[%swap3A_101, %swap3A_102], %swap3A_105 {strides = array<i32>} : memref<80x128xf32, #tpu.memory_space<vmem>>, vector<1x16xf32>,
      %swap3A_106 = arith.index_cast %scan3A_70 : i32 to index
      %swap3A_107 = arith.constant 112 : index
      %swap3A_108 = tpu.vector_load %arg10[%swap3A_106, %swap3A_107] {strides = array<i32>} : memref<80x128xf32, #tpu.memory_space<vmem>>, vector<1x16xf32>,
      %swap3A_109 = vector.shape_cast %swap3A_108 : vector<1x16xf32> to vector<16xf32>
      %swap3A_110 = vector.shape_cast %broadcast_in_dim3A_1 : vector<16xf32> to vector<1x16xf32>
      tpu.vector_store %arg10[%swap3A_106, %swap3A_107], %swap3A_110 {strides = array<i32>} : memref<80x128xf32, #tpu.memory_space<vmem>>, vector<1x16xf32>,
      %scan3A_111 = arith.constant 0 : i32
      scf.yield %scan3A_111 : i32
    }
    %scan3A_7 = arith.constant 80 : i32
    %mul3A_8 = arith.constant 10000 : i32
    %mul3A_9 = arith.muli %add3A, %mul3A_8 : i32
    "tpu.region"() ({
      %run_scoped3A_70 = tpu.sem_alloc : memref<!tpu.dma_semaphore, #tpu.memory_space<semaphore_mem>>
      %dma_start3A_71 = tpu.memref_slice %arg3[%mul3A_9] : memref<320000xi32, #tpu.memory_space<hbm>> -> memref<10000xi32, #tpu.memory_space<hbm>>
      %dma_start3A_72 = tpu.memref_slice %arg3[%mul3A_9] : memref<320000xi32, #tpu.memory_space<hbm>> -> memref<10000xi32, #tpu.memory_space<hbm>>
      tpu.enqueue_dma source(%dma_start3A_72 : memref<10000xi32, #tpu.memory_space<hbm>>) target(%arg8 : memref<10000xi32, #tpu.memory_space<vmem>>) target_semaphore(%run_scoped3A_70 : memref<!tpu.dma_semaphore, #tpu.memory_space<semaphore_mem>>)
      %dma_wait3A_73 = tpu.memref_slice %arg3[%mul3A_9] : memref<320000xi32, #tpu.memory_space<hbm>> -> memref<10000xi32, #tpu.memory_space<hbm>>
      %dma_wait3A_74 = tpu.memref_slice %arg3[%mul3A_9] : memref<320000xi32, #tpu.memory_space<hbm>> -> memref<10000xi32, #tpu.memory_space<hbm>>
      tpu.wait_dma2 semaphore(%run_scoped3A_70 : memref<!tpu.dma_semaphore, #tpu.memory_space<semaphore_mem>>) src(%dma_wait3A_74 : memref<10000xi32, #tpu.memory_space<hbm>>) dst(%arg8 : memref<10000xi32, #tpu.memory_space<vmem>>)
      tpu.yield
    }) : () -> ()
    "tpu.region"() ({
      %run_scoped3A_70 = tpu.sem_alloc : memref<!tpu.dma_semaphore, #tpu.memory_space<semaphore_mem>>
      %dma_start3A_71 = arith.constant 0 : i32
      %dma_start3A_72 = arith.constant 0 : i32
      %dma_start3A_73 = tpu.memref_slice %arg4[%add3A, %dma_start3A_71, %dma_start3A_72] : memref<32x125x80xi32, #tpu.memory_space<hbm>> -> memref<1x125x80xi32, #tpu.memory_space<hbm>>
      %dma_start3A_74 = tpu.memref_squeeze %dma_start3A_73 : memref<1x125x80xi32, #tpu.memory_space<hbm>> -> memref<125x80xi32, #tpu.memory_space<hbm>>
      %dma_start3A_75 = arith.constant 0 : i32
      %dma_start3A_76 = arith.constant 0 : i32
      %dma_start3A_77 = tpu.memref_slice %arg4[%add3A, %dma_start3A_75, %dma_start3A_76] : memref<32x125x80xi32, #tpu.memory_space<hbm>> -> memref<1x125x80xi32, #tpu.memory_space<hbm>>
      %dma_start3A_78 = tpu.memref_squeeze %dma_start3A_77 : memref<1x125x80xi32, #tpu.memory_space<hbm>> -> memref<125x80xi32, #tpu.memory_space<hbm>>
      tpu.enqueue_dma source(%dma_start3A_78 : memref<125x80xi32, #tpu.memory_space<hbm>>) target(%arg9 : memref<125x80xi32, #tpu.memory_space<vmem>>) target_semaphore(%run_scoped3A_70 : memref<!tpu.dma_semaphore, #tpu.memory_space<semaphore_mem>>)
      %dma_wait3A_79 = arith.constant 0 : i32
      %dma_wait3A_80 = arith.constant 0 : i32
      %dma_wait3A_81 = tpu.memref_slice %arg4[%add3A, %dma_wait3A_79, %dma_wait3A_80] : memref<32x125x80xi32, #tpu.memory_space<hbm>> -> memref<1x125x80xi32, #tpu.memory_space<hbm>>
      %dma_wait3A_82 = tpu.memref_squeeze %dma_wait3A_81 : memref<1x125x80xi32, #tpu.memory_space<hbm>> -> memref<125x80xi32, #tpu.memory_space<hbm>>
      %dma_wait3A_83 = arith.constant 0 : i32
      %dma_wait3A_84 = arith.constant 0 : i32
      %dma_wait3A_85 = tpu.memref_slice %arg4[%add3A, %dma_wait3A_83, %dma_wait3A_84] : memref<32x125x80xi32, #tpu.memory_space<hbm>> -> memref<1x125x80xi32, #tpu.memory_space<hbm>>
      %dma_wait3A_86 = tpu.memref_squeeze %dma_wait3A_85 : memref<1x125x80xi32, #tpu.memory_space<hbm>> -> memref<125x80xi32, #tpu.memory_space<hbm>>
      tpu.wait_dma2 semaphore(%run_scoped3A_70 : memref<!tpu.dma_semaphore, #tpu.memory_space<semaphore_mem>>) src(%dma_wait3A_86 : memref<125x80xi32, #tpu.memory_space<hbm>>) dst(%arg9 : memref<125x80xi32, #tpu.memory_space<vmem>>)
      tpu.yield
    }) : () -> ()
    %mul3A_10 = arith.constant 640 : i32
    %mul3A_11 = arith.muli %arg1, %mul3A_10 : i32
    %add3A_12 = arith.constant 0 : i32
    %add3A_13 = arith.addi %mul3A_11, %add3A_12 : i32
    "tpu.region"() ({
      %run_scoped3A_70 = tpu.sem_alloc : memref<!tpu.dma_semaphore, #tpu.memory_space<semaphore_mem>>
      %dma_start3A_71 = arith.constant 0 : i32
      %dma_start3A_72 = tpu.memref_slice %arg7[%add3A_13, %dma_start3A_71] : memref<10240x128xf32, #tpu.memory_space<vmem_shared>> -> memref<80x128xf32, #tpu.memory_space<vmem_shared>>
      %dma_start3A_73 = arith.constant 0 : i32
      %dma_start3A_74 = tpu.memref_slice %arg7[%add3A_13, %dma_start3A_73] : memref<10240x128xf32, #tpu.memory_space<vmem_shared>> -> memref<80x128xf32, #tpu.memory_space<vmem_shared>>
      tpu.enqueue_dma source(%arg10 : memref<80x128xf32, #tpu.memory_space<vmem>>) target(%dma_start3A_74 : memref<80x128xf32, #tpu.memory_space<vmem_shared>>) target_semaphore(%run_scoped3A_70 : memref<!tpu.dma_semaphore, #tpu.memory_space<semaphore_mem>>)
      %dma_wait3A_75 = arith.constant 0 : i32
      %dma_wait3A_76 = tpu.memref_slice %arg7[%add3A_13, %dma_wait3A_75] : memref<10240x128xf32, #tpu.memory_space<vmem_shared>> -> memref<80x128xf32, #tpu.memory_space<vmem_shared>>
      %dma_wait3A_77 = arith.constant 0 : i32
      %dma_wait3A_78 = tpu.memref_slice %arg7[%add3A_13, %dma_wait3A_77] : memref<10240x128xf32, #tpu.memory_space<vmem_shared>> -> memref<80x128xf32, #tpu.memory_space<vmem_shared>>
      tpu.wait_dma2 semaphore(%run_scoped3A_70 : memref<!tpu.dma_semaphore, #tpu.memory_space<semaphore_mem>>) src(%arg10 : memref<80x128xf32, #tpu.memory_space<vmem>>) dst(%dma_wait3A_78 : memref<80x128xf32, #tpu.memory_space<vmem_shared>>)
      tpu.yield
    }) : () -> ()
    %mul3A_14 = arith.constant 640 : i32
    %mul3A_15 = arith.muli %arg1, %mul3A_14 : i32
    %add3A_16 = arith.constant 80 : i32
    %add3A_17 = arith.addi %mul3A_15, %add3A_16 : i32
    "tpu.region"() ({
      %run_scoped3A_70 = tpu.sem_alloc : memref<!tpu.dma_semaphore, #tpu.memory_space<semaphore_mem>>
      %dma_start3A_71 = arith.constant 0 : i32
      %dma_start3A_72 = tpu.memref_slice %arg7[%add3A_17, %dma_start3A_71] : memref<10240x128xf32, #tpu.memory_space<vmem_shared>> -> memref<80x128xf32, #tpu.memory_space<vmem_shared>>
      %dma_start3A_73 = arith.constant 0 : i32
      %dma_start3A_74 = tpu.memref_slice %arg7[%add3A_17, %dma_start3A_73] : memref<10240x128xf32, #tpu.memory_space<vmem_shared>> -> memref<80x128xf32, #tpu.memory_space<vmem_shared>>
      tpu.enqueue_dma source(%arg10 : memref<80x128xf32, #tpu.memory_space<vmem>>) target(%dma_start3A_74 : memref<80x128xf32, #tpu.memory_space<vmem_shared>>) target_semaphore(%run_scoped3A_70 : memref<!tpu.dma_semaphore, #tpu.memory_space<semaphore_mem>>)
      %dma_wait3A_75 = arith.constant 0 : i32
      %dma_wait3A_76 = tpu.memref_slice %arg7[%add3A_17, %dma_wait3A_75] : memref<10240x128xf32, #tpu.memory_space<vmem_shared>> -> memref<80x128xf32, #tpu.memory_space<vmem_shared>>
      %dma_wait3A_77 = arith.constant 0 : i32
      %dma_wait3A_78 = tpu.memref_slice %arg7[%add3A_17, %dma_wait3A_77] : memref<10240x128xf32, #tpu.memory_space<vmem_shared>> -> memref<80x128xf32, #tpu.memory_space<vmem_shared>>
      tpu.wait_dma2 semaphore(%run_scoped3A_70 : memref<!tpu.dma_semaphore, #tpu.memory_space<semaphore_mem>>) src(%arg10 : memref<80x128xf32, #tpu.memory_space<vmem>>) dst(%dma_wait3A_78 : memref<80x128xf32, #tpu.memory_space<vmem_shared>>)
      tpu.yield
    }) : () -> ()
    %mul3A_18 = arith.constant 640 : i32
    %mul3A_19 = arith.muli %arg1, %mul3A_18 : i32
    %add3A_20 = arith.constant 160 : i32
    %add3A_21 = arith.addi %mul3A_19, %add3A_20 : i32
    "tpu.region"() ({
      %run_scoped3A_70 = tpu.sem_alloc : memref<!tpu.dma_semaphore, #tpu.memory_space<semaphore_mem>>
      %dma_start3A_71 = arith.constant 0 : i32
      %dma_start3A_72 = tpu.memref_slice %arg7[%add3A_21, %dma_start3A_71] : memref<10240x128xf32, #tpu.memory_space<vmem_shared>> -> memref<80x128xf32, #tpu.memory_space<vmem_shared>>
      %dma_start3A_73 = arith.constant 0 : i32
      %dma_start3A_74 = tpu.memref_slice %arg7[%add3A_21, %dma_start3A_73] : memref<10240x128xf32, #tpu.memory_space<vmem_shared>> -> memref<80x128xf32, #tpu.memory_space<vmem_shared>>
      tpu.enqueue_dma source(%arg10 : memref<80x128xf32, #tpu.memory_space<vmem>>) target(%dma_start3A_74 : memref<80x128xf32, #tpu.memory_space<vmem_shared>>) target_semaphore(%run_scoped3A_70 : memref<!tpu.dma_semaphore, #tpu.memory_space<semaphore_mem>>)
      %dma_wait3A_75 = arith.constant 0 : i32
      %dma_wait3A_76 = tpu.memref_slice %arg7[%add3A_21, %dma_wait3A_75] : memref<10240x128xf32, #tpu.memory_space<vmem_shared>> -> memref<80x128xf32, #tpu.memory_space<vmem_shared>>
      %dma_wait3A_77 = arith.constant 0 : i32
      %dma_wait3A_78 = tpu.memref_slice %arg7[%add3A_21, %dma_wait3A_77] : memref<10240x128xf32, #tpu.memory_space<vmem_shared>> -> memref<80x128xf32, #tpu.memory_space<vmem_shared>>
      tpu.wait_dma2 semaphore(%run_scoped3A_70 : memref<!tpu.dma_semaphore, #tpu.memory_space<semaphore_mem>>) src(%arg10 : memref<80x128xf32, #tpu.memory_space<vmem>>) dst(%dma_wait3A_78 : memref<80x128xf32, #tpu.memory_space<vmem_shared>>)
      tpu.yield
    }) : () -> ()
    %mul3A_22 = arith.constant 640 : i32
    %mul3A_23 = arith.muli %arg1, %mul3A_22 : i32
    %add3A_24 = arith.constant 240 : i32
    %add3A_25 = arith.addi %mul3A_23, %add3A_24 : i32
    "tpu.region"() ({
      %run_scoped3A_70 = tpu.sem_alloc : memref<!tpu.dma_semaphore, #tpu.memory_space<semaphore_mem>>
      %dma_start3A_71 = arith.constant 0 : i32
      %dma_start3A_72 = tpu.memref_slice %arg7[%add3A_25, %dma_start3A_71] : memref<10240x128xf32, #tpu.memory_space<vmem_shared>> -> memref<80x128xf32, #tpu.memory_space<vmem_shared>>
      %dma_start3A_73 = arith.constant 0 : i32
      %dma_start3A_74 = tpu.memref_slice %arg7[%add3A_25, %dma_start3A_73] : memref<10240x128xf32, #tpu.memory_space<vmem_shared>> -> memref<80x128xf32, #tpu.memory_space<vmem_shared>>
      tpu.enqueue_dma source(%arg10 : memref<80x128xf32, #tpu.memory_space<vmem>>) target(%dma_start3A_74 : memref<80x128xf32, #tpu.memory_space<vmem_shared>>) target_semaphore(%run_scoped3A_70 : memref<!tpu.dma_semaphore, #tpu.memory_space<semaphore_mem>>)
      %dma_wait3A_75 = arith.constant 0 : i32
      %dma_wait3A_76 = tpu.memref_slice %arg7[%add3A_25, %dma_wait3A_75] : memref<10240x128xf32, #tpu.memory_space<vmem_shared>> -> memref<80x128xf32, #tpu.memory_space<vmem_shared>>
      %dma_wait3A_77 = arith.constant 0 : i32
      %dma_wait3A_78 = tpu.memref_slice %arg7[%add3A_25, %dma_wait3A_77] : memref<10240x128xf32, #tpu.memory_space<vmem_shared>> -> memref<80x128xf32, #tpu.memory_space<vmem_shared>>
      tpu.wait_dma2 semaphore(%run_scoped3A_70 : memref<!tpu.dma_semaphore, #tpu.memory_space<semaphore_mem>>) src(%arg10 : memref<80x128xf32, #tpu.memory_space<vmem>>) dst(%dma_wait3A_78 : memref<80x128xf32, #tpu.memory_space<vmem_shared>>)
      tpu.yield
    }) : () -> ()
    %mul3A_26 = arith.constant 640 : i32
    %mul3A_27 = arith.muli %arg1, %mul3A_26 : i32
    %add3A_28 = arith.constant 320 : i32
    %add3A_29 = arith.addi %mul3A_27, %add3A_28 : i32
    "tpu.region"() ({
      %run_scoped3A_70 = tpu.sem_alloc : memref<!tpu.dma_semaphore, #tpu.memory_space<semaphore_mem>>
      %dma_start3A_71 = arith.constant 0 : i32
      %dma_start3A_72 = tpu.memref_slice %arg7[%add3A_29, %dma_start3A_71] : memref<10240x128xf32, #tpu.memory_space<vmem_shared>> -> memref<80x128xf32, #tpu.memory_space<vmem_shared>>
      %dma_start3A_73 = arith.constant 0 : i32
      %dma_start3A_74 = tpu.memref_slice %arg7[%add3A_29, %dma_start3A_73] : memref<10240x128xf32, #tpu.memory_space<vmem_shared>> -> memref<80x128xf32, #tpu.memory_space<vmem_shared>>
      tpu.enqueue_dma source(%arg10 : memref<80x128xf32, #tpu.memory_space<vmem>>) target(%dma_start3A_74 : memref<80x128xf32, #tpu.memory_space<vmem_shared>>) target_semaphore(%run_scoped3A_70 : memref<!tpu.dma_semaphore, #tpu.memory_space<semaphore_mem>>)
      %dma_wait3A_75 = arith.constant 0 : i32
      %dma_wait3A_76 = tpu.memref_slice %arg7[%add3A_29, %dma_wait3A_75] : memref<10240x128xf32, #tpu.memory_space<vmem_shared>> -> memref<80x128xf32, #tpu.memory_space<vmem_shared>>
      %dma_wait3A_77 = arith.constant 0 : i32
      %dma_wait3A_78 = tpu.memref_slice %arg7[%add3A_29, %dma_wait3A_77] : memref<10240x128xf32, #tpu.memory_space<vmem_shared>> -> memref<80x128xf32, #tpu.memory_space<vmem_shared>>
      tpu.wait_dma2 semaphore(%run_scoped3A_70 : memref<!tpu.dma_semaphore, #tpu.memory_space<semaphore_mem>>) src(%arg10 : memref<80x128xf32, #tpu.memory_space<vmem>>) dst(%dma_wait3A_78 : memref<80x128xf32, #tpu.memory_space<vmem_shared>>)
      tpu.yield
    }) : () -> ()
    %mul3A_30 = arith.constant 640 : i32
    %mul3A_31 = arith.muli %arg1, %mul3A_30 : i32
    %add3A_32 = arith.constant 400 : i32
    %add3A_33 = arith.addi %mul3A_31, %add3A_32 : i32
    "tpu.region"() ({
      %run_scoped3A_70 = tpu.sem_alloc : memref<!tpu.dma_semaphore, #tpu.memory_space<semaphore_mem>>
      %dma_start3A_71 = arith.constant 0 : i32
      %dma_start3A_72 = tpu.memref_slice %arg7[%add3A_33, %dma_start3A_71] : memref<10240x128xf32, #tpu.memory_space<vmem_shared>> -> memref<80x128xf32, #tpu.memory_space<vmem_shared>>
      %dma_start3A_73 = arith.constant 0 : i32
      %dma_start3A_74 = tpu.memref_slice %arg7[%add3A_33, %dma_start3A_73] : memref<10240x128xf32, #tpu.memory_space<vmem_shared>> -> memref<80x128xf32, #tpu.memory_space<vmem_shared>>
      tpu.enqueue_dma source(%arg10 : memref<80x128xf32, #tpu.memory_space<vmem>>) target(%dma_start3A_74 : memref<80x128xf32, #tpu.memory_space<vmem_shared>>) target_semaphore(%run_scoped3A_70 : memref<!tpu.dma_semaphore, #tpu.memory_space<semaphore_mem>>)
      %dma_wait3A_75 = arith.constant 0 : i32
      %dma_wait3A_76 = tpu.memref_slice %arg7[%add3A_33, %dma_wait3A_75] : memref<10240x128xf32, #tpu.memory_space<vmem_shared>> -> memref<80x128xf32, #tpu.memory_space<vmem_shared>>
      %dma_wait3A_77 = arith.constant 0 : i32
      %dma_wait3A_78 = tpu.memref_slice %arg7[%add3A_33, %dma_wait3A_77] : memref<10240x128xf32, #tpu.memory_space<vmem_shared>> -> memref<80x128xf32, #tpu.memory_space<vmem_shared>>
      tpu.wait_dma2 semaphore(%run_scoped3A_70 : memref<!tpu.dma_semaphore, #tpu.memory_space<semaphore_mem>>) src(%arg10 : memref<80x128xf32, #tpu.memory_space<vmem>>) dst(%dma_wait3A_78 : memref<80x128xf32, #tpu.memory_space<vmem_shared>>)
      tpu.yield
    }) : () -> ()
    %mul3A_34 = arith.constant 640 : i32
    %mul3A_35 = arith.muli %arg1, %mul3A_34 : i32
    %add3A_36 = arith.constant 480 : i32
    %add3A_37 = arith.addi %mul3A_35, %add3A_36 : i32
    "tpu.region"() ({
      %run_scoped3A_70 = tpu.sem_alloc : memref<!tpu.dma_semaphore, #tpu.memory_space<semaphore_mem>>
      %dma_start3A_71 = arith.constant 0 : i32
      %dma_start3A_72 = tpu.memref_slice %arg7[%add3A_37, %dma_start3A_71] : memref<10240x128xf32, #tpu.memory_space<vmem_shared>> -> memref<80x128xf32, #tpu.memory_space<vmem_shared>>
      %dma_start3A_73 = arith.constant 0 : i32
      %dma_start3A_74 = tpu.memref_slice %arg7[%add3A_37, %dma_start3A_73] : memref<10240x128xf32, #tpu.memory_space<vmem_shared>> -> memref<80x128xf32, #tpu.memory_space<vmem_shared>>
      tpu.enqueue_dma source(%arg10 : memref<80x128xf32, #tpu.memory_space<vmem>>) target(%dma_start3A_74 : memref<80x128xf32, #tpu.memory_space<vmem_shared>>) target_semaphore(%run_scoped3A_70 : memref<!tpu.dma_semaphore, #tpu.memory_space<semaphore_mem>>)
      %dma_wait3A_75 = arith.constant 0 : i32
      %dma_wait3A_76 = tpu.memref_slice %arg7[%add3A_37, %dma_wait3A_75] : memref<10240x128xf32, #tpu.memory_space<vmem_shared>> -> memref<80x128xf32, #tpu.memory_space<vmem_shared>>
      %dma_wait3A_77 = arith.constant 0 : i32
      %dma_wait3A_78 = tpu.memref_slice %arg7[%add3A_37, %dma_wait3A_77] : memref<10240x128xf32, #tpu.memory_space<vmem_shared>> -> memref<80x128xf32, #tpu.memory_space<vmem_shared>>
      tpu.wait_dma2 semaphore(%run_scoped3A_70 : memref<!tpu.dma_semaphore, #tpu.memory_space<semaphore_mem>>) src(%arg10 : memref<80x128xf32, #tpu.memory_space<vmem>>) dst(%dma_wait3A_78 : memref<80x128xf32, #tpu.memory_space<vmem_shared>>)
      tpu.yield
    }) : () -> ()
    %mul3A_38 = arith.constant 640 : i32
    %mul3A_39 = arith.muli %arg1, %mul3A_38 : i32
    %add3A_40 = arith.constant 560 : i32
    %add3A_41 = arith.addi %mul3A_39, %add3A_40 : i32
    "tpu.region"() ({
      %run_scoped3A_70 = tpu.sem_alloc : memref<!tpu.dma_semaphore, #tpu.memory_space<semaphore_mem>>
      %dma_start3A_71 = arith.constant 0 : i32
      %dma_start3A_72 = tpu.memref_slice %arg7[%add3A_41, %dma_start3A_71] : memref<10240x128xf32, #tpu.memory_space<vmem_shared>> -> memref<80x128xf32, #tpu.memory_space<vmem_shared>>
      %dma_start3A_73 = arith.constant 0 : i32
      %dma_start3A_74 = tpu.memref_slice %arg7[%add3A_41, %dma_start3A_73] : memref<10240x128xf32, #tpu.memory_space<vmem_shared>> -> memref<80x128xf32, #tpu.memory_space<vmem_shared>>
      tpu.enqueue_dma source(%arg10 : memref<80x128xf32, #tpu.memory_space<vmem>>) target(%dma_start3A_74 : memref<80x128xf32, #tpu.memory_space<vmem_shared>>) target_semaphore(%run_scoped3A_70 : memref<!tpu.dma_semaphore, #tpu.memory_space<semaphore_mem>>)
      %dma_wait3A_75 = arith.constant 0 : i32
      %dma_wait3A_76 = tpu.memref_slice %arg7[%add3A_41, %dma_wait3A_75] : memref<10240x128xf32, #tpu.memory_space<vmem_shared>> -> memref<80x128xf32, #tpu.memory_space<vmem_shared>>
      %dma_wait3A_77 = arith.constant 0 : i32
      %dma_wait3A_78 = tpu.memref_slice %arg7[%add3A_41, %dma_wait3A_77] : memref<10240x128xf32, #tpu.memory_space<vmem_shared>> -> memref<80x128xf32, #tpu.memory_space<vmem_shared>>
      tpu.wait_dma2 semaphore(%run_scoped3A_70 : memref<!tpu.dma_semaphore, #tpu.memory_space<semaphore_mem>>) src(%arg10 : memref<80x128xf32, #tpu.memory_space<vmem>>) dst(%dma_wait3A_78 : memref<80x128xf32, #tpu.memory_space<vmem_shared>>)
      tpu.yield
    }) : () -> ()
    %barrier3A = arith.constant 0 : index
    tpu.barrier barrier_id(%barrier3A)
    %dma_start3A = arith.constant 0 : i32
    %dma_start3A_42 = tpu.memref_slice %arg8[%dma_start3A] : memref<10000xi32, #tpu.memory_space<vmem>> -> memref<80xi32, #tpu.memory_space<vmem>>
    %dma_start3A_43 = arith.constant 0 : i32
    %dma_start3A_44 = arith.constant 0 : i32
    %dma_start3A_45 = tpu.memref_slice %arg2[%dma_start3A_43, %dma_start3A_44] : memref<10240x128xf32, #tpu.memory_space<hbm>> -> memref<10240x128xf32, #tpu.memory_space<hbm>>
    tpu.enqueue_indirect_dma source(%dma_start3A_45 : memref<10240x128xf32, #tpu.memory_space<hbm>>) target(%arg10 : memref<80x128xf32, #tpu.memory_space<vmem>>) offsets(%dma_start3A_42 : memref<80xi32, #tpu.memory_space<vmem>>) semaphore(%arg12 : memref<!tpu.dma_semaphore, #tpu.memory_space<semaphore_mem>>)
    %dma_start3A_46 = arith.constant 80 : i32
    %dma_start3A_47 = tpu.memref_slice %arg8[%dma_start3A_46] : memref<10000xi32, #tpu.memory_space<vmem>> -> memref<80xi32, #tpu.memory_space<vmem>>
    %dma_start3A_48 = arith.constant 0 : i32
    %dma_start3A_49 = arith.constant 0 : i32
    %dma_start3A_50 = tpu.memref_slice %arg2[%dma_start3A_48, %dma_start3A_49] : memref<10240x128xf32, #tpu.memory_space<hbm>> -> memref<10240x128xf32, #tpu.memory_space<hbm>>
    tpu.enqueue_indirect_dma source(%dma_start3A_50 : memref<10240x128xf32, #tpu.memory_space<hbm>>) target(%arg11 : memref<80x128xf32, #tpu.memory_space<vmem>>) offsets(%dma_start3A_47 : memref<80xi32, #tpu.memory_space<vmem>>) semaphore(%arg13 : memref<!tpu.dma_semaphore, #tpu.memory_space<semaphore_mem>>)
    %scan3A_51 = arith.constant 0 : i32
    %scan3A_52 = arith.constant 0 : i32
    %scan3A_53 = arith.constant 62 : i32
    %scan3A_54 = arith.addi %scan3A_52, %scan3A_53 : i32
    %scan3A_55 = arith.constant 1 : i32
    %scan3A_56 = scf.for %scan3A_70 = %scan3A_52 to %scan3A_54 step %scan3A_55 iter_args(%scan3A_71 = %scan3A_51) -> (i32)  : i32 {
      %mul3A_72 = arith.constant 2 : i32
      %mul3A_73 = arith.muli %mul3A_72, %scan3A_70 : i32
      %mul3A_74 = arith.constant 80 : i32
      %mul3A_75 = arith.muli %mul3A_73, %mul3A_74 : i32
      %dma_wait3A_76 = tpu.memref_slice %arg8[%mul3A_75] : memref<10000xi32, #tpu.memory_space<vmem>> -> memref<80xi32, #tpu.memory_space<vmem>>
      %dma_wait3A_77 = arith.constant 0 : i32
      %dma_wait3A_78 = arith.constant 0 : i32
      %dma_wait3A_79 = tpu.memref_slice %arg2[%dma_wait3A_77, %dma_wait3A_78] : memref<10240x128xf32, #tpu.memory_space<hbm>> -> memref<10240x128xf32, #tpu.memory_space<hbm>>
      tpu.wait_indirect_dma semaphore(%arg12 : memref<!tpu.dma_semaphore, #tpu.memory_space<semaphore_mem>>) src(%dma_wait3A_79 : memref<10240x128xf32, #tpu.memory_space<hbm>>) dst(%arg10 : memref<80x128xf32, #tpu.memory_space<vmem>>)
      "tpu.region"() ({
        %run_scoped3A_103 = tpu.sem_alloc : memref<!tpu.dma_semaphore, #tpu.memory_space<semaphore_mem>>
        %dma_start3A_104 = arith.constant 0 : i32
        %dma_start3A_105 = tpu.memref_slice %arg9[%mul3A_73, %dma_start3A_104] : memref<125x80xi32, #tpu.memory_space<vmem>> -> memref<1x80xi32, #tpu.memory_space<vmem>>
        %dma_start3A_106 = tpu.memref_squeeze %dma_start3A_105 : memref<1x80xi32, #tpu.memory_space<vmem>> -> memref<80xi32, #tpu.memory_space<vmem>>
        %dma_start3A_107 = arith.constant 0 : i32
        %dma_start3A_108 = arith.constant 0 : i32
        %dma_start3A_109 = tpu.memref_slice %arg7[%dma_start3A_107, %dma_start3A_108] : memref<10240x128xf32, #tpu.memory_space<vmem_shared>> -> memref<10240x128xf32, #tpu.memory_space<vmem_shared>>
        tpu.enqueue_indirect_dma source(%arg10 : memref<80x128xf32, #tpu.memory_space<vmem>>) target(%dma_start3A_109 : memref<10240x128xf32, #tpu.memory_space<vmem_shared>>) offsets(%dma_start3A_106 : memref<80xi32, #tpu.memory_space<vmem>>) semaphore(%run_scoped3A_103 : memref<!tpu.dma_semaphore, #tpu.memory_space<semaphore_mem>>) {add = true}
        %dma_wait3A_110 = arith.constant 0 : i32
        %dma_wait3A_111 = tpu.memref_slice %arg9[%mul3A_73, %dma_wait3A_110] : memref<125x80xi32, #tpu.memory_space<vmem>> -> memref<1x80xi32, #tpu.memory_space<vmem>>
        %dma_wait3A_112 = tpu.memref_squeeze %dma_wait3A_111 : memref<1x80xi32, #tpu.memory_space<vmem>> -> memref<80xi32, #tpu.memory_space<vmem>>
        %dma_wait3A_113 = arith.constant 0 : i32
        %dma_wait3A_114 = arith.constant 0 : i32
        %dma_wait3A_115 = tpu.memref_slice %arg7[%dma_wait3A_113, %dma_wait3A_114] : memref<10240x128xf32, #tpu.memory_space<vmem_shared>> -> memref<10240x128xf32, #tpu.memory_space<vmem_shared>>
        tpu.wait_indirect_dma semaphore(%run_scoped3A_103 : memref<!tpu.dma_semaphore, #tpu.memory_space<semaphore_mem>>) src(%arg10 : memref<80x128xf32, #tpu.memory_space<vmem>>) dst(%dma_wait3A_115 : memref<10240x128xf32, #tpu.memory_space<vmem_shared>>)
        tpu.yield
      }) : () -> ()
      %add3A_80 = arith.constant 2 : i32
      %add3A_81 = arith.addi %mul3A_73, %add3A_80 : i32
      %mul3A_82 = arith.constant 80 : i32
      %mul3A_83 = arith.muli %add3A_81, %mul3A_82 : i32
      %dma_start3A_84 = tpu.memref_slice %arg8[%mul3A_83] : memref<10000xi32, #tpu.memory_space<vmem>> -> memref<80xi32, #tpu.memory_space<vmem>>
      %dma_start3A_85 = arith.constant 0 : i32
      %dma_start3A_86 = arith.constant 0 : i32
      %dma_start3A_87 = tpu.memref_slice %arg2[%dma_start3A_85, %dma_start3A_86] : memref<10240x128xf32, #tpu.memory_space<hbm>> -> memref<10240x128xf32, #tpu.memory_space<hbm>>
      tpu.enqueue_indirect_dma source(%dma_start3A_87 : memref<10240x128xf32, #tpu.memory_space<hbm>>) target(%arg10 : memref<80x128xf32, #tpu.memory_space<vmem>>) offsets(%dma_start3A_84 : memref<80xi32, #tpu.memory_space<vmem>>) semaphore(%arg12 : memref<!tpu.dma_semaphore, #tpu.memory_space<semaphore_mem>>)
      %add3A_88 = arith.constant 1 : i32
      %add3A_89 = arith.addi %mul3A_73, %add3A_88 : i32
      %mul3A_90 = arith.constant 80 : i32
      %mul3A_91 = arith.muli %add3A_89, %mul3A_90 : i32
      %dma_wait3A_92 = tpu.memref_slice %arg8[%mul3A_91] : memref<10000xi32, #tpu.memory_space<vmem>> -> memref<80xi32, #tpu.memory_space<vmem>>
      %dma_wait3A_93 = arith.constant 0 : i32
      %dma_wait3A_94 = arith.constant 0 : i32
      %dma_wait3A_95 = tpu.memref_slice %arg2[%dma_wait3A_93, %dma_wait3A_94] : memref<10240x128xf32, #tpu.memory_space<hbm>> -> memref<10240x128xf32, #tpu.memory_space<hbm>>
      tpu.wait_indirect_dma semaphore(%arg13 : memref<!tpu.dma_semaphore, #tpu.memory_space<semaphore_mem>>) src(%dma_wait3A_95 : memref<10240x128xf32, #tpu.memory_space<hbm>>) dst(%arg11 : memref<80x128xf32, #tpu.memory_space<vmem>>)
      %add3A_96 = arith.constant 1 : i32
      %add3A_97 = arith.addi %mul3A_73, %add3A_96 : i32
      "tpu.region"() ({
        %run_scoped3A_103 = tpu.sem_alloc : memref<!tpu.dma_semaphore, #tpu.memory_space<semaphore_mem>>
        %dma_start3A_104 = arith.constant 0 : i32
        %dma_start3A_105 = tpu.memref_slice %arg9[%add3A_97, %dma_start3A_104] : memref<125x80xi32, #tpu.memory_space<vmem>> -> memref<1x80xi32, #tpu.memory_space<vmem>>
        %dma_start3A_106 = tpu.memref_squeeze %dma_start3A_105 : memref<1x80xi32, #tpu.memory_space<vmem>> -> memref<80xi32, #tpu.memory_space<vmem>>
        %dma_start3A_107 = arith.constant 0 : i32
        %dma_start3A_108 = arith.constant 0 : i32
        %dma_start3A_109 = tpu.memref_slice %arg7[%dma_start3A_107, %dma_start3A_108] : memref<10240x128xf32, #tpu.memory_space<vmem_shared>> -> memref<10240x128xf32, #tpu.memory_space<vmem_shared>>
        tpu.enqueue_indirect_dma source(%arg11 : memref<80x128xf32, #tpu.memory_space<vmem>>) target(%dma_start3A_109 : memref<10240x128xf32, #tpu.memory_space<vmem_shared>>) offsets(%dma_start3A_106 : memref<80xi32, #tpu.memory_space<vmem>>) semaphore(%run_scoped3A_103 : memref<!tpu.dma_semaphore, #tpu.memory_space<semaphore_mem>>) {add = true}
        %dma_wait3A_110 = arith.constant 0 : i32
        %dma_wait3A_111 = tpu.memref_slice %arg9[%add3A_97, %dma_wait3A_110] : memref<125x80xi32, #tpu.memory_space<vmem>> -> memref<1x80xi32, #tpu.memory_space<vmem>>
        %dma_wait3A_112 = tpu.memref_squeeze %dma_wait3A_111 : memref<1x80xi32, #tpu.memory_space<vmem>> -> memref<80xi32, #tpu.memory_space<vmem>>
        %dma_wait3A_113 = arith.constant 0 : i32
        %dma_wait3A_114 = arith.constant 0 : i32
        %dma_wait3A_115 = tpu.memref_slice %arg7[%dma_wait3A_113, %dma_wait3A_114] : memref<10240x128xf32, #tpu.memory_space<vmem_shared>> -> memref<10240x128xf32, #tpu.memory_space<vmem_shared>>
        tpu.wait_indirect_dma semaphore(%run_scoped3A_103 : memref<!tpu.dma_semaphore, #tpu.memory_space<semaphore_mem>>) src(%arg11 : memref<80x128xf32, #tpu.memory_space<vmem>>) dst(%dma_wait3A_115 : memref<10240x128xf32, #tpu.memory_space<vmem_shared>>)
        tpu.yield
      }) : () -> ()
      %lt3A = arith.constant 61 : i32
      %lt3A_98 = arith.cmpi slt, %scan3A_70, %lt3A : i32
      %convert_element_type3A_99 = arith.extui %lt3A_98 : i1 to i32
      %cond3A_100 = arith.constant 0 : i32
      %cond3A_101 = arith.cmpi ne, %convert_element_type3A_99, %cond3A_100 : i32
      scf.if %cond3A_101 {
        %add3A_103 = arith.constant 3 : i32
        %add3A_104 = arith.addi %mul3A_73, %add3A_103 : i32
        %mul3A_105 = arith.constant 80 : i32
        %mul3A_106 = arith.muli %add3A_104, %mul3A_105 : i32
        %dma_start3A_107 = tpu.memref_slice %arg8[%mul3A_106] : memref<10000xi32, #tpu.memory_space<vmem>> -> memref<80xi32, #tpu.memory_space<vmem>>
        %dma_start3A_108 = arith.constant 0 : i32
        %dma_start3A_109 = arith.constant 0 : i32
        %dma_start3A_110 = tpu.memref_slice %arg2[%dma_start3A_108, %dma_start3A_109] : memref<10240x128xf32, #tpu.memory_space<hbm>> -> memref<10240x128xf32, #tpu.memory_space<hbm>>
        tpu.enqueue_indirect_dma source(%dma_start3A_110 : memref<10240x128xf32, #tpu.memory_space<hbm>>) target(%arg11 : memref<80x128xf32, #tpu.memory_space<vmem>>) offsets(%dma_start3A_107 : memref<80xi32, #tpu.memory_space<vmem>>) semaphore(%arg13 : memref<!tpu.dma_semaphore, #tpu.memory_space<semaphore_mem>>)
      } else {
      }
      %scan3A_102 = arith.constant 0 : i32
      scf.yield %scan3A_102 : i32
    }
    %scan3A_57 = arith.constant 62 : i32
    %dma_wait3A = arith.constant 9920 : i32
    %dma_wait3A_58 = tpu.memref_slice %arg8[%dma_wait3A] : memref<10000xi32, #tpu.memory_space<vmem>> -> memref<80xi32, #tpu.memory_space<vmem>>
    %dma_wait3A_59 = arith.constant 0 : i32
    %dma_wait3A_60 = arith.constant 0 : i32
    %dma_wait3A_61 = tpu.memref_slice %arg2[%dma_wait3A_59, %dma_wait3A_60] : memref<10240x128xf32, #tpu.memory_space<hbm>> -> memref<10240x128xf32, #tpu.memory_space<hbm>>
    tpu.wait_indirect_dma semaphore(%arg12 : memref<!tpu.dma_semaphore, #tpu.memory_space<semaphore_mem>>) src(%dma_wait3A_61 : memref<10240x128xf32, #tpu.memory_space<hbm>>) dst(%arg10 : memref<80x128xf32, #tpu.memory_space<vmem>>)
    %run_scoped3A = arith.constant 124 : i32
    "tpu.region"() ({
      %run_scoped3A_70 = tpu.sem_alloc : memref<!tpu.dma_semaphore, #tpu.memory_space<semaphore_mem>>
      %dma_start3A_71 = arith.constant 0 : i32
      %dma_start3A_72 = tpu.memref_slice %arg9[%run_scoped3A, %dma_start3A_71] : memref<125x80xi32, #tpu.memory_space<vmem>> -> memref<1x80xi32, #tpu.memory_space<vmem>>
      %dma_start3A_73 = tpu.memref_squeeze %dma_start3A_72 : memref<1x80xi32, #tpu.memory_space<vmem>> -> memref<80xi32, #tpu.memory_space<vmem>>
      %dma_start3A_74 = arith.constant 0 : i32
      %dma_start3A_75 = arith.constant 0 : i32
      %dma_start3A_76 = tpu.memref_slice %arg7[%dma_start3A_74, %dma_start3A_75] : memref<10240x128xf32, #tpu.memory_space<vmem_shared>> -> memref<10240x128xf32, #tpu.memory_space<vmem_shared>>
      tpu.enqueue_indirect_dma source(%arg10 : memref<80x128xf32, #tpu.memory_space<vmem>>) target(%dma_start3A_76 : memref<10240x128xf32, #tpu.memory_space<vmem_shared>>) offsets(%dma_start3A_73 : memref<80xi32, #tpu.memory_space<vmem>>) semaphore(%run_scoped3A_70 : memref<!tpu.dma_semaphore, #tpu.memory_space<semaphore_mem>>) {add = true}
      %dma_wait3A_77 = arith.constant 0 : i32
      %dma_wait3A_78 = tpu.memref_slice %arg9[%run_scoped3A, %dma_wait3A_77] : memref<125x80xi32, #tpu.memory_space<vmem>> -> memref<1x80xi32, #tpu.memory_space<vmem>>
      %dma_wait3A_79 = tpu.memref_squeeze %dma_wait3A_78 : memref<1x80xi32, #tpu.memory_space<vmem>> -> memref<80xi32, #tpu.memory_space<vmem>>
      %dma_wait3A_80 = arith.constant 0 : i32
      %dma_wait3A_81 = arith.constant 0 : i32
      %dma_wait3A_82 = tpu.memref_slice %arg7[%dma_wait3A_80, %dma_wait3A_81] : memref<10240x128xf32, #tpu.memory_space<vmem_shared>> -> memref<10240x128xf32, #tpu.memory_space<vmem_shared>>
      tpu.wait_indirect_dma semaphore(%run_scoped3A_70 : memref<!tpu.dma_semaphore, #tpu.memory_space<semaphore_mem>>) src(%arg10 : memref<80x128xf32, #tpu.memory_space<vmem>>) dst(%dma_wait3A_82 : memref<10240x128xf32, #tpu.memory_space<vmem_shared>>)
      tpu.yield
    }) : () -> ()
    %barrier3A_62 = arith.constant 0 : index
    tpu.barrier barrier_id(%barrier3A_62)
    %eq3A = arith.constant 0 : i32
    %eq3A_63 = arith.cmpi eq, %arg0, %eq3A : i32
    %convert_element_type3A = arith.extui %eq3A_63 : i1 to i32
    %cond3A = arith.constant 0 : i32
    %cond3A_64 = arith.cmpi ne, %convert_element_type3A, %cond3A : i32
    scf.if %cond3A_64 {
      %mul3A_70 = arith.constant 640 : i32
      %mul3A_71 = arith.muli %arg1, %mul3A_70 : i32
      %mul3A_72 = arith.constant 640 : i32
      %mul3A_73 = arith.muli %arg1, %mul3A_72 : i32
      "tpu.region"() ({
        %run_scoped3A_74 = tpu.sem_alloc : memref<!tpu.dma_semaphore, #tpu.memory_space<semaphore_mem>>
        %dma_start3A_75 = arith.constant 0 : i32
        %dma_start3A_76 = tpu.memref_slice %arg5[%mul3A_73, %dma_start3A_75] : memref<10240x128xf32, #tpu.memory_space<hbm>> -> memref<640x128xf32, #tpu.memory_space<hbm>>
        %dma_start3A_77 = arith.constant 0 : i32
        %dma_start3A_78 = tpu.memref_slice %arg7[%mul3A_71, %dma_start3A_77] : memref<10240x128xf32, #tpu.memory_space<vmem_shared>> -> memref<640x128xf32, #tpu.memory_space<vmem_shared>>
        tpu.enqueue_dma source(%dma_start3A_78 : memref<640x128xf32, #tpu.memory_space<vmem_shared>>) target(%dma_start3A_76 : memref<640x128xf32, #tpu.memory_space<hbm>>) target_semaphore(%run_scoped3A_74 : memref<!tpu.dma_semaphore, #tpu.memory_space<semaphore_mem>>)
        %dma_wait3A_79 = arith.constant 0 : i32
        %dma_wait3A_80 = tpu.memref_slice %arg5[%mul3A_73, %dma_wait3A_79] : memref<10240x128xf32, #tpu.memory_space<hbm>> -> memref<640x128xf32, #tpu.memory_space<hbm>>
        %dma_wait3A_81 = arith.constant 0 : i32
        %dma_wait3A_82 = tpu.memref_slice %arg7[%mul3A_71, %dma_wait3A_81] : memref<10240x128xf32, #tpu.memory_space<vmem_shared>> -> memref<640x128xf32, #tpu.memory_space<vmem_shared>>
        tpu.wait_dma2 semaphore(%run_scoped3A_74 : memref<!tpu.dma_semaphore, #tpu.memory_space<semaphore_mem>>) src(%dma_wait3A_82 : memref<640x128xf32, #tpu.memory_space<vmem_shared>>) dst(%dma_wait3A_80 : memref<640x128xf32, #tpu.memory_space<hbm>>)
        tpu.yield
      }) : () -> ()
    } else {
    }
    %eq3A_65 = arith.constant 1 : i32
    %eq3A_66 = arith.cmpi eq, %arg0, %eq3A_65 : i32
    %convert_element_type3A_67 = arith.extui %eq3A_66 : i1 to i32
    %cond3A_68 = arith.constant 0 : i32
    %cond3A_69 = arith.cmpi ne, %convert_element_type3A_67, %cond3A_68 : i32
    scf.if %cond3A_69 {
      %mul3A_70 = arith.constant 640 : i32
      %mul3A_71 = arith.muli %arg1, %mul3A_70 : i32
      %mul3A_72 = arith.constant 640 : i32
      %mul3A_73 = arith.muli %arg1, %mul3A_72 : i32
      "tpu.region"() ({
        %run_scoped3A_74 = tpu.sem_alloc : memref<!tpu.dma_semaphore, #tpu.memory_space<semaphore_mem>>
        %dma_start3A_75 = arith.constant 0 : i32
        %dma_start3A_76 = tpu.memref_slice %arg6[%mul3A_73, %dma_start3A_75] : memref<10240x128xf32, #tpu.memory_space<hbm>> -> memref<640x128xf32, #tpu.memory_space<hbm>>
        %dma_start3A_77 = arith.constant 0 : i32
        %dma_start3A_78 = tpu.memref_slice %arg7[%mul3A_71, %dma_start3A_77] : memref<10240x128xf32, #tpu.memory_space<vmem_shared>> -> memref<640x128xf32, #tpu.memory_space<vmem_shared>>
        tpu.enqueue_dma source(%dma_start3A_78 : memref<640x128xf32, #tpu.memory_space<vmem_shared>>) target(%dma_start3A_76 : memref<640x128xf32, #tpu.memory_space<hbm>>) target_semaphore(%run_scoped3A_74 : memref<!tpu.dma_semaphore, #tpu.memory_space<semaphore_mem>>)
        %dma_wait3A_79 = arith.constant 0 : i32
        %dma_wait3A_80 = tpu.memref_slice %arg6[%mul3A_73, %dma_wait3A_79] : memref<10240x128xf32, #tpu.memory_space<hbm>> -> memref<640x128xf32, #tpu.memory_space<hbm>>
        %dma_wait3A_81 = arith.constant 0 : i32
        %dma_wait3A_82 = tpu.memref_slice %arg7[%mul3A_71, %dma_wait3A_81] : memref<10240x128xf32, #tpu.memory_space<vmem_shared>> -> memref<640x128xf32, #tpu.memory_space<vmem_shared>>
        tpu.wait_dma2 semaphore(%run_scoped3A_74 : memref<!tpu.dma_semaphore, #tpu.memory_space<semaphore_mem>>) src(%dma_wait3A_82 : memref<640x128xf32, #tpu.memory_space<vmem_shared>>) dst(%dma_wait3A_80 : memref<640x128xf32, #tpu.memory_space<hbm>>)
        tpu.yield
      }) : () -> ()
    } else {
    }
    return
  }
}

#map = affine_map<(d0, d1) -> (0, 0, 0)>
#map1 = affine_map<(d0, d1) -> (0, 0)>
module attributes {stable_mosaic.version = 14 : i64} {
  func.func @_sc_degree(%arg0: i32, %arg1: i32, %arg2: memref<32x125x80xi32, #tpu.memory_space<hbm>>, %arg3: memref<2x10240xf32, #tpu.memory_space<hbm>>, %arg4: memref<10240xf32, #tpu.memory_space<vmem_shared>>, %arg5: memref<125x80xi32, #tpu.memory_space<vmem>>, %arg6: memref<80xf32, #tpu.memory_space<vmem>>, %arg7: memref<640xf32, #tpu.memory_space<vmem>>) attributes {dimension_semantics = [#tpu.dimension_semantics<core_parallel>, #tpu.dimension_semantics<subcore_parallel>], iteration_bounds = array<i64: 2, 16>, scalar_prefetch = 0 : i64, scratch_operands = 4 : i64, tpu.core_type = #tpu.core_type<sc_vector_subcore>, window_params = [{transform_indices = #map}, {transform_indices = #map1}]} {
    %mul3A = arith.constant 2 : i32
    %mul3A_0 = arith.muli %arg1, %mul3A : i32
    %add3A = arith.addi %mul3A_0, %arg0 : i32
    %broadcast_in_dim3A = arith.constant 0.000000e+00 : f32
    %broadcast_in_dim3A_1 = vector.broadcast %broadcast_in_dim3A : f32 to vector<16xf32>
    %scan3A = arith.constant 0 : i32
    %scan3A_2 = arith.constant 0 : i32
    %scan3A_3 = arith.constant 40 : i32
    %scan3A_4 = arith.addi %scan3A_2, %scan3A_3 : i32
    %scan3A_5 = arith.constant 1 : i32
    %scan3A_6 = scf.for %scan3A_31 = %scan3A_2 to %scan3A_4 step %scan3A_5 iter_args(%scan3A_32 = %scan3A) -> (i32)  : i32 {
      %mul3A_33 = arith.constant 16 : i32
      %mul3A_34 = arith.muli %scan3A_31, %mul3A_33 : i32
      %swap3A = arith.index_cast %mul3A_34 : i32 to index
      %swap3A_35 = tpu.vector_load %arg7[%swap3A] {strides = array<i32>} : memref<640xf32, #tpu.memory_space<vmem>>, vector<16xf32>,
      %swap3A_36 = vector.shape_cast %swap3A_35 : vector<16xf32> to vector<16xf32>
      %swap3A_37 = vector.shape_cast %broadcast_in_dim3A_1 : vector<16xf32> to vector<16xf32>
      tpu.vector_store %arg7[%swap3A], %swap3A_37 {strides = array<i32>} : memref<640xf32, #tpu.memory_space<vmem>>, vector<16xf32>,
      %scan3A_38 = arith.constant 0 : i32
      scf.yield %scan3A_38 : i32
    }
    %scan3A_7 = arith.constant 40 : i32
    %broadcast_in_dim3A_8 = arith.constant 1.000000e+00 : f32
    %broadcast_in_dim3A_9 = vector.broadcast %broadcast_in_dim3A_8 : f32 to vector<16xf32>
    %scan3A_10 = arith.constant 0 : i32
    %scan3A_11 = arith.constant 0 : i32
    %scan3A_12 = arith.constant 5 : i32
    %scan3A_13 = arith.addi %scan3A_11, %scan3A_12 : i32
    %scan3A_14 = arith.constant 1 : i32
    %scan3A_15 = scf.for %scan3A_31 = %scan3A_11 to %scan3A_13 step %scan3A_14 iter_args(%scan3A_32 = %scan3A_10) -> (i32)  : i32 {
      %mul3A_33 = arith.constant 16 : i32
      %mul3A_34 = arith.muli %scan3A_31, %mul3A_33 : i32
      %swap3A = arith.index_cast %mul3A_34 : i32 to index
      %swap3A_35 = tpu.vector_load %arg6[%swap3A] {strides = array<i32>} : memref<80xf32, #tpu.memory_space<vmem>>, vector<16xf32>,
      %swap3A_36 = vector.shape_cast %swap3A_35 : vector<16xf32> to vector<16xf32>
      %swap3A_37 = vector.shape_cast %broadcast_in_dim3A_9 : vector<16xf32> to vector<16xf32>
      tpu.vector_store %arg6[%swap3A], %swap3A_37 {strides = array<i32>} : memref<80xf32, #tpu.memory_space<vmem>>, vector<16xf32>,
      %scan3A_38 = arith.constant 0 : i32
      scf.yield %scan3A_38 : i32
    }
    %scan3A_16 = arith.constant 5 : i32
    "tpu.region"() ({
      %run_scoped3A = tpu.sem_alloc : memref<!tpu.dma_semaphore, #tpu.memory_space<semaphore_mem>>
      %dma_start3A = arith.constant 0 : i32
      %dma_start3A_31 = arith.constant 0 : i32
      %dma_start3A_32 = tpu.memref_slice %arg2[%add3A, %dma_start3A, %dma_start3A_31] : memref<32x125x80xi32, #tpu.memory_space<hbm>> -> memref<1x125x80xi32, #tpu.memory_space<hbm>>
      %dma_start3A_33 = tpu.memref_squeeze %dma_start3A_32 : memref<1x125x80xi32, #tpu.memory_space<hbm>> -> memref<125x80xi32, #tpu.memory_space<hbm>>
      %dma_start3A_34 = arith.constant 0 : i32
      %dma_start3A_35 = arith.constant 0 : i32
      %dma_start3A_36 = tpu.memref_slice %arg2[%add3A, %dma_start3A_34, %dma_start3A_35] : memref<32x125x80xi32, #tpu.memory_space<hbm>> -> memref<1x125x80xi32, #tpu.memory_space<hbm>>
      %dma_start3A_37 = tpu.memref_squeeze %dma_start3A_36 : memref<1x125x80xi32, #tpu.memory_space<hbm>> -> memref<125x80xi32, #tpu.memory_space<hbm>>
      tpu.enqueue_dma source(%dma_start3A_37 : memref<125x80xi32, #tpu.memory_space<hbm>>) target(%arg5 : memref<125x80xi32, #tpu.memory_space<vmem>>) target_semaphore(%run_scoped3A : memref<!tpu.dma_semaphore, #tpu.memory_space<semaphore_mem>>)
      %dma_wait3A = arith.constant 0 : i32
      %dma_wait3A_38 = arith.constant 0 : i32
      %dma_wait3A_39 = tpu.memref_slice %arg2[%add3A, %dma_wait3A, %dma_wait3A_38] : memref<32x125x80xi32, #tpu.memory_space<hbm>> -> memref<1x125x80xi32, #tpu.memory_space<hbm>>
      %dma_wait3A_40 = tpu.memref_squeeze %dma_wait3A_39 : memref<1x125x80xi32, #tpu.memory_space<hbm>> -> memref<125x80xi32, #tpu.memory_space<hbm>>
      %dma_wait3A_41 = arith.constant 0 : i32
      %dma_wait3A_42 = arith.constant 0 : i32
      %dma_wait3A_43 = tpu.memref_slice %arg2[%add3A, %dma_wait3A_41, %dma_wait3A_42] : memref<32x125x80xi32, #tpu.memory_space<hbm>> -> memref<1x125x80xi32, #tpu.memory_space<hbm>>
      %dma_wait3A_44 = tpu.memref_squeeze %dma_wait3A_43 : memref<1x125x80xi32, #tpu.memory_space<hbm>> -> memref<125x80xi32, #tpu.memory_space<hbm>>
      tpu.wait_dma2 semaphore(%run_scoped3A : memref<!tpu.dma_semaphore, #tpu.memory_space<semaphore_mem>>) src(%dma_wait3A_44 : memref<125x80xi32, #tpu.memory_space<hbm>>) dst(%arg5 : memref<125x80xi32, #tpu.memory_space<vmem>>)
      tpu.yield
    }) : () -> ()
    %mul3A_17 = arith.constant 640 : i32
    %mul3A_18 = arith.muli %arg1, %mul3A_17 : i32
    "tpu.region"() ({
      %run_scoped3A = tpu.sem_alloc : memref<!tpu.dma_semaphore, #tpu.memory_space<semaphore_mem>>
      %dma_start3A = tpu.memref_slice %arg4[%mul3A_18] : memref<10240xf32, #tpu.memory_space<vmem_shared>> -> memref<640xf32, #tpu.memory_space<vmem_shared>>
      %dma_start3A_31 = tpu.memref_slice %arg4[%mul3A_18] : memref<10240xf32, #tpu.memory_space<vmem_shared>> -> memref<640xf32, #tpu.memory_space<vmem_shared>>
      tpu.enqueue_dma source(%arg7 : memref<640xf32, #tpu.memory_space<vmem>>) target(%dma_start3A_31 : memref<640xf32, #tpu.memory_space<vmem_shared>>) target_semaphore(%run_scoped3A : memref<!tpu.dma_semaphore, #tpu.memory_space<semaphore_mem>>)
      %dma_wait3A = tpu.memref_slice %arg4[%mul3A_18] : memref<10240xf32, #tpu.memory_space<vmem_shared>> -> memref<640xf32, #tpu.memory_space<vmem_shared>>
      %dma_wait3A_32 = tpu.memref_slice %arg4[%mul3A_18] : memref<10240xf32, #tpu.memory_space<vmem_shared>> -> memref<640xf32, #tpu.memory_space<vmem_shared>>
      tpu.wait_dma2 semaphore(%run_scoped3A : memref<!tpu.dma_semaphore, #tpu.memory_space<semaphore_mem>>) src(%arg7 : memref<640xf32, #tpu.memory_space<vmem>>) dst(%dma_wait3A_32 : memref<640xf32, #tpu.memory_space<vmem_shared>>)
      tpu.yield
    }) : () -> ()
    %barrier3A = arith.constant 0 : index
    tpu.barrier barrier_id(%barrier3A)
    %scan3A_19 = arith.constant 0 : i32
    %scan3A_20 = arith.constant 0 : i32
    %scan3A_21 = arith.constant 125 : i32
    %scan3A_22 = arith.addi %scan3A_20, %scan3A_21 : i32
    %scan3A_23 = arith.constant 1 : i32
    %scan3A_24 = scf.for %scan3A_31 = %scan3A_20 to %scan3A_22 step %scan3A_23 iter_args(%scan3A_32 = %scan3A_19) -> (i32)  : i32 {
      "tpu.region"() ({
        %run_scoped3A = tpu.sem_alloc : memref<!tpu.dma_semaphore, #tpu.memory_space<semaphore_mem>>
        %dma_start3A = arith.constant 0 : i32
        %dma_start3A_34 = tpu.memref_slice %arg5[%scan3A_31, %dma_start3A] : memref<125x80xi32, #tpu.memory_space<vmem>> -> memref<1x80xi32, #tpu.memory_space<vmem>>
        %dma_start3A_35 = tpu.memref_squeeze %dma_start3A_34 : memref<1x80xi32, #tpu.memory_space<vmem>> -> memref<80xi32, #tpu.memory_space<vmem>>
        %dma_start3A_36 = arith.constant 0 : i32
        %dma_start3A_37 = tpu.memref_slice %arg4[%dma_start3A_36] : memref<10240xf32, #tpu.memory_space<vmem_shared>> -> memref<10240xf32, #tpu.memory_space<vmem_shared>>
        tpu.enqueue_indirect_dma source(%arg6 : memref<80xf32, #tpu.memory_space<vmem>>) target(%dma_start3A_37 : memref<10240xf32, #tpu.memory_space<vmem_shared>>) offsets(%dma_start3A_35 : memref<80xi32, #tpu.memory_space<vmem>>) semaphore(%run_scoped3A : memref<!tpu.dma_semaphore, #tpu.memory_space<semaphore_mem>>) {add = true}
        %dma_wait3A = arith.constant 0 : i32
        %dma_wait3A_38 = tpu.memref_slice %arg5[%scan3A_31, %dma_wait3A] : memref<125x80xi32, #tpu.memory_space<vmem>> -> memref<1x80xi32, #tpu.memory_space<vmem>>
        %dma_wait3A_39 = tpu.memref_squeeze %dma_wait3A_38 : memref<1x80xi32, #tpu.memory_space<vmem>> -> memref<80xi32, #tpu.memory_space<vmem>>
        %dma_wait3A_40 = arith.constant 0 : i32
        %dma_wait3A_41 = tpu.memref_slice %arg4[%dma_wait3A_40] : memref<10240xf32, #tpu.memory_space<vmem_shared>> -> memref<10240xf32, #tpu.memory_space<vmem_shared>>
        tpu.wait_indirect_dma semaphore(%run_scoped3A : memref<!tpu.dma_semaphore, #tpu.memory_space<semaphore_mem>>) src(%arg6 : memref<80xf32, #tpu.memory_space<vmem>>) dst(%dma_wait3A_41 : memref<10240xf32, #tpu.memory_space<vmem_shared>>)
        tpu.yield
      }) : () -> ()
      %scan3A_33 = arith.constant 0 : i32
      scf.yield %scan3A_33 : i32
    }
    %scan3A_25 = arith.constant 125 : i32
    %barrier3A_26 = arith.constant 0 : index
    tpu.barrier barrier_id(%barrier3A_26)
    %mul3A_27 = arith.constant 640 : i32
    %mul3A_28 = arith.muli %arg1, %mul3A_27 : i32
    %mul3A_29 = arith.constant 640 : i32
    %mul3A_30 = arith.muli %arg1, %mul3A_29 : i32
    "tpu.region"() ({
      %run_scoped3A = tpu.sem_alloc : memref<!tpu.dma_semaphore, #tpu.memory_space<semaphore_mem>>
      %dma_start3A = tpu.memref_slice %arg3[%arg0, %mul3A_30] : memref<2x10240xf32, #tpu.memory_space<hbm>> -> memref<1x640xf32, #tpu.memory_space<hbm>>
      %dma_start3A_31 = tpu.memref_squeeze %dma_start3A : memref<1x640xf32, #tpu.memory_space<hbm>> -> memref<640xf32, #tpu.memory_space<hbm>>
      %dma_start3A_32 = tpu.memref_slice %arg4[%mul3A_28] : memref<10240xf32, #tpu.memory_space<vmem_shared>> -> memref<640xf32, #tpu.memory_space<vmem_shared>>
      tpu.enqueue_dma source(%dma_start3A_32 : memref<640xf32, #tpu.memory_space<vmem_shared>>) target(%dma_start3A_31 : memref<640xf32, #tpu.memory_space<hbm>>) target_semaphore(%run_scoped3A : memref<!tpu.dma_semaphore, #tpu.memory_space<semaphore_mem>>)
      %dma_wait3A = tpu.memref_slice %arg3[%arg0, %mul3A_30] : memref<2x10240xf32, #tpu.memory_space<hbm>> -> memref<1x640xf32, #tpu.memory_space<hbm>>
      %dma_wait3A_33 = tpu.memref_squeeze %dma_wait3A : memref<1x640xf32, #tpu.memory_space<hbm>> -> memref<640xf32, #tpu.memory_space<hbm>>
      %dma_wait3A_34 = tpu.memref_slice %arg4[%mul3A_28] : memref<10240xf32, #tpu.memory_space<vmem_shared>> -> memref<640xf32, #tpu.memory_space<vmem_shared>>
      tpu.wait_dma2 semaphore(%run_scoped3A : memref<!tpu.dma_semaphore, #tpu.memory_space<semaphore_mem>>) src(%dma_wait3A_34 : memref<640xf32, #tpu.memory_space<vmem_shared>>) dst(%dma_wait3A_33 : memref<640xf32, #tpu.memory_space<hbm>>)
      tpu.yield
    }) : () -> ()
    return
  }
}

#map = affine_map<(d0, d1) -> (0)>
module attributes {stable_mosaic.version = 14 : i64} {
  func.func @_sc_score(%arg0: i32, %arg1: i32, %arg2: memref<10240xf32, #tpu.memory_space<hbm>>, %arg3: memref<10240xf32, #tpu.memory_space<hbm>>, %arg4: memref<320000xf32, #tpu.memory_space<hbm>>, %arg5: memref<320000xi32, #tpu.memory_space<hbm>>, %arg6: memref<320000xi32, #tpu.memory_space<hbm>>, %arg7: memref<320000xf32, #tpu.memory_space<hbm>>, %arg8: memref<10240xf32, #tpu.memory_space<vmem>>, %arg9: memref<10240xf32, #tpu.memory_space<vmem>>, %arg10: memref<10000xi32, #tpu.memory_space<vmem>>, %arg11: memref<10000xi32, #tpu.memory_space<vmem>>, %arg12: memref<10000xf32, #tpu.memory_space<vmem>>, %arg13: memref<10000xf32, #tpu.memory_space<vmem>>) attributes {dimension_semantics = [#tpu.dimension_semantics<core_parallel>, #tpu.dimension_semantics<subcore_parallel>], iteration_bounds = array<i64: 2, 16>, scalar_prefetch = 0 : i64, scratch_operands = 6 : i64, tpu.core_type = #tpu.core_type<sc_vector_subcore>, window_params = [{transform_indices = #map}, {transform_indices = #map}, {transform_indices = #map}, {transform_indices = #map}, {transform_indices = #map}, {transform_indices = #map}]} {
    %mul3A = arith.constant 2 : i32
    %mul3A_0 = arith.muli %arg1, %mul3A : i32
    %add3A = arith.addi %mul3A_0, %arg0 : i32
    %mul3A_1 = arith.constant 10000 : i32
    %mul3A_2 = arith.muli %add3A, %mul3A_1 : i32
    "tpu.region"() ({
      %run_scoped3A = tpu.sem_alloc : memref<!tpu.dma_semaphore, #tpu.memory_space<semaphore_mem>>
      tpu.enqueue_dma source(%arg2 : memref<10240xf32, #tpu.memory_space<hbm>>) target(%arg8 : memref<10240xf32, #tpu.memory_space<vmem>>) target_semaphore(%run_scoped3A : memref<!tpu.dma_semaphore, #tpu.memory_space<semaphore_mem>>)
      tpu.wait_dma2 semaphore(%run_scoped3A : memref<!tpu.dma_semaphore, #tpu.memory_space<semaphore_mem>>) src(%arg2 : memref<10240xf32, #tpu.memory_space<hbm>>) dst(%arg8 : memref<10240xf32, #tpu.memory_space<vmem>>)
      tpu.yield
    }) : () -> ()
    "tpu.region"() ({
      %run_scoped3A = tpu.sem_alloc : memref<!tpu.dma_semaphore, #tpu.memory_space<semaphore_mem>>
      tpu.enqueue_dma source(%arg3 : memref<10240xf32, #tpu.memory_space<hbm>>) target(%arg9 : memref<10240xf32, #tpu.memory_space<vmem>>) target_semaphore(%run_scoped3A : memref<!tpu.dma_semaphore, #tpu.memory_space<semaphore_mem>>)
      tpu.wait_dma2 semaphore(%run_scoped3A : memref<!tpu.dma_semaphore, #tpu.memory_space<semaphore_mem>>) src(%arg3 : memref<10240xf32, #tpu.memory_space<hbm>>) dst(%arg9 : memref<10240xf32, #tpu.memory_space<vmem>>)
      tpu.yield
    }) : () -> ()
    "tpu.region"() ({
      %run_scoped3A = tpu.sem_alloc : memref<!tpu.dma_semaphore, #tpu.memory_space<semaphore_mem>>
      %dma_start3A = tpu.memref_slice %arg5[%mul3A_2] : memref<320000xi32, #tpu.memory_space<hbm>> -> memref<10000xi32, #tpu.memory_space<hbm>>
      %dma_start3A_9 = tpu.memref_slice %arg5[%mul3A_2] : memref<320000xi32, #tpu.memory_space<hbm>> -> memref<10000xi32, #tpu.memory_space<hbm>>
      tpu.enqueue_dma source(%dma_start3A_9 : memref<10000xi32, #tpu.memory_space<hbm>>) target(%arg10 : memref<10000xi32, #tpu.memory_space<vmem>>) target_semaphore(%run_scoped3A : memref<!tpu.dma_semaphore, #tpu.memory_space<semaphore_mem>>)
      %dma_wait3A = tpu.memref_slice %arg5[%mul3A_2] : memref<320000xi32, #tpu.memory_space<hbm>> -> memref<10000xi32, #tpu.memory_space<hbm>>
      %dma_wait3A_10 = tpu.memref_slice %arg5[%mul3A_2] : memref<320000xi32, #tpu.memory_space<hbm>> -> memref<10000xi32, #tpu.memory_space<hbm>>
      tpu.wait_dma2 semaphore(%run_scoped3A : memref<!tpu.dma_semaphore, #tpu.memory_space<semaphore_mem>>) src(%dma_wait3A_10 : memref<10000xi32, #tpu.memory_space<hbm>>) dst(%arg10 : memref<10000xi32, #tpu.memory_space<vmem>>)
      tpu.yield
    }) : () -> ()
    "tpu.region"() ({
      %run_scoped3A = tpu.sem_alloc : memref<!tpu.dma_semaphore, #tpu.memory_space<semaphore_mem>>
      %dma_start3A = tpu.memref_slice %arg6[%mul3A_2] : memref<320000xi32, #tpu.memory_space<hbm>> -> memref<10000xi32, #tpu.memory_space<hbm>>
      %dma_start3A_9 = tpu.memref_slice %arg6[%mul3A_2] : memref<320000xi32, #tpu.memory_space<hbm>> -> memref<10000xi32, #tpu.memory_space<hbm>>
      tpu.enqueue_dma source(%dma_start3A_9 : memref<10000xi32, #tpu.memory_space<hbm>>) target(%arg11 : memref<10000xi32, #tpu.memory_space<vmem>>) target_semaphore(%run_scoped3A : memref<!tpu.dma_semaphore, #tpu.memory_space<semaphore_mem>>)
      %dma_wait3A = tpu.memref_slice %arg6[%mul3A_2] : memref<320000xi32, #tpu.memory_space<hbm>> -> memref<10000xi32, #tpu.memory_space<hbm>>
      %dma_wait3A_10 = tpu.memref_slice %arg6[%mul3A_2] : memref<320000xi32, #tpu.memory_space<hbm>> -> memref<10000xi32, #tpu.memory_space<hbm>>
      tpu.wait_dma2 semaphore(%run_scoped3A : memref<!tpu.dma_semaphore, #tpu.memory_space<semaphore_mem>>) src(%dma_wait3A_10 : memref<10000xi32, #tpu.memory_space<hbm>>) dst(%arg11 : memref<10000xi32, #tpu.memory_space<vmem>>)
      tpu.yield
    }) : () -> ()
    "tpu.region"() ({
      %run_scoped3A = tpu.sem_alloc : memref<!tpu.dma_semaphore, #tpu.memory_space<semaphore_mem>>
      %dma_start3A = tpu.memref_slice %arg4[%mul3A_2] : memref<320000xf32, #tpu.memory_space<hbm>> -> memref<10000xf32, #tpu.memory_space<hbm>>
      %dma_start3A_9 = tpu.memref_slice %arg4[%mul3A_2] : memref<320000xf32, #tpu.memory_space<hbm>> -> memref<10000xf32, #tpu.memory_space<hbm>>
      tpu.enqueue_dma source(%dma_start3A_9 : memref<10000xf32, #tpu.memory_space<hbm>>) target(%arg12 : memref<10000xf32, #tpu.memory_space<vmem>>) target_semaphore(%run_scoped3A : memref<!tpu.dma_semaphore, #tpu.memory_space<semaphore_mem>>)
      %dma_wait3A = tpu.memref_slice %arg4[%mul3A_2] : memref<320000xf32, #tpu.memory_space<hbm>> -> memref<10000xf32, #tpu.memory_space<hbm>>
      %dma_wait3A_10 = tpu.memref_slice %arg4[%mul3A_2] : memref<320000xf32, #tpu.memory_space<hbm>> -> memref<10000xf32, #tpu.memory_space<hbm>>
      tpu.wait_dma2 semaphore(%run_scoped3A : memref<!tpu.dma_semaphore, #tpu.memory_space<semaphore_mem>>) src(%dma_wait3A_10 : memref<10000xf32, #tpu.memory_space<hbm>>) dst(%arg12 : memref<10000xf32, #tpu.memory_space<vmem>>)
      tpu.yield
    }) : () -> ()
    %scan3A = arith.constant 0 : i32
    %scan3A_3 = arith.constant 0 : i32
    %scan3A_4 = arith.constant 625 : i32
    %scan3A_5 = arith.addi %scan3A_3, %scan3A_4 : i32
    %scan3A_6 = arith.constant 1 : i32
    %scan3A_7 = scf.for %scan3A_9 = %scan3A_3 to %scan3A_5 step %scan3A_6 iter_args(%scan3A_10 = %scan3A) -> (i32)  : i32 {
      %mul3A_11 = arith.constant 16 : i32
      %mul3A_12 = arith.muli %scan3A_9, %mul3A_11 : i32
      %get3A = arith.index_cast %mul3A_12 : i32 to index
      %get3A_13 = tpu.vector_load %arg10[%get3A] {strides = array<i32>} : memref<10000xi32, #tpu.memory_space<vmem>>, vector<16xi32>,
      %get3A_14 = arith.index_cast %mul3A_12 : i32 to index
      %get3A_15 = tpu.vector_load %arg11[%get3A_14] {strides = array<i32>} : memref<10000xi32, #tpu.memory_space<vmem>>, vector<16xi32>,
      %gather3A = tpu.vector_load_idx %arg8[%get3A_13] : memref<10240xf32, #tpu.memory_space<vmem>>[vector<16xi32>], vector<16xf32>,
      %gather3A_16 = tpu.vector_load_idx %arg9[%get3A_15] : memref<10240xf32, #tpu.memory_space<vmem>>[vector<16xi32>], vector<16xf32>,
      %add3A_17 = arith.addf %gather3A, %gather3A_16 : vector<16xf32>
      %get3A_18 = arith.index_cast %mul3A_12 : i32 to index
      %get3A_19 = tpu.vector_load %arg12[%get3A_18] {strides = array<i32>} : memref<10000xf32, #tpu.memory_space<vmem>>, vector<16xf32>,
      %add3A_20 = arith.addf %add3A_17, %get3A_19 : vector<16xf32>
      %swap3A = arith.index_cast %mul3A_12 : i32 to index
      %swap3A_21 = tpu.vector_load %arg13[%swap3A] {strides = array<i32>} : memref<10000xf32, #tpu.memory_space<vmem>>, vector<16xf32>,
      tpu.vector_store %arg13[%swap3A], %add3A_20 {strides = array<i32>} : memref<10000xf32, #tpu.memory_space<vmem>>, vector<16xf32>,
      %scan3A_22 = arith.constant 0 : i32
      scf.yield %scan3A_22 : i32
    }
    %scan3A_8 = arith.constant 625 : i32
    "tpu.region"() ({
      %run_scoped3A = tpu.sem_alloc : memref<!tpu.dma_semaphore, #tpu.memory_space<semaphore_mem>>
      %dma_start3A = tpu.memref_slice %arg7[%mul3A_2] : memref<320000xf32, #tpu.memory_space<hbm>> -> memref<10000xf32, #tpu.memory_space<hbm>>
      %dma_start3A_9 = tpu.memref_slice %arg7[%mul3A_2] : memref<320000xf32, #tpu.memory_space<hbm>> -> memref<10000xf32, #tpu.memory_space<hbm>>
      tpu.enqueue_dma source(%arg13 : memref<10000xf32, #tpu.memory_space<vmem>>) target(%dma_start3A_9 : memref<10000xf32, #tpu.memory_space<hbm>>) target_semaphore(%run_scoped3A : memref<!tpu.dma_semaphore, #tpu.memory_space<semaphore_mem>>)
      %dma_wait3A = tpu.memref_slice %arg7[%mul3A_2] : memref<320000xf32, #tpu.memory_space<hbm>> -> memref<10000xf32, #tpu.memory_space<hbm>>
      %dma_wait3A_10 = tpu.memref_slice %arg7[%mul3A_2] : memref<320000xf32, #tpu.memory_space<hbm>> -> memref<10000xf32, #tpu.memory_space<hbm>>
      tpu.wait_dma2 semaphore(%run_scoped3A : memref<!tpu.dma_semaphore, #tpu.memory_space<semaphore_mem>>) src(%arg13 : memref<10000xf32, #tpu.memory_space<vmem>>) dst(%dma_wait3A_10 : memref<10000xf32, #tpu.memory_space<hbm>>)
      tpu.yield
    }) : () -> ()
    return
  }
}

#map = affine_map<(d0, d1) -> (0, 0)>
#map1 = affine_map<(d0, d1) -> (0)>
#map2 = affine_map<(d0, d1) -> (0, 0, 0)>
module attributes {stable_mosaic.version = 14 : i64} {
  func.func @_sc_scatter(%arg0: i32, %arg1: i32, %arg2: memref<10240x128xf32, #tpu.memory_space<hbm>>, %arg3: memref<320000xi32, #tpu.memory_space<hbm>>, %arg4: memref<32x125x80xi32, #tpu.memory_space<hbm>>, %arg5: memref<10240x128xf32, #tpu.memory_space<hbm>>, %arg6: memref<10240x128xf32, #tpu.memory_space<hbm>>, %arg7: memref<10240x128xf32, #tpu.memory_space<vmem_shared>>, %arg8: memref<10000xi32, #tpu.memory_space<vmem>>, %arg9: memref<125x80xi32, #tpu.memory_space<vmem>>, %arg10: memref<80x128xf32, #tpu.memory_space<vmem>>, %arg11: memref<80x128xf32, #tpu.memory_space<vmem>>, %arg12: memref<!tpu.dma_semaphore, #tpu.memory_space<semaphore_mem>>, %arg13: memref<!tpu.dma_semaphore, #tpu.memory_space<semaphore_mem>>) attributes {dimension_semantics = [#tpu.dimension_semantics<core_parallel>, #tpu.dimension_semantics<subcore_parallel>], iteration_bounds = array<i64: 2, 16>, scalar_prefetch = 0 : i64, scratch_operands = 7 : i64, tpu.core_type = #tpu.core_type<sc_vector_subcore>, window_params = [{transform_indices = #map}, {transform_indices = #map1}, {transform_indices = #map2}, {transform_indices = #map}, {transform_indices = #map}]} {
    %mul3A = arith.constant 2 : i32
    %mul3A_0 = arith.muli %arg1, %mul3A : i32
    %add3A = arith.addi %mul3A_0, %arg0 : i32
    %broadcast_in_dim3A = arith.constant 0.000000e+00 : f32
    %broadcast_in_dim3A_1 = vector.broadcast %broadcast_in_dim3A : f32 to vector<16xf32>
    %scan3A = arith.constant 0 : i32
    %scan3A_2 = arith.constant 0 : i32
    %scan3A_3 = arith.constant 80 : i32
    %scan3A_4 = arith.addi %scan3A_2, %scan3A_3 : i32
    %scan3A_5 = arith.constant 1 : i32
    %scan3A_6 = scf.for %scan3A_70 = %scan3A_2 to %scan3A_4 step %scan3A_5 iter_args(%scan3A_71 = %scan3A) -> (i32)  : i32 {
      %swap3A = arith.index_cast %scan3A_70 : i32 to index
      %swap3A_72 = arith.constant 0 : index
      %swap3A_73 = tpu.vector_load %arg10[%swap3A, %swap3A_72] {strides = array<i32>} : memref<80x128xf32, #tpu.memory_space<vmem>>, vector<1x16xf32>,
      %swap3A_74 = vector.shape_cast %swap3A_73 : vector<1x16xf32> to vector<16xf32>
      %swap3A_75 = vector.shape_cast %broadcast_in_dim3A_1 : vector<16xf32> to vector<1x16xf32>
      tpu.vector_store %arg10[%swap3A, %swap3A_72], %swap3A_75 {strides = array<i32>} : memref<80x128xf32, #tpu.memory_space<vmem>>, vector<1x16xf32>,
      %swap3A_76 = arith.index_cast %scan3A_70 : i32 to index
      %swap3A_77 = arith.constant 16 : index
      %swap3A_78 = tpu.vector_load %arg10[%swap3A_76, %swap3A_77] {strides = array<i32>} : memref<80x128xf32, #tpu.memory_space<vmem>>, vector<1x16xf32>,
      %swap3A_79 = vector.shape_cast %swap3A_78 : vector<1x16xf32> to vector<16xf32>
      %swap3A_80 = vector.shape_cast %broadcast_in_dim3A_1 : vector<16xf32> to vector<1x16xf32>
      tpu.vector_store %arg10[%swap3A_76, %swap3A_77], %swap3A_80 {strides = array<i32>} : memref<80x128xf32, #tpu.memory_space<vmem>>, vector<1x16xf32>,
      %swap3A_81 = arith.index_cast %scan3A_70 : i32 to index
      %swap3A_82 = arith.constant 32 : index
      %swap3A_83 = tpu.vector_load %arg10[%swap3A_81, %swap3A_82] {strides = array<i32>} : memref<80x128xf32, #tpu.memory_space<vmem>>, vector<1x16xf32>,
      %swap3A_84 = vector.shape_cast %swap3A_83 : vector<1x16xf32> to vector<16xf32>
      %swap3A_85 = vector.shape_cast %broadcast_in_dim3A_1 : vector<16xf32> to vector<1x16xf32>
      tpu.vector_store %arg10[%swap3A_81, %swap3A_82], %swap3A_85 {strides = array<i32>} : memref<80x128xf32, #tpu.memory_space<vmem>>, vector<1x16xf32>,
      %swap3A_86 = arith.index_cast %scan3A_70 : i32 to index
      %swap3A_87 = arith.constant 48 : index
      %swap3A_88 = tpu.vector_load %arg10[%swap3A_86, %swap3A_87] {strides = array<i32>} : memref<80x128xf32, #tpu.memory_space<vmem>>, vector<1x16xf32>,
      %swap3A_89 = vector.shape_cast %swap3A_88 : vector<1x16xf32> to vector<16xf32>
      %swap3A_90 = vector.shape_cast %broadcast_in_dim3A_1 : vector<16xf32> to vector<1x16xf32>
      tpu.vector_store %arg10[%swap3A_86, %swap3A_87], %swap3A_90 {strides = array<i32>} : memref<80x128xf32, #tpu.memory_space<vmem>>, vector<1x16xf32>,
      %swap3A_91 = arith.index_cast %scan3A_70 : i32 to index
      %swap3A_92 = arith.constant 64 : index
      %swap3A_93 = tpu.vector_load %arg10[%swap3A_91, %swap3A_92] {strides = array<i32>} : memref<80x128xf32, #tpu.memory_space<vmem>>, vector<1x16xf32>,
      %swap3A_94 = vector.shape_cast %swap3A_93 : vector<1x16xf32> to vector<16xf32>
      %swap3A_95 = vector.shape_cast %broadcast_in_dim3A_1 : vector<16xf32> to vector<1x16xf32>
      tpu.vector_store %arg10[%swap3A_91, %swap3A_92], %swap3A_95 {strides = array<i32>} : memref<80x128xf32, #tpu.memory_space<vmem>>, vector<1x16xf32>,
      %swap3A_96 = arith.index_cast %scan3A_70 : i32 to index
      %swap3A_97 = arith.constant 80 : index
      %swap3A_98 = tpu.vector_load %arg10[%swap3A_96, %swap3A_97] {strides = array<i32>} : memref<80x128xf32, #tpu.memory_space<vmem>>, vector<1x16xf32>,
      %swap3A_99 = vector.shape_cast %swap3A_98 : vector<1x16xf32> to vector<16xf32>
      %swap3A_100 = vector.shape_cast %broadcast_in_dim3A_1 : vector<16xf32> to vector<1x16xf32>
      tpu.vector_store %arg10[%swap3A_96, %swap3A_97], %swap3A_100 {strides = array<i32>} : memref<80x128xf32, #tpu.memory_space<vmem>>, vector<1x16xf32>,
      %swap3A_101 = arith.index_cast %scan3A_70 : i32 to index
      %swap3A_102 = arith.constant 96 : index
      %swap3A_103 = tpu.vector_load %arg10[%swap3A_101, %swap3A_102] {strides = array<i32>} : memref<80x128xf32, #tpu.memory_space<vmem>>, vector<1x16xf32>,
      %swap3A_104 = vector.shape_cast %swap3A_103 : vector<1x16xf32> to vector<16xf32>
      %swap3A_105 = vector.shape_cast %broadcast_in_dim3A_1 : vector<16xf32> to vector<1x16xf32>
      tpu.vector_store %arg10[%swap3A_101, %swap3A_102], %swap3A_105 {strides = array<i32>} : memref<80x128xf32, #tpu.memory_space<vmem>>, vector<1x16xf32>,
      %swap3A_106 = arith.index_cast %scan3A_70 : i32 to index
      %swap3A_107 = arith.constant 112 : index
      %swap3A_108 = tpu.vector_load %arg10[%swap3A_106, %swap3A_107] {strides = array<i32>} : memref<80x128xf32, #tpu.memory_space<vmem>>, vector<1x16xf32>,
      %swap3A_109 = vector.shape_cast %swap3A_108 : vector<1x16xf32> to vector<16xf32>
      %swap3A_110 = vector.shape_cast %broadcast_in_dim3A_1 : vector<16xf32> to vector<1x16xf32>
      tpu.vector_store %arg10[%swap3A_106, %swap3A_107], %swap3A_110 {strides = array<i32>} : memref<80x128xf32, #tpu.memory_space<vmem>>, vector<1x16xf32>,
      %scan3A_111 = arith.constant 0 : i32
      scf.yield %scan3A_111 : i32
    }
    %scan3A_7 = arith.constant 80 : i32
    %mul3A_8 = arith.constant 10000 : i32
    %mul3A_9 = arith.muli %add3A, %mul3A_8 : i32
    "tpu.region"() ({
      %run_scoped3A_70 = tpu.sem_alloc : memref<!tpu.dma_semaphore, #tpu.memory_space<semaphore_mem>>
      %dma_start3A_71 = tpu.memref_slice %arg3[%mul3A_9] : memref<320000xi32, #tpu.memory_space<hbm>> -> memref<10000xi32, #tpu.memory_space<hbm>>
      %dma_start3A_72 = tpu.memref_slice %arg3[%mul3A_9] : memref<320000xi32, #tpu.memory_space<hbm>> -> memref<10000xi32, #tpu.memory_space<hbm>>
      tpu.enqueue_dma source(%dma_start3A_72 : memref<10000xi32, #tpu.memory_space<hbm>>) target(%arg8 : memref<10000xi32, #tpu.memory_space<vmem>>) target_semaphore(%run_scoped3A_70 : memref<!tpu.dma_semaphore, #tpu.memory_space<semaphore_mem>>)
      %dma_wait3A_73 = tpu.memref_slice %arg3[%mul3A_9] : memref<320000xi32, #tpu.memory_space<hbm>> -> memref<10000xi32, #tpu.memory_space<hbm>>
      %dma_wait3A_74 = tpu.memref_slice %arg3[%mul3A_9] : memref<320000xi32, #tpu.memory_space<hbm>> -> memref<10000xi32, #tpu.memory_space<hbm>>
      tpu.wait_dma2 semaphore(%run_scoped3A_70 : memref<!tpu.dma_semaphore, #tpu.memory_space<semaphore_mem>>) src(%dma_wait3A_74 : memref<10000xi32, #tpu.memory_space<hbm>>) dst(%arg8 : memref<10000xi32, #tpu.memory_space<vmem>>)
      tpu.yield
    }) : () -> ()
    "tpu.region"() ({
      %run_scoped3A_70 = tpu.sem_alloc : memref<!tpu.dma_semaphore, #tpu.memory_space<semaphore_mem>>
      %dma_start3A_71 = arith.constant 0 : i32
      %dma_start3A_72 = arith.constant 0 : i32
      %dma_start3A_73 = tpu.memref_slice %arg4[%add3A, %dma_start3A_71, %dma_start3A_72] : memref<32x125x80xi32, #tpu.memory_space<hbm>> -> memref<1x125x80xi32, #tpu.memory_space<hbm>>
      %dma_start3A_74 = tpu.memref_squeeze %dma_start3A_73 : memref<1x125x80xi32, #tpu.memory_space<hbm>> -> memref<125x80xi32, #tpu.memory_space<hbm>>
      %dma_start3A_75 = arith.constant 0 : i32
      %dma_start3A_76 = arith.constant 0 : i32
      %dma_start3A_77 = tpu.memref_slice %arg4[%add3A, %dma_start3A_75, %dma_start3A_76] : memref<32x125x80xi32, #tpu.memory_space<hbm>> -> memref<1x125x80xi32, #tpu.memory_space<hbm>>
      %dma_start3A_78 = tpu.memref_squeeze %dma_start3A_77 : memref<1x125x80xi32, #tpu.memory_space<hbm>> -> memref<125x80xi32, #tpu.memory_space<hbm>>
      tpu.enqueue_dma source(%dma_start3A_78 : memref<125x80xi32, #tpu.memory_space<hbm>>) target(%arg9 : memref<125x80xi32, #tpu.memory_space<vmem>>) target_semaphore(%run_scoped3A_70 : memref<!tpu.dma_semaphore, #tpu.memory_space<semaphore_mem>>)
      %dma_wait3A_79 = arith.constant 0 : i32
      %dma_wait3A_80 = arith.constant 0 : i32
      %dma_wait3A_81 = tpu.memref_slice %arg4[%add3A, %dma_wait3A_79, %dma_wait3A_80] : memref<32x125x80xi32, #tpu.memory_space<hbm>> -> memref<1x125x80xi32, #tpu.memory_space<hbm>>
      %dma_wait3A_82 = tpu.memref_squeeze %dma_wait3A_81 : memref<1x125x80xi32, #tpu.memory_space<hbm>> -> memref<125x80xi32, #tpu.memory_space<hbm>>
      %dma_wait3A_83 = arith.constant 0 : i32
      %dma_wait3A_84 = arith.constant 0 : i32
      %dma_wait3A_85 = tpu.memref_slice %arg4[%add3A, %dma_wait3A_83, %dma_wait3A_84] : memref<32x125x80xi32, #tpu.memory_space<hbm>> -> memref<1x125x80xi32, #tpu.memory_space<hbm>>
      %dma_wait3A_86 = tpu.memref_squeeze %dma_wait3A_85 : memref<1x125x80xi32, #tpu.memory_space<hbm>> -> memref<125x80xi32, #tpu.memory_space<hbm>>
      tpu.wait_dma2 semaphore(%run_scoped3A_70 : memref<!tpu.dma_semaphore, #tpu.memory_space<semaphore_mem>>) src(%dma_wait3A_86 : memref<125x80xi32, #tpu.memory_space<hbm>>) dst(%arg9 : memref<125x80xi32, #tpu.memory_space<vmem>>)
      tpu.yield
    }) : () -> ()
    %mul3A_10 = arith.constant 640 : i32
    %mul3A_11 = arith.muli %arg1, %mul3A_10 : i32
    %add3A_12 = arith.constant 0 : i32
    %add3A_13 = arith.addi %mul3A_11, %add3A_12 : i32
    "tpu.region"() ({
      %run_scoped3A_70 = tpu.sem_alloc : memref<!tpu.dma_semaphore, #tpu.memory_space<semaphore_mem>>
      %dma_start3A_71 = arith.constant 0 : i32
      %dma_start3A_72 = tpu.memref_slice %arg7[%add3A_13, %dma_start3A_71] : memref<10240x128xf32, #tpu.memory_space<vmem_shared>> -> memref<80x128xf32, #tpu.memory_space<vmem_shared>>
      %dma_start3A_73 = arith.constant 0 : i32
      %dma_start3A_74 = tpu.memref_slice %arg7[%add3A_13, %dma_start3A_73] : memref<10240x128xf32, #tpu.memory_space<vmem_shared>> -> memref<80x128xf32, #tpu.memory_space<vmem_shared>>
      tpu.enqueue_dma source(%arg10 : memref<80x128xf32, #tpu.memory_space<vmem>>) target(%dma_start3A_74 : memref<80x128xf32, #tpu.memory_space<vmem_shared>>) target_semaphore(%run_scoped3A_70 : memref<!tpu.dma_semaphore, #tpu.memory_space<semaphore_mem>>)
      %dma_wait3A_75 = arith.constant 0 : i32
      %dma_wait3A_76 = tpu.memref_slice %arg7[%add3A_13, %dma_wait3A_75] : memref<10240x128xf32, #tpu.memory_space<vmem_shared>> -> memref<80x128xf32, #tpu.memory_space<vmem_shared>>
      %dma_wait3A_77 = arith.constant 0 : i32
      %dma_wait3A_78 = tpu.memref_slice %arg7[%add3A_13, %dma_wait3A_77] : memref<10240x128xf32, #tpu.memory_space<vmem_shared>> -> memref<80x128xf32, #tpu.memory_space<vmem_shared>>
      tpu.wait_dma2 semaphore(%run_scoped3A_70 : memref<!tpu.dma_semaphore, #tpu.memory_space<semaphore_mem>>) src(%arg10 : memref<80x128xf32, #tpu.memory_space<vmem>>) dst(%dma_wait3A_78 : memref<80x128xf32, #tpu.memory_space<vmem_shared>>)
      tpu.yield
    }) : () -> ()
    %mul3A_14 = arith.constant 640 : i32
    %mul3A_15 = arith.muli %arg1, %mul3A_14 : i32
    %add3A_16 = arith.constant 80 : i32
    %add3A_17 = arith.addi %mul3A_15, %add3A_16 : i32
    "tpu.region"() ({
      %run_scoped3A_70 = tpu.sem_alloc : memref<!tpu.dma_semaphore, #tpu.memory_space<semaphore_mem>>
      %dma_start3A_71 = arith.constant 0 : i32
      %dma_start3A_72 = tpu.memref_slice %arg7[%add3A_17, %dma_start3A_71] : memref<10240x128xf32, #tpu.memory_space<vmem_shared>> -> memref<80x128xf32, #tpu.memory_space<vmem_shared>>
      %dma_start3A_73 = arith.constant 0 : i32
      %dma_start3A_74 = tpu.memref_slice %arg7[%add3A_17, %dma_start3A_73] : memref<10240x128xf32, #tpu.memory_space<vmem_shared>> -> memref<80x128xf32, #tpu.memory_space<vmem_shared>>
      tpu.enqueue_dma source(%arg10 : memref<80x128xf32, #tpu.memory_space<vmem>>) target(%dma_start3A_74 : memref<80x128xf32, #tpu.memory_space<vmem_shared>>) target_semaphore(%run_scoped3A_70 : memref<!tpu.dma_semaphore, #tpu.memory_space<semaphore_mem>>)
      %dma_wait3A_75 = arith.constant 0 : i32
      %dma_wait3A_76 = tpu.memref_slice %arg7[%add3A_17, %dma_wait3A_75] : memref<10240x128xf32, #tpu.memory_space<vmem_shared>> -> memref<80x128xf32, #tpu.memory_space<vmem_shared>>
      %dma_wait3A_77 = arith.constant 0 : i32
      %dma_wait3A_78 = tpu.memref_slice %arg7[%add3A_17, %dma_wait3A_77] : memref<10240x128xf32, #tpu.memory_space<vmem_shared>> -> memref<80x128xf32, #tpu.memory_space<vmem_shared>>
      tpu.wait_dma2 semaphore(%run_scoped3A_70 : memref<!tpu.dma_semaphore, #tpu.memory_space<semaphore_mem>>) src(%arg10 : memref<80x128xf32, #tpu.memory_space<vmem>>) dst(%dma_wait3A_78 : memref<80x128xf32, #tpu.memory_space<vmem_shared>>)
      tpu.yield
    }) : () -> ()
    %mul3A_18 = arith.constant 640 : i32
    %mul3A_19 = arith.muli %arg1, %mul3A_18 : i32
    %add3A_20 = arith.constant 160 : i32
    %add3A_21 = arith.addi %mul3A_19, %add3A_20 : i32
    "tpu.region"() ({
      %run_scoped3A_70 = tpu.sem_alloc : memref<!tpu.dma_semaphore, #tpu.memory_space<semaphore_mem>>
      %dma_start3A_71 = arith.constant 0 : i32
      %dma_start3A_72 = tpu.memref_slice %arg7[%add3A_21, %dma_start3A_71] : memref<10240x128xf32, #tpu.memory_space<vmem_shared>> -> memref<80x128xf32, #tpu.memory_space<vmem_shared>>
      %dma_start3A_73 = arith.constant 0 : i32
      %dma_start3A_74 = tpu.memref_slice %arg7[%add3A_21, %dma_start3A_73] : memref<10240x128xf32, #tpu.memory_space<vmem_shared>> -> memref<80x128xf32, #tpu.memory_space<vmem_shared>>
      tpu.enqueue_dma source(%arg10 : memref<80x128xf32, #tpu.memory_space<vmem>>) target(%dma_start3A_74 : memref<80x128xf32, #tpu.memory_space<vmem_shared>>) target_semaphore(%run_scoped3A_70 : memref<!tpu.dma_semaphore, #tpu.memory_space<semaphore_mem>>)
      %dma_wait3A_75 = arith.constant 0 : i32
      %dma_wait3A_76 = tpu.memref_slice %arg7[%add3A_21, %dma_wait3A_75] : memref<10240x128xf32, #tpu.memory_space<vmem_shared>> -> memref<80x128xf32, #tpu.memory_space<vmem_shared>>
      %dma_wait3A_77 = arith.constant 0 : i32
      %dma_wait3A_78 = tpu.memref_slice %arg7[%add3A_21, %dma_wait3A_77] : memref<10240x128xf32, #tpu.memory_space<vmem_shared>> -> memref<80x128xf32, #tpu.memory_space<vmem_shared>>
      tpu.wait_dma2 semaphore(%run_scoped3A_70 : memref<!tpu.dma_semaphore, #tpu.memory_space<semaphore_mem>>) src(%arg10 : memref<80x128xf32, #tpu.memory_space<vmem>>) dst(%dma_wait3A_78 : memref<80x128xf32, #tpu.memory_space<vmem_shared>>)
      tpu.yield
    }) : () -> ()
    %mul3A_22 = arith.constant 640 : i32
    %mul3A_23 = arith.muli %arg1, %mul3A_22 : i32
    %add3A_24 = arith.constant 240 : i32
    %add3A_25 = arith.addi %mul3A_23, %add3A_24 : i32
    "tpu.region"() ({
      %run_scoped3A_70 = tpu.sem_alloc : memref<!tpu.dma_semaphore, #tpu.memory_space<semaphore_mem>>
      %dma_start3A_71 = arith.constant 0 : i32
      %dma_start3A_72 = tpu.memref_slice %arg7[%add3A_25, %dma_start3A_71] : memref<10240x128xf32, #tpu.memory_space<vmem_shared>> -> memref<80x128xf32, #tpu.memory_space<vmem_shared>>
      %dma_start3A_73 = arith.constant 0 : i32
      %dma_start3A_74 = tpu.memref_slice %arg7[%add3A_25, %dma_start3A_73] : memref<10240x128xf32, #tpu.memory_space<vmem_shared>> -> memref<80x128xf32, #tpu.memory_space<vmem_shared>>
      tpu.enqueue_dma source(%arg10 : memref<80x128xf32, #tpu.memory_space<vmem>>) target(%dma_start3A_74 : memref<80x128xf32, #tpu.memory_space<vmem_shared>>) target_semaphore(%run_scoped3A_70 : memref<!tpu.dma_semaphore, #tpu.memory_space<semaphore_mem>>)
      %dma_wait3A_75 = arith.constant 0 : i32
      %dma_wait3A_76 = tpu.memref_slice %arg7[%add3A_25, %dma_wait3A_75] : memref<10240x128xf32, #tpu.memory_space<vmem_shared>> -> memref<80x128xf32, #tpu.memory_space<vmem_shared>>
      %dma_wait3A_77 = arith.constant 0 : i32
      %dma_wait3A_78 = tpu.memref_slice %arg7[%add3A_25, %dma_wait3A_77] : memref<10240x128xf32, #tpu.memory_space<vmem_shared>> -> memref<80x128xf32, #tpu.memory_space<vmem_shared>>
      tpu.wait_dma2 semaphore(%run_scoped3A_70 : memref<!tpu.dma_semaphore, #tpu.memory_space<semaphore_mem>>) src(%arg10 : memref<80x128xf32, #tpu.memory_space<vmem>>) dst(%dma_wait3A_78 : memref<80x128xf32, #tpu.memory_space<vmem_shared>>)
      tpu.yield
    }) : () -> ()
    %mul3A_26 = arith.constant 640 : i32
    %mul3A_27 = arith.muli %arg1, %mul3A_26 : i32
    %add3A_28 = arith.constant 320 : i32
    %add3A_29 = arith.addi %mul3A_27, %add3A_28 : i32
    "tpu.region"() ({
      %run_scoped3A_70 = tpu.sem_alloc : memref<!tpu.dma_semaphore, #tpu.memory_space<semaphore_mem>>
      %dma_start3A_71 = arith.constant 0 : i32
      %dma_start3A_72 = tpu.memref_slice %arg7[%add3A_29, %dma_start3A_71] : memref<10240x128xf32, #tpu.memory_space<vmem_shared>> -> memref<80x128xf32, #tpu.memory_space<vmem_shared>>
      %dma_start3A_73 = arith.constant 0 : i32
      %dma_start3A_74 = tpu.memref_slice %arg7[%add3A_29, %dma_start3A_73] : memref<10240x128xf32, #tpu.memory_space<vmem_shared>> -> memref<80x128xf32, #tpu.memory_space<vmem_shared>>
      tpu.enqueue_dma source(%arg10 : memref<80x128xf32, #tpu.memory_space<vmem>>) target(%dma_start3A_74 : memref<80x128xf32, #tpu.memory_space<vmem_shared>>) target_semaphore(%run_scoped3A_70 : memref<!tpu.dma_semaphore, #tpu.memory_space<semaphore_mem>>)
      %dma_wait3A_75 = arith.constant 0 : i32
      %dma_wait3A_76 = tpu.memref_slice %arg7[%add3A_29, %dma_wait3A_75] : memref<10240x128xf32, #tpu.memory_space<vmem_shared>> -> memref<80x128xf32, #tpu.memory_space<vmem_shared>>
      %dma_wait3A_77 = arith.constant 0 : i32
      %dma_wait3A_78 = tpu.memref_slice %arg7[%add3A_29, %dma_wait3A_77] : memref<10240x128xf32, #tpu.memory_space<vmem_shared>> -> memref<80x128xf32, #tpu.memory_space<vmem_shared>>
      tpu.wait_dma2 semaphore(%run_scoped3A_70 : memref<!tpu.dma_semaphore, #tpu.memory_space<semaphore_mem>>) src(%arg10 : memref<80x128xf32, #tpu.memory_space<vmem>>) dst(%dma_wait3A_78 : memref<80x128xf32, #tpu.memory_space<vmem_shared>>)
      tpu.yield
    }) : () -> ()
    %mul3A_30 = arith.constant 640 : i32
    %mul3A_31 = arith.muli %arg1, %mul3A_30 : i32
    %add3A_32 = arith.constant 400 : i32
    %add3A_33 = arith.addi %mul3A_31, %add3A_32 : i32
    "tpu.region"() ({
      %run_scoped3A_70 = tpu.sem_alloc : memref<!tpu.dma_semaphore, #tpu.memory_space<semaphore_mem>>
      %dma_start3A_71 = arith.constant 0 : i32
      %dma_start3A_72 = tpu.memref_slice %arg7[%add3A_33, %dma_start3A_71] : memref<10240x128xf32, #tpu.memory_space<vmem_shared>> -> memref<80x128xf32, #tpu.memory_space<vmem_shared>>
      %dma_start3A_73 = arith.constant 0 : i32
      %dma_start3A_74 = tpu.memref_slice %arg7[%add3A_33, %dma_start3A_73] : memref<10240x128xf32, #tpu.memory_space<vmem_shared>> -> memref<80x128xf32, #tpu.memory_space<vmem_shared>>
      tpu.enqueue_dma source(%arg10 : memref<80x128xf32, #tpu.memory_space<vmem>>) target(%dma_start3A_74 : memref<80x128xf32, #tpu.memory_space<vmem_shared>>) target_semaphore(%run_scoped3A_70 : memref<!tpu.dma_semaphore, #tpu.memory_space<semaphore_mem>>)
      %dma_wait3A_75 = arith.constant 0 : i32
      %dma_wait3A_76 = tpu.memref_slice %arg7[%add3A_33, %dma_wait3A_75] : memref<10240x128xf32, #tpu.memory_space<vmem_shared>> -> memref<80x128xf32, #tpu.memory_space<vmem_shared>>
      %dma_wait3A_77 = arith.constant 0 : i32
      %dma_wait3A_78 = tpu.memref_slice %arg7[%add3A_33, %dma_wait3A_77] : memref<10240x128xf32, #tpu.memory_space<vmem_shared>> -> memref<80x128xf32, #tpu.memory_space<vmem_shared>>
      tpu.wait_dma2 semaphore(%run_scoped3A_70 : memref<!tpu.dma_semaphore, #tpu.memory_space<semaphore_mem>>) src(%arg10 : memref<80x128xf32, #tpu.memory_space<vmem>>) dst(%dma_wait3A_78 : memref<80x128xf32, #tpu.memory_space<vmem_shared>>)
      tpu.yield
    }) : () -> ()
    %mul3A_34 = arith.constant 640 : i32
    %mul3A_35 = arith.muli %arg1, %mul3A_34 : i32
    %add3A_36 = arith.constant 480 : i32
    %add3A_37 = arith.addi %mul3A_35, %add3A_36 : i32
    "tpu.region"() ({
      %run_scoped3A_70 = tpu.sem_alloc : memref<!tpu.dma_semaphore, #tpu.memory_space<semaphore_mem>>
      %dma_start3A_71 = arith.constant 0 : i32
      %dma_start3A_72 = tpu.memref_slice %arg7[%add3A_37, %dma_start3A_71] : memref<10240x128xf32, #tpu.memory_space<vmem_shared>> -> memref<80x128xf32, #tpu.memory_space<vmem_shared>>
      %dma_start3A_73 = arith.constant 0 : i32
      %dma_start3A_74 = tpu.memref_slice %arg7[%add3A_37, %dma_start3A_73] : memref<10240x128xf32, #tpu.memory_space<vmem_shared>> -> memref<80x128xf32, #tpu.memory_space<vmem_shared>>
      tpu.enqueue_dma source(%arg10 : memref<80x128xf32, #tpu.memory_space<vmem>>) target(%dma_start3A_74 : memref<80x128xf32, #tpu.memory_space<vmem_shared>>) target_semaphore(%run_scoped3A_70 : memref<!tpu.dma_semaphore, #tpu.memory_space<semaphore_mem>>)
      %dma_wait3A_75 = arith.constant 0 : i32
      %dma_wait3A_76 = tpu.memref_slice %arg7[%add3A_37, %dma_wait3A_75] : memref<10240x128xf32, #tpu.memory_space<vmem_shared>> -> memref<80x128xf32, #tpu.memory_space<vmem_shared>>
      %dma_wait3A_77 = arith.constant 0 : i32
      %dma_wait3A_78 = tpu.memref_slice %arg7[%add3A_37, %dma_wait3A_77] : memref<10240x128xf32, #tpu.memory_space<vmem_shared>> -> memref<80x128xf32, #tpu.memory_space<vmem_shared>>
      tpu.wait_dma2 semaphore(%run_scoped3A_70 : memref<!tpu.dma_semaphore, #tpu.memory_space<semaphore_mem>>) src(%arg10 : memref<80x128xf32, #tpu.memory_space<vmem>>) dst(%dma_wait3A_78 : memref<80x128xf32, #tpu.memory_space<vmem_shared>>)
      tpu.yield
    }) : () -> ()
    %mul3A_38 = arith.constant 640 : i32
    %mul3A_39 = arith.muli %arg1, %mul3A_38 : i32
    %add3A_40 = arith.constant 560 : i32
    %add3A_41 = arith.addi %mul3A_39, %add3A_40 : i32
    "tpu.region"() ({
      %run_scoped3A_70 = tpu.sem_alloc : memref<!tpu.dma_semaphore, #tpu.memory_space<semaphore_mem>>
      %dma_start3A_71 = arith.constant 0 : i32
      %dma_start3A_72 = tpu.memref_slice %arg7[%add3A_41, %dma_start3A_71] : memref<10240x128xf32, #tpu.memory_space<vmem_shared>> -> memref<80x128xf32, #tpu.memory_space<vmem_shared>>
      %dma_start3A_73 = arith.constant 0 : i32
      %dma_start3A_74 = tpu.memref_slice %arg7[%add3A_41, %dma_start3A_73] : memref<10240x128xf32, #tpu.memory_space<vmem_shared>> -> memref<80x128xf32, #tpu.memory_space<vmem_shared>>
      tpu.enqueue_dma source(%arg10 : memref<80x128xf32, #tpu.memory_space<vmem>>) target(%dma_start3A_74 : memref<80x128xf32, #tpu.memory_space<vmem_shared>>) target_semaphore(%run_scoped3A_70 : memref<!tpu.dma_semaphore, #tpu.memory_space<semaphore_mem>>)
      %dma_wait3A_75 = arith.constant 0 : i32
      %dma_wait3A_76 = tpu.memref_slice %arg7[%add3A_41, %dma_wait3A_75] : memref<10240x128xf32, #tpu.memory_space<vmem_shared>> -> memref<80x128xf32, #tpu.memory_space<vmem_shared>>
      %dma_wait3A_77 = arith.constant 0 : i32
      %dma_wait3A_78 = tpu.memref_slice %arg7[%add3A_41, %dma_wait3A_77] : memref<10240x128xf32, #tpu.memory_space<vmem_shared>> -> memref<80x128xf32, #tpu.memory_space<vmem_shared>>
      tpu.wait_dma2 semaphore(%run_scoped3A_70 : memref<!tpu.dma_semaphore, #tpu.memory_space<semaphore_mem>>) src(%arg10 : memref<80x128xf32, #tpu.memory_space<vmem>>) dst(%dma_wait3A_78 : memref<80x128xf32, #tpu.memory_space<vmem_shared>>)
      tpu.yield
    }) : () -> ()
    %barrier3A = arith.constant 0 : index
    tpu.barrier barrier_id(%barrier3A)
    %dma_start3A = arith.constant 0 : i32
    %dma_start3A_42 = tpu.memref_slice %arg8[%dma_start3A] : memref<10000xi32, #tpu.memory_space<vmem>> -> memref<80xi32, #tpu.memory_space<vmem>>
    %dma_start3A_43 = arith.constant 0 : i32
    %dma_start3A_44 = arith.constant 0 : i32
    %dma_start3A_45 = tpu.memref_slice %arg2[%dma_start3A_43, %dma_start3A_44] : memref<10240x128xf32, #tpu.memory_space<hbm>> -> memref<10240x128xf32, #tpu.memory_space<hbm>>
    tpu.enqueue_indirect_dma source(%dma_start3A_45 : memref<10240x128xf32, #tpu.memory_space<hbm>>) target(%arg10 : memref<80x128xf32, #tpu.memory_space<vmem>>) offsets(%dma_start3A_42 : memref<80xi32, #tpu.memory_space<vmem>>) semaphore(%arg12 : memref<!tpu.dma_semaphore, #tpu.memory_space<semaphore_mem>>)
    %dma_start3A_46 = arith.constant 80 : i32
    %dma_start3A_47 = tpu.memref_slice %arg8[%dma_start3A_46] : memref<10000xi32, #tpu.memory_space<vmem>> -> memref<80xi32, #tpu.memory_space<vmem>>
    %dma_start3A_48 = arith.constant 0 : i32
    %dma_start3A_49 = arith.constant 0 : i32
    %dma_start3A_50 = tpu.memref_slice %arg2[%dma_start3A_48, %dma_start3A_49] : memref<10240x128xf32, #tpu.memory_space<hbm>> -> memref<10240x128xf32, #tpu.memory_space<hbm>>
    tpu.enqueue_indirect_dma source(%dma_start3A_50 : memref<10240x128xf32, #tpu.memory_space<hbm>>) target(%arg11 : memref<80x128xf32, #tpu.memory_space<vmem>>) offsets(%dma_start3A_47 : memref<80xi32, #tpu.memory_space<vmem>>) semaphore(%arg13 : memref<!tpu.dma_semaphore, #tpu.memory_space<semaphore_mem>>)
    %scan3A_51 = arith.constant 0 : i32
    %scan3A_52 = arith.constant 0 : i32
    %scan3A_53 = arith.constant 62 : i32
    %scan3A_54 = arith.addi %scan3A_52, %scan3A_53 : i32
    %scan3A_55 = arith.constant 1 : i32
    %scan3A_56 = scf.for %scan3A_70 = %scan3A_52 to %scan3A_54 step %scan3A_55 iter_args(%scan3A_71 = %scan3A_51) -> (i32)  : i32 {
      %mul3A_72 = arith.constant 2 : i32
      %mul3A_73 = arith.muli %mul3A_72, %scan3A_70 : i32
      %mul3A_74 = arith.constant 80 : i32
      %mul3A_75 = arith.muli %mul3A_73, %mul3A_74 : i32
      %dma_wait3A_76 = tpu.memref_slice %arg8[%mul3A_75] : memref<10000xi32, #tpu.memory_space<vmem>> -> memref<80xi32, #tpu.memory_space<vmem>>
      %dma_wait3A_77 = arith.constant 0 : i32
      %dma_wait3A_78 = arith.constant 0 : i32
      %dma_wait3A_79 = tpu.memref_slice %arg2[%dma_wait3A_77, %dma_wait3A_78] : memref<10240x128xf32, #tpu.memory_space<hbm>> -> memref<10240x128xf32, #tpu.memory_space<hbm>>
      tpu.wait_indirect_dma semaphore(%arg12 : memref<!tpu.dma_semaphore, #tpu.memory_space<semaphore_mem>>) src(%dma_wait3A_79 : memref<10240x128xf32, #tpu.memory_space<hbm>>) dst(%arg10 : memref<80x128xf32, #tpu.memory_space<vmem>>)
      "tpu.region"() ({
        %run_scoped3A_103 = tpu.sem_alloc : memref<!tpu.dma_semaphore, #tpu.memory_space<semaphore_mem>>
        %dma_start3A_104 = arith.constant 0 : i32
        %dma_start3A_105 = tpu.memref_slice %arg9[%mul3A_73, %dma_start3A_104] : memref<125x80xi32, #tpu.memory_space<vmem>> -> memref<1x80xi32, #tpu.memory_space<vmem>>
        %dma_start3A_106 = tpu.memref_squeeze %dma_start3A_105 : memref<1x80xi32, #tpu.memory_space<vmem>> -> memref<80xi32, #tpu.memory_space<vmem>>
        %dma_start3A_107 = arith.constant 0 : i32
        %dma_start3A_108 = arith.constant 0 : i32
        %dma_start3A_109 = tpu.memref_slice %arg7[%dma_start3A_107, %dma_start3A_108] : memref<10240x128xf32, #tpu.memory_space<vmem_shared>> -> memref<10240x128xf32, #tpu.memory_space<vmem_shared>>
        tpu.enqueue_indirect_dma source(%arg10 : memref<80x128xf32, #tpu.memory_space<vmem>>) target(%dma_start3A_109 : memref<10240x128xf32, #tpu.memory_space<vmem_shared>>) offsets(%dma_start3A_106 : memref<80xi32, #tpu.memory_space<vmem>>) semaphore(%run_scoped3A_103 : memref<!tpu.dma_semaphore, #tpu.memory_space<semaphore_mem>>) {add = true}
        %dma_wait3A_110 = arith.constant 0 : i32
        %dma_wait3A_111 = tpu.memref_slice %arg9[%mul3A_73, %dma_wait3A_110] : memref<125x80xi32, #tpu.memory_space<vmem>> -> memref<1x80xi32, #tpu.memory_space<vmem>>
        %dma_wait3A_112 = tpu.memref_squeeze %dma_wait3A_111 : memref<1x80xi32, #tpu.memory_space<vmem>> -> memref<80xi32, #tpu.memory_space<vmem>>
        %dma_wait3A_113 = arith.constant 0 : i32
        %dma_wait3A_114 = arith.constant 0 : i32
        %dma_wait3A_115 = tpu.memref_slice %arg7[%dma_wait3A_113, %dma_wait3A_114] : memref<10240x128xf32, #tpu.memory_space<vmem_shared>> -> memref<10240x128xf32, #tpu.memory_space<vmem_shared>>
        tpu.wait_indirect_dma semaphore(%run_scoped3A_103 : memref<!tpu.dma_semaphore, #tpu.memory_space<semaphore_mem>>) src(%arg10 : memref<80x128xf32, #tpu.memory_space<vmem>>) dst(%dma_wait3A_115 : memref<10240x128xf32, #tpu.memory_space<vmem_shared>>)
        tpu.yield
      }) : () -> ()
      %add3A_80 = arith.constant 2 : i32
      %add3A_81 = arith.addi %mul3A_73, %add3A_80 : i32
      %mul3A_82 = arith.constant 80 : i32
      %mul3A_83 = arith.muli %add3A_81, %mul3A_82 : i32
      %dma_start3A_84 = tpu.memref_slice %arg8[%mul3A_83] : memref<10000xi32, #tpu.memory_space<vmem>> -> memref<80xi32, #tpu.memory_space<vmem>>
      %dma_start3A_85 = arith.constant 0 : i32
      %dma_start3A_86 = arith.constant 0 : i32
      %dma_start3A_87 = tpu.memref_slice %arg2[%dma_start3A_85, %dma_start3A_86] : memref<10240x128xf32, #tpu.memory_space<hbm>> -> memref<10240x128xf32, #tpu.memory_space<hbm>>
      tpu.enqueue_indirect_dma source(%dma_start3A_87 : memref<10240x128xf32, #tpu.memory_space<hbm>>) target(%arg10 : memref<80x128xf32, #tpu.memory_space<vmem>>) offsets(%dma_start3A_84 : memref<80xi32, #tpu.memory_space<vmem>>) semaphore(%arg12 : memref<!tpu.dma_semaphore, #tpu.memory_space<semaphore_mem>>)
      %add3A_88 = arith.constant 1 : i32
      %add3A_89 = arith.addi %mul3A_73, %add3A_88 : i32
      %mul3A_90 = arith.constant 80 : i32
      %mul3A_91 = arith.muli %add3A_89, %mul3A_90 : i32
      %dma_wait3A_92 = tpu.memref_slice %arg8[%mul3A_91] : memref<10000xi32, #tpu.memory_space<vmem>> -> memref<80xi32, #tpu.memory_space<vmem>>
      %dma_wait3A_93 = arith.constant 0 : i32
      %dma_wait3A_94 = arith.constant 0 : i32
      %dma_wait3A_95 = tpu.memref_slice %arg2[%dma_wait3A_93, %dma_wait3A_94] : memref<10240x128xf32, #tpu.memory_space<hbm>> -> memref<10240x128xf32, #tpu.memory_space<hbm>>
      tpu.wait_indirect_dma semaphore(%arg13 : memref<!tpu.dma_semaphore, #tpu.memory_space<semaphore_mem>>) src(%dma_wait3A_95 : memref<10240x128xf32, #tpu.memory_space<hbm>>) dst(%arg11 : memref<80x128xf32, #tpu.memory_space<vmem>>)
      %add3A_96 = arith.constant 1 : i32
      %add3A_97 = arith.addi %mul3A_73, %add3A_96 : i32
      "tpu.region"() ({
        %run_scoped3A_103 = tpu.sem_alloc : memref<!tpu.dma_semaphore, #tpu.memory_space<semaphore_mem>>
        %dma_start3A_104 = arith.constant 0 : i32
        %dma_start3A_105 = tpu.memref_slice %arg9[%add3A_97, %dma_start3A_104] : memref<125x80xi32, #tpu.memory_space<vmem>> -> memref<1x80xi32, #tpu.memory_space<vmem>>
        %dma_start3A_106 = tpu.memref_squeeze %dma_start3A_105 : memref<1x80xi32, #tpu.memory_space<vmem>> -> memref<80xi32, #tpu.memory_space<vmem>>
        %dma_start3A_107 = arith.constant 0 : i32
        %dma_start3A_108 = arith.constant 0 : i32
        %dma_start3A_109 = tpu.memref_slice %arg7[%dma_start3A_107, %dma_start3A_108] : memref<10240x128xf32, #tpu.memory_space<vmem_shared>> -> memref<10240x128xf32, #tpu.memory_space<vmem_shared>>
        tpu.enqueue_indirect_dma source(%arg11 : memref<80x128xf32, #tpu.memory_space<vmem>>) target(%dma_start3A_109 : memref<10240x128xf32, #tpu.memory_space<vmem_shared>>) offsets(%dma_start3A_106 : memref<80xi32, #tpu.memory_space<vmem>>) semaphore(%run_scoped3A_103 : memref<!tpu.dma_semaphore, #tpu.memory_space<semaphore_mem>>) {add = true}
        %dma_wait3A_110 = arith.constant 0 : i32
        %dma_wait3A_111 = tpu.memref_slice %arg9[%add3A_97, %dma_wait3A_110] : memref<125x80xi32, #tpu.memory_space<vmem>> -> memref<1x80xi32, #tpu.memory_space<vmem>>
        %dma_wait3A_112 = tpu.memref_squeeze %dma_wait3A_111 : memref<1x80xi32, #tpu.memory_space<vmem>> -> memref<80xi32, #tpu.memory_space<vmem>>
        %dma_wait3A_113 = arith.constant 0 : i32
        %dma_wait3A_114 = arith.constant 0 : i32
        %dma_wait3A_115 = tpu.memref_slice %arg7[%dma_wait3A_113, %dma_wait3A_114] : memref<10240x128xf32, #tpu.memory_space<vmem_shared>> -> memref<10240x128xf32, #tpu.memory_space<vmem_shared>>
        tpu.wait_indirect_dma semaphore(%run_scoped3A_103 : memref<!tpu.dma_semaphore, #tpu.memory_space<semaphore_mem>>) src(%arg11 : memref<80x128xf32, #tpu.memory_space<vmem>>) dst(%dma_wait3A_115 : memref<10240x128xf32, #tpu.memory_space<vmem_shared>>)
        tpu.yield
      }) : () -> ()
      %lt3A = arith.constant 61 : i32
      %lt3A_98 = arith.cmpi slt, %scan3A_70, %lt3A : i32
      %convert_element_type3A_99 = arith.extui %lt3A_98 : i1 to i32
      %cond3A_100 = arith.constant 0 : i32
      %cond3A_101 = arith.cmpi ne, %convert_element_type3A_99, %cond3A_100 : i32
      scf.if %cond3A_101 {
        %add3A_103 = arith.constant 3 : i32
        %add3A_104 = arith.addi %mul3A_73, %add3A_103 : i32
        %mul3A_105 = arith.constant 80 : i32
        %mul3A_106 = arith.muli %add3A_104, %mul3A_105 : i32
        %dma_start3A_107 = tpu.memref_slice %arg8[%mul3A_106] : memref<10000xi32, #tpu.memory_space<vmem>> -> memref<80xi32, #tpu.memory_space<vmem>>
        %dma_start3A_108 = arith.constant 0 : i32
        %dma_start3A_109 = arith.constant 0 : i32
        %dma_start3A_110 = tpu.memref_slice %arg2[%dma_start3A_108, %dma_start3A_109] : memref<10240x128xf32, #tpu.memory_space<hbm>> -> memref<10240x128xf32, #tpu.memory_space<hbm>>
        tpu.enqueue_indirect_dma source(%dma_start3A_110 : memref<10240x128xf32, #tpu.memory_space<hbm>>) target(%arg11 : memref<80x128xf32, #tpu.memory_space<vmem>>) offsets(%dma_start3A_107 : memref<80xi32, #tpu.memory_space<vmem>>) semaphore(%arg13 : memref<!tpu.dma_semaphore, #tpu.memory_space<semaphore_mem>>)
      } else {
      }
      %scan3A_102 = arith.constant 0 : i32
      scf.yield %scan3A_102 : i32
    }
    %scan3A_57 = arith.constant 62 : i32
    %dma_wait3A = arith.constant 9920 : i32
    %dma_wait3A_58 = tpu.memref_slice %arg8[%dma_wait3A] : memref<10000xi32, #tpu.memory_space<vmem>> -> memref<80xi32, #tpu.memory_space<vmem>>
    %dma_wait3A_59 = arith.constant 0 : i32
    %dma_wait3A_60 = arith.constant 0 : i32
    %dma_wait3A_61 = tpu.memref_slice %arg2[%dma_wait3A_59, %dma_wait3A_60] : memref<10240x128xf32, #tpu.memory_space<hbm>> -> memref<10240x128xf32, #tpu.memory_space<hbm>>
    tpu.wait_indirect_dma semaphore(%arg12 : memref<!tpu.dma_semaphore, #tpu.memory_space<semaphore_mem>>) src(%dma_wait3A_61 : memref<10240x128xf32, #tpu.memory_space<hbm>>) dst(%arg10 : memref<80x128xf32, #tpu.memory_space<vmem>>)
    %run_scoped3A = arith.constant 124 : i32
    "tpu.region"() ({
      %run_scoped3A_70 = tpu.sem_alloc : memref<!tpu.dma_semaphore, #tpu.memory_space<semaphore_mem>>
      %dma_start3A_71 = arith.constant 0 : i32
      %dma_start3A_72 = tpu.memref_slice %arg9[%run_scoped3A, %dma_start3A_71] : memref<125x80xi32, #tpu.memory_space<vmem>> -> memref<1x80xi32, #tpu.memory_space<vmem>>
      %dma_start3A_73 = tpu.memref_squeeze %dma_start3A_72 : memref<1x80xi32, #tpu.memory_space<vmem>> -> memref<80xi32, #tpu.memory_space<vmem>>
      %dma_start3A_74 = arith.constant 0 : i32
      %dma_start3A_75 = arith.constant 0 : i32
      %dma_start3A_76 = tpu.memref_slice %arg7[%dma_start3A_74, %dma_start3A_75] : memref<10240x128xf32, #tpu.memory_space<vmem_shared>> -> memref<10240x128xf32, #tpu.memory_space<vmem_shared>>
      tpu.enqueue_indirect_dma source(%arg10 : memref<80x128xf32, #tpu.memory_space<vmem>>) target(%dma_start3A_76 : memref<10240x128xf32, #tpu.memory_space<vmem_shared>>) offsets(%dma_start3A_73 : memref<80xi32, #tpu.memory_space<vmem>>) semaphore(%run_scoped3A_70 : memref<!tpu.dma_semaphore, #tpu.memory_space<semaphore_mem>>) {add = true}
      %dma_wait3A_77 = arith.constant 0 : i32
      %dma_wait3A_78 = tpu.memref_slice %arg9[%run_scoped3A, %dma_wait3A_77] : memref<125x80xi32, #tpu.memory_space<vmem>> -> memref<1x80xi32, #tpu.memory_space<vmem>>
      %dma_wait3A_79 = tpu.memref_squeeze %dma_wait3A_78 : memref<1x80xi32, #tpu.memory_space<vmem>> -> memref<80xi32, #tpu.memory_space<vmem>>
      %dma_wait3A_80 = arith.constant 0 : i32
      %dma_wait3A_81 = arith.constant 0 : i32
      %dma_wait3A_82 = tpu.memref_slice %arg7[%dma_wait3A_80, %dma_wait3A_81] : memref<10240x128xf32, #tpu.memory_space<vmem_shared>> -> memref<10240x128xf32, #tpu.memory_space<vmem_shared>>
      tpu.wait_indirect_dma semaphore(%run_scoped3A_70 : memref<!tpu.dma_semaphore, #tpu.memory_space<semaphore_mem>>) src(%arg10 : memref<80x128xf32, #tpu.memory_space<vmem>>) dst(%dma_wait3A_82 : memref<10240x128xf32, #tpu.memory_space<vmem_shared>>)
      tpu.yield
    }) : () -> ()
    %barrier3A_62 = arith.constant 0 : index
    tpu.barrier barrier_id(%barrier3A_62)
    %eq3A = arith.constant 0 : i32
    %eq3A_63 = arith.cmpi eq, %arg0, %eq3A : i32
    %convert_element_type3A = arith.extui %eq3A_63 : i1 to i32
    %cond3A = arith.constant 0 : i32
    %cond3A_64 = arith.cmpi ne, %convert_element_type3A, %cond3A : i32
    scf.if %cond3A_64 {
      %mul3A_70 = arith.constant 640 : i32
      %mul3A_71 = arith.muli %arg1, %mul3A_70 : i32
      %mul3A_72 = arith.constant 640 : i32
      %mul3A_73 = arith.muli %arg1, %mul3A_72 : i32
      "tpu.region"() ({
        %run_scoped3A_74 = tpu.sem_alloc : memref<!tpu.dma_semaphore, #tpu.memory_space<semaphore_mem>>
        %dma_start3A_75 = arith.constant 0 : i32
        %dma_start3A_76 = tpu.memref_slice %arg5[%mul3A_73, %dma_start3A_75] : memref<10240x128xf32, #tpu.memory_space<hbm>> -> memref<640x128xf32, #tpu.memory_space<hbm>>
        %dma_start3A_77 = arith.constant 0 : i32
        %dma_start3A_78 = tpu.memref_slice %arg7[%mul3A_71, %dma_start3A_77] : memref<10240x128xf32, #tpu.memory_space<vmem_shared>> -> memref<640x128xf32, #tpu.memory_space<vmem_shared>>
        tpu.enqueue_dma source(%dma_start3A_78 : memref<640x128xf32, #tpu.memory_space<vmem_shared>>) target(%dma_start3A_76 : memref<640x128xf32, #tpu.memory_space<hbm>>) target_semaphore(%run_scoped3A_74 : memref<!tpu.dma_semaphore, #tpu.memory_space<semaphore_mem>>)
        %dma_wait3A_79 = arith.constant 0 : i32
        %dma_wait3A_80 = tpu.memref_slice %arg5[%mul3A_73, %dma_wait3A_79] : memref<10240x128xf32, #tpu.memory_space<hbm>> -> memref<640x128xf32, #tpu.memory_space<hbm>>
        %dma_wait3A_81 = arith.constant 0 : i32
        %dma_wait3A_82 = tpu.memref_slice %arg7[%mul3A_71, %dma_wait3A_81] : memref<10240x128xf32, #tpu.memory_space<vmem_shared>> -> memref<640x128xf32, #tpu.memory_space<vmem_shared>>
        tpu.wait_dma2 semaphore(%run_scoped3A_74 : memref<!tpu.dma_semaphore, #tpu.memory_space<semaphore_mem>>) src(%dma_wait3A_82 : memref<640x128xf32, #tpu.memory_space<vmem_shared>>) dst(%dma_wait3A_80 : memref<640x128xf32, #tpu.memory_space<hbm>>)
        tpu.yield
      }) : () -> ()
    } else {
    }
    %eq3A_65 = arith.constant 1 : i32
    %eq3A_66 = arith.cmpi eq, %arg0, %eq3A_65 : i32
    %convert_element_type3A_67 = arith.extui %eq3A_66 : i1 to i32
    %cond3A_68 = arith.constant 0 : i32
    %cond3A_69 = arith.cmpi ne, %convert_element_type3A_67, %cond3A_68 : i32
    scf.if %cond3A_69 {
      %mul3A_70 = arith.constant 640 : i32
      %mul3A_71 = arith.muli %arg1, %mul3A_70 : i32
      %mul3A_72 = arith.constant 640 : i32
      %mul3A_73 = arith.muli %arg1, %mul3A_72 : i32
      "tpu.region"() ({
        %run_scoped3A_74 = tpu.sem_alloc : memref<!tpu.dma_semaphore, #tpu.memory_space<semaphore_mem>>
        %dma_start3A_75 = arith.constant 0 : i32
        %dma_start3A_76 = tpu.memref_slice %arg6[%mul3A_73, %dma_start3A_75] : memref<10240x128xf32, #tpu.memory_space<hbm>> -> memref<640x128xf32, #tpu.memory_space<hbm>>
        %dma_start3A_77 = arith.constant 0 : i32
        %dma_start3A_78 = tpu.memref_slice %arg7[%mul3A_71, %dma_start3A_77] : memref<10240x128xf32, #tpu.memory_space<vmem_shared>> -> memref<640x128xf32, #tpu.memory_space<vmem_shared>>
        tpu.enqueue_dma source(%dma_start3A_78 : memref<640x128xf32, #tpu.memory_space<vmem_shared>>) target(%dma_start3A_76 : memref<640x128xf32, #tpu.memory_space<hbm>>) target_semaphore(%run_scoped3A_74 : memref<!tpu.dma_semaphore, #tpu.memory_space<semaphore_mem>>)
        %dma_wait3A_79 = arith.constant 0 : i32
        %dma_wait3A_80 = tpu.memref_slice %arg6[%mul3A_73, %dma_wait3A_79] : memref<10240x128xf32, #tpu.memory_space<hbm>> -> memref<640x128xf32, #tpu.memory_space<hbm>>
        %dma_wait3A_81 = arith.constant 0 : i32
        %dma_wait3A_82 = tpu.memref_slice %arg7[%mul3A_71, %dma_wait3A_81] : memref<10240x128xf32, #tpu.memory_space<vmem_shared>> -> memref<640x128xf32, #tpu.memory_space<vmem_shared>>
        tpu.wait_dma2 semaphore(%run_scoped3A_74 : memref<!tpu.dma_semaphore, #tpu.memory_space<semaphore_mem>>) src(%dma_wait3A_82 : memref<640x128xf32, #tpu.memory_space<vmem_shared>>) dst(%dma_wait3A_80 : memref<640x128xf32, #tpu.memory_space<hbm>>)
        tpu.yield
      }) : () -> ()
    } else {
    }
    return
  }
}

module attributes {stable_mosaic.version = 14 : i64} {
  func.func @_tc1_body(%arg0: i32, %arg1: memref<1024x128xf32, #tpu.memory_space<vmem>>, %arg2: memref<128x128xf32, #tpu.memory_space<vmem>>, %arg3: memref<1024xf32, #tpu.memory_space<vmem>>, %arg4: memref<1024xf32, #tpu.memory_space<vmem>>, %arg5: memref<1024x128xf32, #tpu.memory_space<vmem>>, %arg6: memref<1024xf32, #tpu.memory_space<vmem>>) attributes {dimension_semantics = [#tpu.dimension_semantics<arbitrary>], iteration_bounds = array<i64: 10>, scalar_prefetch = 0 : i64, scratch_operands = 0 : i64, tpu.core_type = #tpu.core_type<tc>, window_params = [{transform_indices = @transform_0, window_bounds = array<i64: 1024, 128>}, {pipeline_mode = #tpu.pipeline_mode<synchronous>, transform_indices = @transform_1, window_bounds = array<i64: 128, 128>}, {transform_indices = @transform_2, window_bounds = array<i64: 1024>}, {transform_indices = @transform_3, window_bounds = array<i64: 1024>}, {transform_indices = @transform_4, window_bounds = array<i64: 1024, 128>}, {transform_indices = @transform_5, window_bounds = array<i64: 1024>}]} {
    %get3A = arith.constant 0 : index
    %get3A_0 = vector.load %arg3[%get3A] : memref<1024xf32, #tpu.memory_space<vmem>>, vector<1024xf32>
    %get3A_1 = arith.constant 0 : index
    %get3A_2 = vector.load %arg4[%get3A_1] : memref<1024xf32, #tpu.memory_space<vmem>>, vector<1024xf32>
    %add3A = arith.addf %get3A_0, %get3A_2 : vector<1024xf32>
    %add3A_3 = arith.constant 1.000000e+00 : f32
    %add3A_4 = vector.broadcast %add3A_3 : f32 to vector<1024xf32>
    %add3A_5 = arith.addf %add3A, %add3A_4 : vector<1024xf32>
    %rsqrt3A = math.rsqrt %add3A_5 : vector<1024xf32>
    %swap3A = arith.constant 0 : index
    %swap3A_6 = vector.load %arg6[%swap3A] : memref<1024xf32, #tpu.memory_space<vmem>>, vector<1024xf32>
    tpu.vector_store %arg6[%swap3A], %rsqrt3A {strides = array<i32>} : memref<1024xf32, #tpu.memory_space<vmem>>, vector<1024xf32>,
    %get3A_7 = arith.constant 0 : index
    %get3A_8 = arith.constant 0 : index
    %get3A_9 = vector.load %arg1[%get3A_7, %get3A_8] : memref<1024x128xf32, #tpu.memory_space<vmem>>, vector<1024x128xf32>
    %get3A_10 = arith.constant 0 : index
    %get3A_11 = arith.constant 0 : index
    %get3A_12 = vector.load %arg2[%get3A_10, %get3A_11] : memref<128x128xf32, #tpu.memory_space<vmem>>, vector<128x128xf32>
    %dot_general3A = arith.constant dense<0.000000e+00> : vector<1024x128xf32>
    %dot_general3A_13 = tpu.matmul %get3A_9, %get3A_12, %dot_general3A {dimension_numbers = #tpu.dot_dimension_numbers<[1], [0], [0], [1], [0, 0, 1, 1], [], []>, transpose_lhs_hint = false} : vector<1024x128xf32>, vector<128x128xf32>, vector<1024x128xf32> -> vector<1024x128xf32>
    %broadcast_in_dim3A = vector.shape_cast %rsqrt3A : vector<1024xf32> to vector<1024x1xf32>
    %mul3A = vector.broadcast %broadcast_in_dim3A : vector<1024x1xf32> to vector<1024x128xf32>
    %mul3A_14 = arith.mulf %dot_general3A_13, %mul3A : vector<1024x128xf32>
    %swap3A_15 = arith.constant 0 : index
    %swap3A_16 = arith.constant 0 : index
    %swap3A_17 = vector.load %arg5[%swap3A_15, %swap3A_16] : memref<1024x128xf32, #tpu.memory_space<vmem>>, vector<1024x128xf32>
    tpu.vector_store %arg5[%swap3A_15, %swap3A_16], %mul3A_14 {strides = array<i32>} : memref<1024x128xf32, #tpu.memory_space<vmem>>, vector<1024x128xf32>,
    return
  }
  func.func @transform_0(%arg0: i32) -> (i32, i32) {
    %c0_i32 = arith.constant 0 : i32
    %c0_i32_0 = arith.constant 0 : i32
    return %arg0, %c0_i32 : i32, i32
  }
  func.func @transform_1(%arg0: i32) -> (i32, i32) {
    %c0_i32 = arith.constant 0 : i32
    %c0_i32_0 = arith.constant 0 : i32
    %c0_i32_1 = arith.constant 0 : i32
    return %c0_i32, %c0_i32_0 : i32, i32
  }
  func.func @transform_2(%arg0: i32) -> i32 {
    %c0_i32 = arith.constant 0 : i32
    return %arg0 : i32
  }
  func.func @transform_3(%arg0: i32) -> i32 {
    %c0_i32 = arith.constant 0 : i32
    return %arg0 : i32
  }
  func.func @transform_4(%arg0: i32) -> (i32, i32) {
    %c0_i32 = arith.constant 0 : i32
    %c0_i32_0 = arith.constant 0 : i32
    return %arg0, %c0_i32 : i32, i32
  }
  func.func @transform_5(%arg0: i32) -> i32 {
    %c0_i32 = arith.constant 0 : i32
    return %arg0 : i32
  }
}

module attributes {stable_mosaic.version = 14 : i64} {
  func.func @_tc2_body(%arg0: i32, %arg1: memref<1024x128xf32, #tpu.memory_space<vmem>>, %arg2: memref<1024x128xf32, #tpu.memory_space<vmem>>, %arg3: memref<1024x128xf32, #tpu.memory_space<vmem>>, %arg4: memref<1024xf32, #tpu.memory_space<vmem>>, %arg5: memref<8x128xf32, #tpu.memory_space<vmem>>, %arg6: memref<128x128xf32, #tpu.memory_space<vmem>>, %arg7: memref<512x128xf32, #tpu.memory_space<vmem>>, %arg8: memref<128x128xf32, #tpu.memory_space<vmem>>, %arg9: memref<8x128xf32, #tpu.memory_space<vmem>>, %arg10: memref<1024x128xf32, #tpu.memory_space<vmem>>, %arg11: memref<512x128xf32, #tpu.memory_space<vmem>>) attributes {dimension_semantics = [#tpu.dimension_semantics<arbitrary>], iteration_bounds = array<i64: 10>, scalar_prefetch = 0 : i64, scratch_operands = 0 : i64, tpu.core_type = #tpu.core_type<tc>, window_params = [{transform_indices = @transform_0, window_bounds = array<i64: 1024, 128>}, {transform_indices = @transform_1, window_bounds = array<i64: 1024, 128>}, {transform_indices = @transform_2, window_bounds = array<i64: 1024, 128>}, {transform_indices = @transform_3, window_bounds = array<i64: 1024>}, {pipeline_mode = #tpu.pipeline_mode<synchronous>, transform_indices = @transform_4, window_bounds = array<i64: 8, 128>}, {pipeline_mode = #tpu.pipeline_mode<synchronous>, transform_indices = @transform_5, window_bounds = array<i64: 128, 128>}, {transform_indices = @transform_6, window_bounds = array<i64: 512, 128>}, {pipeline_mode = #tpu.pipeline_mode<synchronous>, transform_indices = @transform_7, window_bounds = array<i64: 128, 128>}, {pipeline_mode = #tpu.pipeline_mode<synchronous>, transform_indices = @transform_8, window_bounds = array<i64: 8, 128>}, {transform_indices = @transform_9, window_bounds = array<i64: 1024, 128>}, {transform_indices = @transform_10, window_bounds = array<i64: 512, 128>}]} {
    %get3A = arith.constant 0 : index
    %get3A_0 = vector.load %arg4[%get3A] : memref<1024xf32, #tpu.memory_space<vmem>>, vector<1024xf32>
    %broadcast_in_dim3A = vector.shape_cast %get3A_0 : vector<1024xf32> to vector<1024x1xf32>
    %get3A_1 = arith.constant 0 : index
    %get3A_2 = arith.constant 0 : index
    %get3A_3 = vector.load %arg1[%get3A_1, %get3A_2] : memref<1024x128xf32, #tpu.memory_space<vmem>>, vector<1024x128xf32>
    %get3A_4 = arith.constant 0 : index
    %get3A_5 = arith.constant 0 : index
    %get3A_6 = vector.load %arg2[%get3A_4, %get3A_5] : memref<1024x128xf32, #tpu.memory_space<vmem>>, vector<1024x128xf32>
    %add3A = arith.addf %get3A_3, %get3A_6 : vector<1024x128xf32>
    %get3A_7 = arith.constant 0 : index
    %get3A_8 = arith.constant 0 : index
    %get3A_9 = vector.load %arg3[%get3A_7, %get3A_8] : memref<1024x128xf32, #tpu.memory_space<vmem>>, vector<1024x128xf32>
    %add3A_10 = arith.addf %add3A, %get3A_9 : vector<1024x128xf32>
    %mul3A = vector.broadcast %broadcast_in_dim3A : vector<1024x1xf32> to vector<1024x128xf32>
    %mul3A_11 = arith.mulf %mul3A, %add3A_10 : vector<1024x128xf32>
    %get3A_12 = arith.constant 0 : index
    %get3A_13 = arith.constant 0 : index
    %get3A_14 = vector.load %arg5[%get3A_12, %get3A_13] : memref<8x128xf32, #tpu.memory_space<vmem>>, vector<1x128xf32>
    %add3A_15 = vector.broadcast %get3A_14 : vector<1x128xf32> to vector<1024x128xf32>
    %add3A_16 = arith.addf %mul3A_11, %add3A_15 : vector<1024x128xf32>
    %max3A = arith.constant 0.000000e+00 : f32
    %max3A_17 = vector.broadcast %max3A : f32 to vector<1024x128xf32>
    %max3A_18 = arith.maximumf %add3A_16, %max3A_17 : vector<1024x128xf32>
    %get3A_19 = arith.constant 0 : index
    %get3A_20 = arith.constant 0 : index
    %get3A_21 = vector.load %arg6[%get3A_19, %get3A_20] : memref<128x128xf32, #tpu.memory_space<vmem>>, vector<128x128xf32>
    %dot_general3A = arith.constant dense<0.000000e+00> : vector<1024x128xf32>
    %dot_general3A_22 = tpu.matmul %max3A_18, %get3A_21, %dot_general3A {dimension_numbers = #tpu.dot_dimension_numbers<[1], [0], [0], [1], [0, 0, 1, 1], [], []>, transpose_lhs_hint = false} : vector<1024x128xf32>, vector<128x128xf32>, vector<1024x128xf32> -> vector<1024x128xf32>
    %broadcast_in_dim3A_23 = vector.shape_cast %get3A_0 : vector<1024xf32> to vector<1024x1xf32>
    %mul3A_24 = vector.broadcast %broadcast_in_dim3A_23 : vector<1024x1xf32> to vector<1024x128xf32>
    %mul3A_25 = arith.mulf %dot_general3A_22, %mul3A_24 : vector<1024x128xf32>
    %swap3A = arith.constant 0 : index
    %swap3A_26 = arith.constant 0 : index
    %swap3A_27 = vector.load %arg10[%swap3A, %swap3A_26] : memref<1024x128xf32, #tpu.memory_space<vmem>>, vector<1024x128xf32>
    tpu.vector_store %arg10[%swap3A, %swap3A_26], %mul3A_25 {strides = array<i32>} : memref<1024x128xf32, #tpu.memory_space<vmem>>, vector<1024x128xf32>,
    %get3A_28 = arith.constant 0 : index
    %get3A_29 = arith.constant 0 : index
    %get3A_30 = vector.load %arg7[%get3A_28, %get3A_29] : memref<512x128xf32, #tpu.memory_space<vmem>>, vector<512x128xf32>
    %get3A_31 = arith.constant 0 : index
    %get3A_32 = arith.constant 0 : index
    %get3A_33 = vector.load %arg8[%get3A_31, %get3A_32] : memref<128x128xf32, #tpu.memory_space<vmem>>, vector<128x128xf32>
    %dot_general3A_34 = arith.constant dense<0.000000e+00> : vector<512x128xf32>
    %dot_general3A_35 = tpu.matmul %get3A_30, %get3A_33, %dot_general3A_34 {dimension_numbers = #tpu.dot_dimension_numbers<[1], [0], [0], [1], [0, 0, 1, 1], [], []>, transpose_lhs_hint = false} : vector<512x128xf32>, vector<128x128xf32>, vector<512x128xf32> -> vector<512x128xf32>
    %get3A_36 = arith.constant 0 : index
    %get3A_37 = arith.constant 0 : index
    %get3A_38 = vector.load %arg9[%get3A_36, %get3A_37] : memref<8x128xf32, #tpu.memory_space<vmem>>, vector<1x128xf32>
    %add3A_39 = vector.broadcast %get3A_38 : vector<1x128xf32> to vector<512x128xf32>
    %add3A_40 = arith.addf %dot_general3A_35, %add3A_39 : vector<512x128xf32>
    %swap3A_41 = arith.constant 0 : index
    %swap3A_42 = arith.constant 0 : index
    %swap3A_43 = vector.load %arg11[%swap3A_41, %swap3A_42] : memref<512x128xf32, #tpu.memory_space<vmem>>, vector<512x128xf32>
    tpu.vector_store %arg11[%swap3A_41, %swap3A_42], %add3A_40 {strides = array<i32>} : memref<512x128xf32, #tpu.memory_space<vmem>>, vector<512x128xf32>,
    return
  }
  func.func @transform_0(%arg0: i32) -> (i32, i32) {
    %c0_i32 = arith.constant 0 : i32
    %c0_i32_0 = arith.constant 0 : i32
    return %arg0, %c0_i32 : i32, i32
  }
  func.func @transform_1(%arg0: i32) -> (i32, i32) {
    %c0_i32 = arith.constant 0 : i32
    %c0_i32_0 = arith.constant 0 : i32
    return %arg0, %c0_i32 : i32, i32
  }
  func.func @transform_2(%arg0: i32) -> (i32, i32) {
    %c0_i32 = arith.constant 0 : i32
    %c0_i32_0 = arith.constant 0 : i32
    return %arg0, %c0_i32 : i32, i32
  }
  func.func @transform_3(%arg0: i32) -> i32 {
    %c0_i32 = arith.constant 0 : i32
    return %arg0 : i32
  }
  func.func @transform_4(%arg0: i32) -> (i32, i32) {
    %c0_i32 = arith.constant 0 : i32
    %c0_i32_0 = arith.constant 0 : i32
    %c0_i32_1 = arith.constant 0 : i32
    return %c0_i32, %c0_i32_0 : i32, i32
  }
  func.func @transform_5(%arg0: i32) -> (i32, i32) {
    %c0_i32 = arith.constant 0 : i32
    %c0_i32_0 = arith.constant 0 : i32
    %c0_i32_1 = arith.constant 0 : i32
    return %c0_i32, %c0_i32_0 : i32, i32
  }
  func.func @transform_6(%arg0: i32) -> (i32, i32) {
    %c0_i32 = arith.constant 0 : i32
    %c0_i32_0 = arith.constant 0 : i32
    return %arg0, %c0_i32 : i32, i32
  }
  func.func @transform_7(%arg0: i32) -> (i32, i32) {
    %c0_i32 = arith.constant 0 : i32
    %c0_i32_0 = arith.constant 0 : i32
    %c0_i32_1 = arith.constant 0 : i32
    return %c0_i32, %c0_i32_0 : i32, i32
  }
  func.func @transform_8(%arg0: i32) -> (i32, i32) {
    %c0_i32 = arith.constant 0 : i32
    %c0_i32_0 = arith.constant 0 : i32
    %c0_i32_1 = arith.constant 0 : i32
    return %c0_i32, %c0_i32_0 : i32, i32
  }
  func.func @transform_9(%arg0: i32) -> (i32, i32) {
    %c0_i32 = arith.constant 0 : i32
    %c0_i32_0 = arith.constant 0 : i32
    return %arg0, %c0_i32 : i32, i32
  }
  func.func @transform_10(%arg0: i32) -> (i32, i32) {
    %c0_i32 = arith.constant 0 : i32
    %c0_i32_0 = arith.constant 0 : i32
    return %arg0, %c0_i32 : i32, i32
  }
}

module attributes {stable_mosaic.version = 14 : i64} {
  func.func @_tc3_body(%arg0: i32, %arg1: memref<1024x128xf32, #tpu.memory_space<vmem>>, %arg2: memref<1024x128xf32, #tpu.memory_space<vmem>>, %arg3: memref<1024x128xf32, #tpu.memory_space<vmem>>, %arg4: memref<1024xf32, #tpu.memory_space<vmem>>, %arg5: memref<8x128xf32, #tpu.memory_space<vmem>>, %arg6: memref<128x128xf32, #tpu.memory_space<vmem>>, %arg7: memref<488x128xf32, #tpu.memory_space<vmem>>, %arg8: memref<128x128xf32, #tpu.memory_space<vmem>>, %arg9: memref<8x128xf32, #tpu.memory_space<vmem>>, %arg10: memref<1024xf32, #tpu.memory_space<vmem>>, %arg11: memref<1024xf32, #tpu.memory_space<vmem>>, %arg12: memref<488x128xf32, #tpu.memory_space<vmem>>) attributes {dimension_semantics = [#tpu.dimension_semantics<arbitrary>], iteration_bounds = array<i64: 10>, scalar_prefetch = 0 : i64, scratch_operands = 0 : i64, tpu.core_type = #tpu.core_type<tc>, window_params = [{transform_indices = @transform_0, window_bounds = array<i64: 1024, 128>}, {transform_indices = @transform_1, window_bounds = array<i64: 1024, 128>}, {transform_indices = @transform_2, window_bounds = array<i64: 1024, 128>}, {transform_indices = @transform_3, window_bounds = array<i64: 1024>}, {pipeline_mode = #tpu.pipeline_mode<synchronous>, transform_indices = @transform_4, window_bounds = array<i64: 8, 128>}, {pipeline_mode = #tpu.pipeline_mode<synchronous>, transform_indices = @transform_5, window_bounds = array<i64: 128, 128>}, {transform_indices = @transform_6, window_bounds = array<i64: 488, 128>}, {pipeline_mode = #tpu.pipeline_mode<synchronous>, transform_indices = @transform_7, window_bounds = array<i64: 128, 128>}, {pipeline_mode = #tpu.pipeline_mode<synchronous>, transform_indices = @transform_8, window_bounds = array<i64: 8, 128>}, {transform_indices = @transform_9, window_bounds = array<i64: 1024>}, {transform_indices = @transform_10, window_bounds = array<i64: 1024>}, {transform_indices = @transform_11, window_bounds = array<i64: 488, 128>}]} {
    %get3A = arith.constant 0 : index
    %get3A_0 = vector.load %arg4[%get3A] : memref<1024xf32, #tpu.memory_space<vmem>>, vector<1024xf32>
    %broadcast_in_dim3A = vector.shape_cast %get3A_0 : vector<1024xf32> to vector<1024x1xf32>
    %get3A_1 = arith.constant 0 : index
    %get3A_2 = arith.constant 0 : index
    %get3A_3 = vector.load %arg1[%get3A_1, %get3A_2] : memref<1024x128xf32, #tpu.memory_space<vmem>>, vector<1024x128xf32>
    %get3A_4 = arith.constant 0 : index
    %get3A_5 = arith.constant 0 : index
    %get3A_6 = vector.load %arg2[%get3A_4, %get3A_5] : memref<1024x128xf32, #tpu.memory_space<vmem>>, vector<1024x128xf32>
    %add3A = arith.addf %get3A_3, %get3A_6 : vector<1024x128xf32>
    %get3A_7 = arith.constant 0 : index
    %get3A_8 = arith.constant 0 : index
    %get3A_9 = vector.load %arg3[%get3A_7, %get3A_8] : memref<1024x128xf32, #tpu.memory_space<vmem>>, vector<1024x128xf32>
    %add3A_10 = arith.addf %add3A, %get3A_9 : vector<1024x128xf32>
    %mul3A = vector.broadcast %broadcast_in_dim3A : vector<1024x1xf32> to vector<1024x128xf32>
    %mul3A_11 = arith.mulf %mul3A, %add3A_10 : vector<1024x128xf32>
    %get3A_12 = arith.constant 0 : index
    %get3A_13 = arith.constant 0 : index
    %get3A_14 = vector.load %arg5[%get3A_12, %get3A_13] : memref<8x128xf32, #tpu.memory_space<vmem>>, vector<1x128xf32>
    %add3A_15 = vector.broadcast %get3A_14 : vector<1x128xf32> to vector<1024x128xf32>
    %add3A_16 = arith.addf %mul3A_11, %add3A_15 : vector<1024x128xf32>
    %max3A = arith.constant 0.000000e+00 : f32
    %max3A_17 = vector.broadcast %max3A : f32 to vector<1024x128xf32>
    %max3A_18 = arith.maximumf %add3A_16, %max3A_17 : vector<1024x128xf32>
    %get3A_19 = arith.constant 0 : index
    %get3A_20 = arith.constant 0 : index
    %get3A_21 = vector.load %arg6[%get3A_19, %get3A_20] : memref<128x128xf32, #tpu.memory_space<vmem>>, vector<128x128xf32>
    %dot_general3A = arith.constant dense<0.000000e+00> : vector<1024x128xf32>
    %dot_general3A_22 = tpu.matmul %max3A_18, %get3A_21, %dot_general3A {dimension_numbers = #tpu.dot_dimension_numbers<[1], [0], [0], [1], [0, 0, 1, 1], [], []>, transpose_lhs_hint = false} : vector<1024x128xf32>, vector<128x128xf32>, vector<1024x128xf32> -> vector<1024x128xf32>
    %slice3A = vector.extract_strided_slice %dot_general3A_22 {offsets = [0, 0], sizes = [1024, 1], strides = [1, 1]} : vector<1024x128xf32> to vector<1024x1xf32>
    %squeeze3A = vector.shape_cast %slice3A : vector<1024x1xf32> to vector<1024xf32>
    %swap3A = arith.constant 0 : index
    %swap3A_23 = vector.load %arg10[%swap3A] : memref<1024xf32, #tpu.memory_space<vmem>>, vector<1024xf32>
    tpu.vector_store %arg10[%swap3A], %squeeze3A {strides = array<i32>} : memref<1024xf32, #tpu.memory_space<vmem>>, vector<1024xf32>,
    %slice3A_24 = vector.extract_strided_slice %dot_general3A_22 {offsets = [0, 1], sizes = [1024, 1], strides = [1, 1]} : vector<1024x128xf32> to vector<1024x1xf32>
    %squeeze3A_25 = vector.shape_cast %slice3A_24 : vector<1024x1xf32> to vector<1024xf32>
    %swap3A_26 = arith.constant 0 : index
    %swap3A_27 = vector.load %arg11[%swap3A_26] : memref<1024xf32, #tpu.memory_space<vmem>>, vector<1024xf32>
    tpu.vector_store %arg11[%swap3A_26], %squeeze3A_25 {strides = array<i32>} : memref<1024xf32, #tpu.memory_space<vmem>>, vector<1024xf32>,
    %get3A_28 = arith.constant 0 : index
    %get3A_29 = arith.constant 0 : index
    %get3A_30 = vector.load %arg7[%get3A_28, %get3A_29] : memref<488x128xf32, #tpu.memory_space<vmem>>, vector<488x128xf32>
    %get3A_31 = arith.constant 0 : index
    %get3A_32 = arith.constant 0 : index
    %get3A_33 = vector.load %arg8[%get3A_31, %get3A_32] : memref<128x128xf32, #tpu.memory_space<vmem>>, vector<128x128xf32>
    %dot_general3A_34 = arith.constant dense<0.000000e+00> : vector<488x128xf32>
    %dot_general3A_35 = tpu.matmul %get3A_30, %get3A_33, %dot_general3A_34 {dimension_numbers = #tpu.dot_dimension_numbers<[1], [0], [0], [1], [0, 0, 1, 1], [], []>, transpose_lhs_hint = false} : vector<488x128xf32>, vector<128x128xf32>, vector<488x128xf32> -> vector<488x128xf32>
    %get3A_36 = arith.constant 0 : index
    %get3A_37 = arith.constant 0 : index
    %get3A_38 = vector.load %arg9[%get3A_36, %get3A_37] : memref<8x128xf32, #tpu.memory_space<vmem>>, vector<1x128xf32>
    %add3A_39 = vector.broadcast %get3A_38 : vector<1x128xf32> to vector<488x128xf32>
    %add3A_40 = arith.addf %dot_general3A_35, %add3A_39 : vector<488x128xf32>
    %swap3A_41 = arith.constant 0 : index
    %swap3A_42 = arith.constant 0 : index
    %swap3A_43 = vector.load %arg12[%swap3A_41, %swap3A_42] : memref<488x128xf32, #tpu.memory_space<vmem>>, vector<488x128xf32>
    tpu.vector_store %arg12[%swap3A_41, %swap3A_42], %add3A_40 {strides = array<i32>} : memref<488x128xf32, #tpu.memory_space<vmem>>, vector<488x128xf32>,
    return
  }
  func.func @transform_0(%arg0: i32) -> (i32, i32) {
    %c0_i32 = arith.constant 0 : i32
    %c0_i32_0 = arith.constant 0 : i32
    return %arg0, %c0_i32 : i32, i32
  }
  func.func @transform_1(%arg0: i32) -> (i32, i32) {
    %c0_i32 = arith.constant 0 : i32
    %c0_i32_0 = arith.constant 0 : i32
    return %arg0, %c0_i32 : i32, i32
  }
  func.func @transform_2(%arg0: i32) -> (i32, i32) {
    %c0_i32 = arith.constant 0 : i32
    %c0_i32_0 = arith.constant 0 : i32
    return %arg0, %c0_i32 : i32, i32
  }
  func.func @transform_3(%arg0: i32) -> i32 {
    %c0_i32 = arith.constant 0 : i32
    return %arg0 : i32
  }
  func.func @transform_4(%arg0: i32) -> (i32, i32) {
    %c0_i32 = arith.constant 0 : i32
    %c0_i32_0 = arith.constant 0 : i32
    %c0_i32_1 = arith.constant 0 : i32
    return %c0_i32, %c0_i32_0 : i32, i32
  }
  func.func @transform_5(%arg0: i32) -> (i32, i32) {
    %c0_i32 = arith.constant 0 : i32
    %c0_i32_0 = arith.constant 0 : i32
    %c0_i32_1 = arith.constant 0 : i32
    return %c0_i32, %c0_i32_0 : i32, i32
  }
  func.func @transform_6(%arg0: i32) -> (i32, i32) {
    %c0_i32 = arith.constant 0 : i32
    %c0_i32_0 = arith.constant 0 : i32
    return %arg0, %c0_i32 : i32, i32
  }
  func.func @transform_7(%arg0: i32) -> (i32, i32) {
    %c0_i32 = arith.constant 0 : i32
    %c0_i32_0 = arith.constant 0 : i32
    %c0_i32_1 = arith.constant 0 : i32
    return %c0_i32, %c0_i32_0 : i32, i32
  }
  func.func @transform_8(%arg0: i32) -> (i32, i32) {
    %c0_i32 = arith.constant 0 : i32
    %c0_i32_0 = arith.constant 0 : i32
    %c0_i32_1 = arith.constant 0 : i32
    return %c0_i32, %c0_i32_0 : i32, i32
  }
  func.func @transform_9(%arg0: i32) -> i32 {
    %c0_i32 = arith.constant 0 : i32
    return %arg0 : i32
  }
  func.func @transform_10(%arg0: i32) -> i32 {
    %c0_i32 = arith.constant 0 : i32
    return %arg0 : i32
  }
  func.func @transform_11(%arg0: i32) -> (i32, i32) {
    %c0_i32 = arith.constant 0 : i32
    %c0_i32_0 = arith.constant 0 : i32
    return %arg0, %c0_i32 : i32, i32
  }
}

</mosaic_0001>

<sc_bundles>
// kernel: kernel.12.cloned.1.call-start
scs
__scs_entry_jumppad:
0x0: {  	(pc) =	sbr.rel $0x88, $3  }
0x1: {  	(tag) =	ssettag $0x0;
	lr =	simm.s32 $0x1  }
0x2: {  	[smem:$0x3F98] =	sst lr;
	_ =	strace $0xD0000000  }
0x3: {  	_ = 	snop  }
0x4: {  	_ = 	snop  }
0x5: {  	_ = 	snop  }
0x6: {  	_ = 	snop  }
0x7: {  	_ = 	snop  }
__scs_overlays_trampoline_lowered:
0x8: {  	[smem:$0x3FA7] =	sst s0  }
0x9: {  	[smem:$0x3FA8] =	sst s1  }
0xa: {  	[smem:$0x3FA9] =	sst s2  }
0xb: {  	[smem:$0x3FAA] =	sst s3  }
0xc: {  	[smem:$0x3FAB] =	sst s4  }
0xd: {  	[smem:$0x3FAC] =	sst s5  }
0xe: {  	[smem:$0x3FAD] =	sst s6  }
0xf: {  	[smem:$0x3FAE] =	sst s7  }
0x10: {  	[smem:$0x3FAF] =	sst s8  }
0x11: {  	[smem:$0x3FB0] =	sst s9;
	s0 =	simm.s32 @!p0 $0x0  }
0x12: {  	s1 =	sld [smem:$0x3F96];
	s0 =	simm.s32 @p0 $0x1  }
0x13: {  	[smem:$0x3FB1] =	sst s0;
	s0 =	simm.s32 @!p1 $0x0  }
0x14: {  	s2 =	sld [smem:$0x3F95];
	s0 =	simm.s32 @p1 $0x1  }
0x15: {  	[smem:$0x3FB2] =	sst s0;
	s0 =	simm.s32 @!p2 $0x0  }
0x16: {  	s3 =	sld [smem:$0x3FDB];
	s0 =	simm.s32 @p2 $0x1  }
0x17: {  	s4 =	simm.s32 $0x1BF5;
	[smem:$0x3FB4] =	sst s0  }
0x18: {  	s0 =	sld [smem:$0x3F97];
	_ =	swait.ge [sflag:s4], $0x0  }
0x19: {  	s7 =	sld [smem:$0x3F98]  }
0x1a: {  	s8 =	sadd.s32 $0xFFFFE003, lr  }
0x1b: {  	s9 =	sadd.s32 $0xFFFFFEF7, lr;
	s5 =	simm.s32 $0xFFFFFFFF;
	p2 =	slt.u32 s8, $0xFFFFF086  }
0x1c: {  	p1 =	slt.u32 s9, $0xF7A;
	s5 =	simm.s32 @!p2 $0x0  }
0x1d: {  	s5 =	simm.s32 @p1 $0x1;
	p0 =	seq.s32 s7, s2  }
0x1e: {  	s7 =	smul.u32 @!p0 $0xF7A, s2;
	p2 =	seq.s32 @!p0 s5, $0x0  }
0x1f: {  	s9 =	smul.u32 $0xF7A, s1;
	s8 =	simm.s32 @!p0 $0x1BF5;
	p2 =	por !p2, p0  }
0x20: {  	[sflag:s8] =	ssyncset.s32 @!p0 $0xFFFFF086;
	s6 =	sadd.s32 @!p0 s3, s7;
	s7 =	simm.s32 @!p0 $0x108  }
0x21: {  	s3 =	sadd.s32 s3, s9;
	s6 =	sadd.s32 @!p0 $0x88, s6;
	s7 =	simm.s32 @p2 $0x1082  }
0x22: {  	[simem:s7], [sflag:s8] =	dma.local @!p0 [hbm:s6], $0xF7A  }
0x23: {  	s9 =	sor.u32 $0xD0000000, s2;
	s6 =	simm.s32 $0x108;
	_ =	swait.ge @!p0 [sflag:s8], $0x0  }
0x24: {  	s3 =	sadd.s32 $0x88, s3;
	s6 =	simm.s32 @!p1 $0x1082;
	[sflag:s4] =	ssyncset.s32 $0xFFFFF086  }
0x25: {  	[simem:s6], [sflag:s4] =	dma.local [hbm:s3], $0xF7A  }
0x26: {  	[smem:$0x3F98] =	sst s1;
	(tag) =	ssettag s2;
	_ =	strace s9  }
0x27: {  	s1 =	sld [smem:$0x3FA8]  }
0x28: {  	s2 =	sld [smem:$0x3FA9]  }
0x29: {  	s4 =	sld [smem:$0x3FAB]  }
0x2a: {  	p0 =	seq.s32 s5, $0x0;
	s5 =	sld [smem:$0x3FAC]  }
0x2b: {  	s6 =	sld [smem:$0x3FAD]  }
0x2c: {  	s7 =	sld [smem:$0x3FAE]  }
0x2d: {  	s3 =	simm.s32 $0x108;
	s8 =	sld [smem:$0x3FAF]  }
0x2e: {  	s3 =	simm.s32 @!p0 $0x1082;
	s9 =	sld [smem:$0x3FB0]  }
0x2f: {  	lr =	sadd.s32 s0, s3;
	s0 =	sld [smem:$0x3FA7]  }
0x30: {  	s3 =	sld [smem:$0x3FAA]  }
0x31: {  	[smem:$0x3FB3] =	sst s10  }
0x32: {  	s10 =	sld [smem:$0x3FB1];
	_ =	sdelay $0x3  }
0x33: {  	p0 =	seq.s32 s10, $0x1;
	s10 =	sld [smem:$0x3FB3];
	_ =	sdelay $0x3  }
0x34: {  	[smem:$0x3FB3] =	sst s10  }
0x35: {  	s10 =	sld [smem:$0x3FB2];
	_ =	sdelay $0x3  }
0x36: {  	p1 =	seq.s32 s10, $0x1;
	s10 =	sld [smem:$0x3FB3];
	_ =	sdelay $0x3  }
0x37: {  	[smem:$0x3FB3] =	sst s10  }
0x38: {  	s10 =	sld [smem:$0x3FB4]  }
0x39: {  	_ = 	snop;
	(pc) =	sbr.ind lr, $3  }
0x3a: {  	_ = 	snop  }
0x3b: {  	_ = 	snop  }
0x3c: {  	p2 =	seq.s32 s10, $0x1;
	s10 =	sld [smem:$0x3FB3]  }
0x3d: {  	_ =	shalt  }
0x3e: {  	_ =	shalt  }
0x3f: {  	_ =	shalt  }
0x40: {  	_ =	shalt  }
0x41: {  	_ =	shalt  }
0x42: {  	_ =	shalt  }
0x43: {  	_ =	shalt  }
0x44: {  	_ =	shalt  }
0x45: {  	_ =	shalt  }
0x46: {  	_ =	shalt  }
0x47: {  	_ =	shalt  }
0x48: {  	_ =	shalt  }
0x49: {  	_ =	shalt  }
0x4a: {  	_ =	shalt  }
0x4b: {  	_ =	shalt  }
0x4c: {  	_ =	shalt  }
0x4d: {  	_ =	shalt  }
0x4e: {  	_ =	shalt  }
0x4f: {  	_ =	shalt  }
0x50: {  	_ =	shalt  }
0x51: {  	_ =	shalt  }
0x52: {  	_ =	shalt  }
0x53: {  	_ =	shalt  }
0x54: {  	_ =	shalt  }
0x55: {  	_ =	shalt  }
0x56: {  	_ =	shalt  }
0x57: {  	_ =	shalt  }
0x58: {  	_ =	shalt  }
0x59: {  	_ =	shalt  }
0x5a: {  	_ =	shalt  }
0x5b: {  	_ =	shalt  }
0x5c: {  	_ =	shalt  }
0x5d: {  	_ =	shalt  }
0x5e: {  	_ =	shalt  }
0x5f: {  	_ =	shalt  }
0x60: {  	_ =	shalt  }
0x61: {  	_ =	shalt  }
0x62: {  	_ =	shalt  }
0x63: {  	_ =	shalt  }
0x64: {  	_ =	shalt  }
0x65: {  	_ =	shalt  }
0x66: {  	_ =	shalt  }
0x67: {  	_ =	shalt  }
0x68: {  	_ =	shalt  }
0x69: {  	_ =	shalt  }
0x6a: {  	_ =	shalt  }
0x6b: {  	_ =	shalt  }
0x6c: {  	_ =	shalt  }
0x6d: {  	_ =	shalt  }
0x6e: {  	_ =	shalt  }
0x6f: {  	_ =	shalt  }
0x70: {  	_ =	shalt  }
0x71: {  	_ =	shalt  }
0x72: {  	_ =	shalt  }
0x73: {  	_ =	shalt  }
0x74: {  	_ =	shalt  }
0x75: {  	_ =	shalt  }
0x76: {  	_ =	shalt  }
0x77: {  	_ =	shalt  }
0x78: {  	_ =	shalt  }
0x79: {  	_ =	shalt  }
0x7a: {  	_ =	shalt  }
0x7b: {  	_ =	shalt  }
0x7c: {  	_ =	shalt  }
0x7d: {  	_ =	shalt  }
0x7e: {  	_ =	shalt  }
0x7f: {  	_ =	shalt  }
0x80: {  	_ =	shalt  }
0x81: {  	_ =	shalt  }
0x82: {  	_ =	shalt  }
0x83: {  	_ =	shalt  }
0x84: {  	_ =	shalt  }
0x85: {  	_ =	shalt  }
0x86: {  	_ =	shalt  }
0x87: {  	_ =	shalt  }
.Lfunc_end0:
.L_simem_size_0:
called_computation.1_lowered:
.L_overlay_start_0:
0x88: {  	s2 =	sld [smem:$0x3FD9]  }
0x89: {  	s3 =	sld [smem:$0x3FFE];
	_ =	sdelay $0x1  }
0x8a: {  	s1 =	srdreg.scid  }
0x8b: {  	s0 =	sand.u32 $0x1, s1  }
0x8c: {  	s16 =	sshll.u32 s0, $0xA;
	s2 =	sadd.s32 s3, s2  }
0x8d: {  	s2 =	sadd.s32 s2, s16  }
0x8e: {  	[smem:$0x3FBF] =	sst s2  }
0x8f: {  	_ = 	snop  }
0x90: {  	(tm) =	ssettm $0x1  }
0x91: {  	s17 =	sld [smem:$0x3FFB];
	_ =	sdelay $0x3  }
0x92: {  	_ =	strace s17  }
0x93: {  	s2 =	sld [smem:$0x3FFC];
	_ =	sdelay $0x3  }
0x94: {  	_ =	strace s2  }
0x95: {  	s2 =	sld [smem:$0x3FFD];
	_ =	sdelay $0x3  }
0x96: {  	_ =	strace s2  }
0x97: {  	_ =	strace $0x8FFFFFFF  }
0x98: {  	s18 =	sld [smem:$0x3FDB];
	_ =	sdelay $0x1  }
0x99: {  	s19 =	simm.s32 $_scs_section_size  }
0x9a: {  	s4 =	simm.s32 $_size__tile_overlayer_lowered;
	s5 =	simm.s32 $_tile_overlayer_lowered  }
0x9b: {  	s22 =	simm.s32 $0x1BFF;
	s21 =	sshll.u32 s5, $0x1;
	s2 =	sadd.s32 s19, s18  }
0x9c: {  	s6 =	simm.s32 $0x0;
	s20 =	sshll.u32 s4, $0x1;
	s4 =	sadd.s32 s21, s2  }
0x9d: {  	[timem:s6], [sflag:s22] =	dma.local [hbm:s4], s20  }
0x9e: {  	_ =	swait.ge [sflag:s22], s20  }
0x9f: {  	s3 =	ssub.s32 $0x0, s20;
	[sflag:s22] =	ssyncset.done $0x0  }
0xa0: {  	[sflag:s22] =	ssyncadd.s32 s3;
	_ =	sdelay $0x1  }
0xa1: {  	s23 =	simm.s32 $0x1B8B  }
0xa2: {  	_ =	swait.ge [sflag:s23], $0x1  }
0xa3: {  	[sflag:s23] =	ssyncset.done $0x0  }
0xa4: {  	s25 =	simm.s32 $0x1B8E;
	s24 =	sld [smem:$0x3FFE];
	[sflag:s23] =	ssyncadd.s32 $0xFFFFFFFF  }
0xa5: {  	s26 =	simm.s32 $execute0_lowered;
	[smem:$0x3FD2] =	sst s25  }
0xa6: {  	s4 =	sshll.u32 s26, $0x1;
	_ =	strace $0x80000049;
	[dreg:$0x1] =	wrdreg $0xFFFFFFFF  }
0xa7: {  	s28 =	simm.s32 $_size_execute0_lowered;
	s2 =	sadd.s32 s2, s4;
	[dreg:$0x0] =	wrdreg $0x0  }
0xa8: {  	s4 =	sshll.u32 s28, $0x1;
	[dreg:$0x2] =	wrdreg s2  }
0xa9: {  	[dreg:$0x3] =	wrdreg s4  }
0xaa: {  	[dreg:$0x4] =	wrdreg $0xC0  }
0xab: {  	_ =	task [dreg:s6], $0x5FFFF  }
0xac: {  	[dreg:$0x1] =	wrdreg $0xFFFFFFFF  }
0xad: {  	[dreg:$0x0] =	wrdreg $0x60  }
0xae: {  	[dreg:$0x2] =	wrdreg s24  }
0xaf: {  	[dreg:$0x3] =	wrdreg $0x0  }
0xb0: {  	[dreg:$0x4] =	wrdreg $0x9  }
0xb1: {  	_ =	task.clear_ibuf [dreg:s6], $0x5FFFF;
	_ =	strace $0x90000049  }
0xb2: {  	s29 =	simm.s32 $0x9;
	_ =	strace $0x8000004B  }
0xb3: {  	_ =	swait.ge [sflag:s29], $0x1  }
0xb4: {  	[sflag:s29] =	ssyncadd.s32 $0xFFFFFFFF  }
0xb5: {  	_ =	strace $0x9000004B  }
0xb6: {  	_ =	sfence  }
0xb7: {  	s30 =	sld [smem:$0x0];
	_ =	sdelay $0x2  }
0xb8: {  	s31 =	sshll.u32 s1, $0xD;
	s1 =	sshrl.u32 s1, $0x2  }
0xb9: {  	s3 =	sand.u32 $0x4000, s31;
	s1 =	sadd.s32 s1, s30  }
0xba: {  	s0 =	sor.u32 s3, s0;
	s1 =	sshll.u32 s1, $0x11  }
0xbb: {  	s0 =	sor.u32 s1, s0  }
0xbc: {  	s0 =	sadd.s32 $0x8F2B, s0  }
0xbd: {  	[sflag:s0] =	ssyncadd.remote.s32 $0x1  }
0xbe: {  	_ =	sfence.sel $0xFFFF  }
0xbf: {  	[dreg:$0x0] =	wrdreg $0xFFFFFFFF;
	(pc) =	sbr.abs _section_cstart, $3  }
0xc0: {  	[dreg:$0x1] =	wrdreg $0xFFFFFFFF  }
0xc1: {  	_ =	task.clear_ibuf [dreg:s6], $0x2FFFF;
	_ =	strace $0x9FFFFFFF  }
0xc2: {  	(tm) =	ssettm $0x7FFFFFFF  }
0xc3: {  	_ =	shalt  }
tec
execute0_lowered:
.L_overlay_start_1:
0x0: {  	(tag) =	ssettag $0x1  }
0x1: {  	s0 =	rddreg [dreg:$0x0]  }
0x2: {  	s2 =	rddreg [dreg:$0x1];
	s1 =	srdreg.scid  }
0x3: {  	s13 =	stileid.u32;
	s3 =	simm.s32 $0x0;
	s17 =	simm.s32 $0x14000  }
0x4: {  	s18 =	simm.s32 $0x3;
	s20 =	simm.s32 $0x1A780;
	s21 =	simm.s32 $0x50  }
0x5: {  	s23 =	simm.s32 $0x1CF80;
	s24 =	simm.s32 $0x1;
	s25 =	simm.s32 $0x2  }
0x6: {  	s26 =	simm.s32 $0x1A480;
	s28 =	simm.s32 $0x166C0;
	s29 =	simm.s32 $0x1A500  }
0x7: {  	s30 =	simm.s32 $0x1A580;
	s1 =	sand.u32 $0x1, s1;
	s8 =	smul.u32 $0x50000, s13  }
0x8: {  	s4 =	sshll.u32 s13, $0x1;
	[smem:$0x7FF] =	sst s3;
	s16 =	smul.u32 $0x2800, s13  }
0x9: {  	s5 =	sor.u32 s1, s4;
	_ =	strace $0x8000004A;
	s4 =	sadd.s32 $0x27E00, s0  }
0xa: {  	s7 =	ssub.s32 $0x2, s1;
	p0 =	seq.s32 s1, $0x1;
	s1 =	simm.s32 $0x77E00  }
0xb: {  	s6 =	smul.u32 $0x4E2, s5;
	s5 =	sshll.u32 s5, $0xB;
	s9 =	sshrl.u32 s7, $0x1  }
0xc: {  	s31 =	sshrl.u32 s8, $0x2;
	s1 =	simm.s32 @!p0 $0x4FE00;
	s10 =	sadd.s32 s5, s0  }
0xd: {  	s15 =	ssub.s32 s7, s9;
	s7 =	sadd.s32 s31, s2;
	s6 =	sadd.s32 s6, s0  }
0xe: {  	s8 =	sadd.s32 $0x2800, s7;
	s9 =	sadd.s32 $0x5000, s7;
	s11 =	sadd.s32 $0xA000, s7  }
0xf: {  	s12 =	sadd.s32 $0xC800, s7;
	s13 =	sadd.s32 $0xF000, s7;
	s14 =	sadd.s32 $0x11800, s7  }
0x10: {  	s0 =	sadd.s32 s1, s0;
	s15 =	smax.u32 s15, $0x1;
	s5 =	sadd.s32 $0x4200, s6  }
0x11: {  	v0 =	vimm.f32 $0.0e+00;
	s6 =	sadd.s32 $0x17E00, s10;
	s10 =	sadd.s32 $0x7800, s7;
	s16 =	sadd.s32 s0, s16  }
.LBB2_1:
0x12: {  	s0 =	simm.s32 $0x0;
	s1 =	simm.s32 $0x200  }
.LBB2_2:
0x13: {  	p0 =	sne.s32 s1, $0x9E00;
	[tilespmem:s0+$0x1A7F0] =	vst v0  }
0x14: {  	[tilespmem:s0+$0x1A780] =	vst v0  }
0x15: {  	[tilespmem:s0+$0x1A790] =	vst v0  }
.Ltmp0:
0x16: {  	[tilespmem:s0+$0x1A7A0] =	vst v0;
	(pc) =	sbr.rel @p0 .LBB2_2-.Ltmp0, $4  }
0x17: {  	[tilespmem:s0+$0x1A7B0] =	vst v0  }
0x18: {  	[tilespmem:s0+$0x1A7C0] =	vst v0  }
0x19: {  	[tilespmem:s0+$0x1A7D0] =	vst v0  }
0x1a: {  	[tilespmem:s0+$0x1A7E0] =	vst v0;
	s0 =	sshra.s32 s1, $0x2;
	s1 =	sadd.s32 $0x200, s1  }
0x1b: {  	[tilespmem:s0+$0x1A7F0] =	vst v0  }
0x1c: {  	[tilespmem:s0+$0x1A780] =	vst v0  }
0x1d: {  	[tilespmem:s0+$0x1A790] =	vst v0  }
0x1e: {  	[tilespmem:s0+$0x1A7A0] =	vst v0  }
0x1f: {  	[tilespmem:s0+$0x1A7B0] =	vst v0  }
0x20: {  	[tilespmem:s0+$0x1A7C0] =	vst v0  }
0x21: {  	[tilespmem:s0+$0x1A7D0] =	vst v0  }
0x22: {  	[tilespmem:s0+$0x1A7E0] =	vst v0;
	s19 =	simm.s32 $0x0  }
0x23: {  	[tilespmem:s17], [sflag:$0x3] =	stream.linear.gather [hbm4b:s5+s19], $0x2710, $0x38;
	[tilespmem:$0x1F780] =	vst v63  }
0x24: {  	_ =	swait.ge [sflag:s18], $0x2710  }
0x25: {  	[sflag:s18] =	ssyncset.done $0x0  }
0x26: {  	s1 =	simm.s32 $0x16780;
	[sflag:s18] =	ssyncadd.s32 $0xFFFFD8F0  }
0x27: {  	[tilespmem:s1], [sflag:$0x3] =	stream.linear.gather [hbm4b:s6+s19], $0x3E80, $0x38;
	[tilespmem:$0x1F780] =	vst v63  }
0x28: {  	_ =	swait.ge [sflag:s18], $0x3E80  }
0x29: {  	[sflag:s18] =	ssyncset.done $0x0  }
0x2a: {  	[sflag:s18] =	ssyncadd.s32 $0xFFFFC180  }
0x2b: {  	[spmem:s7] =	stream.linear.scatter [tilespmem:s20], [sflag:$0x3], $0x2800, $0x38;
	[tilespmem:$0x1F780] =	vst v63  }
0x2c: {  	_ =	swait.ge [sflag:s18], $0x2800  }
0x2d: {  	[sflag:s18] =	ssyncset.done $0x0  }
0x2e: {  	[sflag:s18] =	ssyncadd.s32 $0xFFFFD800  }
0x2f: {  	[spmem:s8] =	stream.linear.scatter [tilespmem:s20], [sflag:$0x3], $0x2800, $0x38;
	[tilespmem:$0x1F780] =	vst v63  }
0x30: {  	_ =	swait.ge [sflag:s18], $0x2800  }
0x31: {  	[sflag:s18] =	ssyncset.done $0x0  }
0x32: {  	[sflag:s18] =	ssyncadd.s32 $0xFFFFD800  }
0x33: {  	[spmem:s9] =	stream.linear.scatter [tilespmem:s20], [sflag:$0x3], $0x2800, $0x38;
	[tilespmem:$0x1F780] =	vst v63  }
0x34: {  	_ =	swait.ge [sflag:s18], $0x2800  }
0x35: {  	[sflag:s18] =	ssyncset.done $0x0  }
0x36: {  	[sflag:s18] =	ssyncadd.s32 $0xFFFFD800  }
0x37: {  	[spmem:s10] =	stream.linear.scatter [tilespmem:s20], [sflag:$0x3], $0x2800, $0x38;
	[tilespmem:$0x1F780] =	vst v63  }
0x38: {  	_ =	swait.ge [sflag:s18], $0x2800  }
0x39: {  	[sflag:s18] =	ssyncset.done $0x0  }
0x3a: {  	[sflag:s18] =	ssyncadd.s32 $0xFFFFD800  }
0x3b: {  	[spmem:s11] =	stream.linear.scatter [tilespmem:s20], [sflag:$0x3], $0x2800, $0x38;
	[tilespmem:$0x1F780] =	vst v63  }
0x3c: {  	_ =	swait.ge [sflag:s18], $0x2800  }
0x3d: {  	[sflag:s18] =	ssyncset.done $0x0  }
0x3e: {  	[sflag:s18] =	ssyncadd.s32 $0xFFFFD800  }
0x3f: {  	[spmem:s12] =	stream.linear.scatter [tilespmem:s20], [sflag:$0x3], $0x2800, $0x38;
	[tilespmem:$0x1F780] =	vst v63  }
0x40: {  	_ =	swait.ge [sflag:s18], $0x2800  }
0x41: {  	[sflag:s18] =	ssyncset.done $0x0  }
0x42: {  	[sflag:s18] =	ssyncadd.s32 $0xFFFFD800  }
0x43: {  	[spmem:s13] =	stream.linear.scatter [tilespmem:s20], [sflag:$0x3], $0x2800, $0x38;
	[tilespmem:$0x1F780] =	vst v63  }
0x44: {  	_ =	swait.ge [sflag:s18], $0x2800  }
0x45: {  	[sflag:s18] =	ssyncset.done $0x0  }
0x46: {  	[sflag:s18] =	ssyncadd.s32 $0xFFFFD800  }
0x47: {  	[spmem:s14] =	stream.linear.scatter [tilespmem:s20], [sflag:$0x3], $0x2800, $0x38;
	[tilespmem:$0x1F780] =	vst v63  }
0x48: {  	_ =	swait.ge [sflag:s18], $0x2800  }
0x49: {  	[sflag:s18] =	ssyncset.done $0x0  }
0x4a: {  	[sflag:s18] =	ssyncadd.s32 $0xFFFFD800  }
0x4b: {  	[bflag:$0x0] =	sbarrier.arrive $0xFFFF  }
0x4c: {  	[tilespmem:s20], [sflag:$0x1] =	stream.indirect.gather [hbm4b:s4+s21], $0x80, s17, s21, $0xb8;
	[tilespmem:$0x1F780] =	vst v63  }
0x4d: {  	s22 =	simm.s32 $0x14050  }
0x4e: {  	[tilespmem:s23], [sflag:$0x2] =	stream.indirect.gather [hbm4b:s4+s21], $0x80, s22, s21, $0xb8;
	[tilespmem:$0x1F780] =	vst v63  }
0x4f: {  	_ =	swait.ge [sflag:s24], $0x2800  }
0x50: {  	[sflag:s24] =	ssyncset.done $0x0  }
0x51: {  	s1 =	simm.s32 $0x16780;
	[sflag:s24] =	ssyncadd.s32 $0xFFFFD800  }
0x52: {  	[spmem:s2] =	stream.indirect.scatter.add.f32 [tilespmem:s20], [sflag:$0x3], $0x80, s1, s21, $0xb8;
	[tilespmem:$0x1F780] =	vst v63  }
0x53: {  	_ =	swait.ge [sflag:s18], $0x2800  }
0x54: {  	[sflag:s18] =	ssyncset.done $0x0  }
0x55: {  	s19 =	simm.s32 $0x140A0;
	[sflag:s18] =	ssyncadd.s32 $0xFFFFD800  }
0x56: {  	[tilespmem:s20], [sflag:$0x1] =	stream.indirect.gather [hbm4b:s4+s21], $0x80, s19, s21, $0xb8;
	[tilespmem:$0x1F780] =	vst v63  }
0x57: {  	_ =	swait.ge [sflag:s25], $0x2800  }
0x58: {  	[sflag:s25] =	ssyncset.done $0x0  }
0x59: {  	s22 =	simm.s32 $0x16800;
	[sflag:s25] =	ssyncadd.s32 $0xFFFFD800  }
0x5a: {  	[spmem:s2] =	stream.indirect.scatter.add.f32 [tilespmem:s23], [sflag:$0x3], $0x80, s22, s21, $0xb8;
	[tilespmem:$0x1F780] =	vst v63  }
0x5b: {  	_ =	swait.ge [sflag:s18], $0x2800  }
0x5c: {  	s31 =	simm.s32 $0x140F0;
	[sflag:s18] =	ssyncset.done $0x0  }
0x5d: {  	s0 =	simm.s32 $0x400;
	s1 =	simm.s32 $0x14190;
	[sflag:s18] =	ssyncadd.s32 $0xFFFFD800  }
.LBB2_4:
0x5e: {  	[tilespmem:s23], [sflag:$0x2] =	stream.indirect.gather [hbm4b:s4+s21], $0x80, s31, s21, $0xb8;
	[tilespmem:$0x1F780] =	vst v63  }
0x5f: {  	s19 =	smov.u32 s0;
	s31 =	smov.u32 s1  }
0x60: {  	p0 =	sne.s32 s0, $0xF000;
	s0 =	sadd.s32 $0x400, s0;
	_ =	swait.ge [sflag:s24], $0x2800  }
0x61: {  	s19 =	sshra.s32 s19, $0x2;
	[sflag:s24] =	ssyncset.done $0x0  }
0x62: {  	s22 =	sadd.s32 $0x16780, s19;
	[sflag:s24] =	ssyncadd.s32 $0xFFFFD800  }
0x63: {  	[spmem:s2] =	stream.indirect.scatter.add.f32 [tilespmem:s20], [sflag:$0x3], $0x80, s22, s21, $0xb8;
	[tilespmem:$0x1F780] =	vst v63  }
0x64: {  	_ =	swait.ge [sflag:s18], $0x2800  }
0x65: {  	[sflag:s18] =	ssyncset.done $0x0  }
0x66: {  	s22 =	sadd.s32 $0xFFFFFFB0, s1;
	[sflag:s18] =	ssyncadd.s32 $0xFFFFD800  }
0x67: {  	[tilespmem:s20], [sflag:$0x1] =	stream.indirect.gather [hbm4b:s4+s21], $0x80, s22, s21, $0xb8;
	[tilespmem:$0x1F780] =	vst v63  }
0x68: {  	_ =	swait.ge [sflag:s25], $0x2800  }
0x69: {  	[sflag:s25] =	ssyncset.done $0x0  }
.Ltmp1:
0x6a: {  	s19 =	sadd.s32 $0x16800, s19;
	[sflag:s25] =	ssyncadd.s32 $0xFFFFD800;
	(pc) =	sbr.rel @p0 .LBB2_4-.Ltmp1, $4  }
0x6b: {  	[spmem:s2] =	stream.indirect.scatter.add.f32 [tilespmem:s23], [sflag:$0x3], $0x80, s19, s21, $0xb8;
	[tilespmem:$0x1F780] =	vst v63  }
0x6c: {  	_ =	swait.ge [sflag:s18], $0x2800  }
0x6d: {  	[sflag:s18] =	ssyncset.done $0x0  }
0x6e: {  	s1 =	sadd.s32 $0xA0, s1;
	[sflag:s18] =	ssyncadd.s32 $0xFFFFD800  }
0x6f: {  	[tilespmem:s23], [sflag:$0x2] =	stream.indirect.gather [hbm4b:s4+s21], $0x80, s31, s21, $0xb8;
	[tilespmem:$0x1F780] =	vst v63  }
0x70: {  	_ =	swait.ge [sflag:s24], $0x2800  }
0x71: {  	[sflag:s24] =	ssyncset.done $0x0  }
0x72: {  	[sflag:s24] =	ssyncadd.s32 $0xFFFFD800  }
0x73: {  	[spmem:s2] =	stream.indirect.scatter.add.f32 [tilespmem:s20], [sflag:$0x3], $0x80, s26, s21, $0xb8;
	[tilespmem:$0x1F780] =	vst v63  }
0x74: {  	_ =	swait.ge [sflag:s18], $0x2800  }
0x75: {  	[sflag:s18] =	ssyncset.done $0x0  }
0x76: {  	[sflag:s18] =	ssyncadd.s32 $0xFFFFD800  }
0x77: {  	[tilespmem:s20], [sflag:$0x1] =	stream.indirect.gather [hbm4b:s4+s21], $0x80, s28, s21, $0xb8;
	[tilespmem:$0x1F780] =	vst v63  }
0x78: {  	_ =	swait.ge [sflag:s25], $0x2800  }
0x79: {  	[sflag:s25] =	ssyncset.done $0x0  }
0x7a: {  	[sflag:s25] =	ssyncadd.s32 $0xFFFFD800  }
0x7b: {  	[spmem:s2] =	stream.indirect.scatter.add.f32 [tilespmem:s23], [sflag:$0x3], $0x80, s29, s21, $0xb8;
	[tilespmem:$0x1F780] =	vst v63  }
0x7c: {  	_ =	swait.ge [sflag:s18], $0x2800  }
0x7d: {  	[sflag:s18] =	ssyncset.done $0x0  }
0x7e: {  	[sflag:s18] =	ssyncadd.s32 $0xFFFFD800  }
0x7f: {  	_ =	swait.ge [sflag:s24], $0x2800  }
0x80: {  	[sflag:s24] =	ssyncset.done $0x0  }
0x81: {  	[sflag:s24] =	ssyncadd.s32 $0xFFFFD800  }
0x82: {  	[spmem:s2] =	stream.indirect.scatter.add.f32 [tilespmem:s20], [sflag:$0x3], $0x80, s30, s21, $0xb8;
	[tilespmem:$0x1F780] =	vst v63  }
0x83: {  	s0 =	stileid.u32;
	_ =	swait.ge [sflag:s18], $0x2800  }
0x84: {  	s1 =	sshrl.u32 s7, $0x3;
	s3 =	sadd.s32 $0x1, s3;
	[sflag:s18] =	ssyncset.done $0x0  }
0x85: {  	s0 =	sshll.u32 s0, $0x6;
	p0 =	sne.s32 s3, s15;
	[sflag:s18] =	ssyncadd.s32 $0xFFFFD800  }
.Ltmp2:
0x86: {  	s0 =	sor.u32 $0x1C03, s0;
	[bflag:$0x0] =	sbarrier.arrive $0xFFFF;
	(pc) =	sbr.rel @p0 .LBB2_1-.Ltmp2, $4  }
0x87: {  	[hbm:s16], [sflag:s0] =	dma.local [spmem:s1], $0x2800  }
0x88: {  	_ =	swait.ge [sflag:s18], $0x2800  }
0x89: {  	[sflag:s18] =	ssyncset.done $0x0  }
0x8a: {  	[sflag:s18] =	ssyncadd.s32 $0xFFFFD800  }
0x8b: {  	_ =	sfence.sel $0x180000  }
0x8c: {  	[bflag:$0x0] =	sbarrier.arrive $0xFFFF  }
0x8d: {  	_ =	strace $0x9000004A  }
0x8e: {  	s0 =	stileid.u32;
	[bflag:$0x2] =	sbarrier.arrive $0xFFFF  }
0x8f: {  	p0 =	sne.s32 s0, $0x0;
	s0 =	rddreg [dreg:$0x2]  }
0x90: {  	s0 =	sadd.s32 @!p0 $0x100000, s0  }
0x91: {  	[sflag:s0] =	ssyncadd.tile.s32 @!p0 $0x1;
	_ =	shalt  }
.Lfunc_end2:
_tile_overlayer_lowered:
.L_overlay_start_2:
0x92: {  	(tag) =	ssettag $0x2  }
0x93: {  	s0 =	rddreg [dreg:$0x0];
	s2 =	stileid.u32  }
0x94: {  	s1 =	rddreg [dreg:$0x1];
	p0 =	sne.s32 s2, $0x0  }
0x95: {  	s3 =	rddreg [dreg:$0x2];
	[bflag:$0x3] =	sbarrier.arrive $0xFFFF;
	s2 =	simm.s32 @!p0 $0x1C03  }
0x96: {  	[timem:s3], [sflag:s2] =	dma.local @!p0 [hbm:s0], s1  }
0x97: {  	s0 =	simm.s32 @!p0 $0x3  }
0x98: {  	_ =	swait.ge @!p0 [sflag:s0], s1  }
0x99: {  	s1 =	ssub.s32 @!p0 $0x0, s1;
	[sflag:s0] =	ssyncset.done @!p0 $0x0  }
0x9a: {  	[sflag:s0] =	ssyncadd.s32 @!p0 s1  }
0x9b: {  	[bflag:$0x3] =	sbarrier.arrive $0xFFFF  }
0x9c: {  	_ =	shalt  }

// kernel: kernel.15.cloned.1.call-start
scs
__scs_entry_jumppad:
0x0: {  	(pc) =	sbr.rel $0x88, $3  }
0x1: {  	(tag) =	ssettag $0x0;
	lr =	simm.s32 $0x1  }
0x2: {  	[smem:$0x3F98] =	sst lr;
	_ =	strace $0xD0000000  }
0x3: {  	_ = 	snop  }
0x4: {  	_ = 	snop  }
0x5: {  	_ = 	snop  }
0x6: {  	_ = 	snop  }
0x7: {  	_ = 	snop  }
__scs_overlays_trampoline_lowered:
0x8: {  	[smem:$0x3FA7] =	sst s0  }
0x9: {  	[smem:$0x3FA8] =	sst s1  }
0xa: {  	[smem:$0x3FA9] =	sst s2  }
0xb: {  	[smem:$0x3FAA] =	sst s3  }
0xc: {  	[smem:$0x3FAB] =	sst s4  }
0xd: {  	[smem:$0x3FAC] =	sst s5  }
0xe: {  	[smem:$0x3FAD] =	sst s6  }
0xf: {  	[smem:$0x3FAE] =	sst s7  }
0x10: {  	[smem:$0x3FAF] =	sst s8  }
0x11: {  	[smem:$0x3FB0] =	sst s9;
	s0 =	simm.s32 @!p0 $0x0  }
0x12: {  	s1 =	sld [smem:$0x3F96];
	s0 =	simm.s32 @p0 $0x1  }
0x13: {  	[smem:$0x3FB1] =	sst s0;
	s0 =	simm.s32 @!p1 $0x0  }
0x14: {  	s2 =	sld [smem:$0x3F95];
	s0 =	simm.s32 @p1 $0x1  }
0x15: {  	[smem:$0x3FB2] =	sst s0;
	s0 =	simm.s32 @!p2 $0x0  }
0x16: {  	s3 =	sld [smem:$0x3FDB];
	s0 =	simm.s32 @p2 $0x1  }
0x17: {  	s4 =	simm.s32 $0x1BF5;
	[smem:$0x3FB4] =	sst s0  }
0x18: {  	s0 =	sld [smem:$0x3F97];
	_ =	swait.ge [sflag:s4], $0x0  }
0x19: {  	s7 =	sld [smem:$0x3F98]  }
0x1a: {  	s8 =	sadd.s32 $0xFFFFE003, lr  }
0x1b: {  	s9 =	sadd.s32 $0xFFFFFEF7, lr;
	s5 =	simm.s32 $0xFFFFFFFF;
	p2 =	slt.u32 s8, $0xFFFFF086  }
0x1c: {  	p1 =	slt.u32 s9, $0xF7A;
	s5 =	simm.s32 @!p2 $0x0  }
0x1d: {  	s5 =	simm.s32 @p1 $0x1;
	p0 =	seq.s32 s7, s2  }
0x1e: {  	s7 =	smul.u32 @!p0 $0xF7A, s2;
	p2 =	seq.s32 @!p0 s5, $0x0  }
0x1f: {  	s9 =	smul.u32 $0xF7A, s1;
	s8 =	simm.s32 @!p0 $0x1BF5;
	p2 =	por !p2, p0  }
0x20: {  	[sflag:s8] =	ssyncset.s32 @!p0 $0xFFFFF086;
	s6 =	sadd.s32 @!p0 s3, s7;
	s7 =	simm.s32 @!p0 $0x108  }
0x21: {  	s3 =	sadd.s32 s3, s9;
	s6 =	sadd.s32 @!p0 $0x88, s6;
	s7 =	simm.s32 @p2 $0x1082  }
0x22: {  	[simem:s7], [sflag:s8] =	dma.local @!p0 [hbm:s6], $0xF7A  }
0x23: {  	s9 =	sor.u32 $0xD0000000, s2;
	s6 =	simm.s32 $0x108;
	_ =	swait.ge @!p0 [sflag:s8], $0x0  }
0x24: {  	s3 =	sadd.s32 $0x88, s3;
	s6 =	simm.s32 @!p1 $0x1082;
	[sflag:s4] =	ssyncset.s32 $0xFFFFF086  }
0x25: {  	[simem:s6], [sflag:s4] =	dma.local [hbm:s3], $0xF7A  }
0x26: {  	[smem:$0x3F98] =	sst s1;
	(tag) =	ssettag s2;
	_ =	strace s9  }
0x27: {  	s1 =	sld [smem:$0x3FA8]  }
0x28: {  	s2 =	sld [smem:$0x3FA9]  }
0x29: {  	s4 =	sld [smem:$0x3FAB]  }
0x2a: {  	p0 =	seq.s32 s5, $0x0;
	s5 =	sld [smem:$0x3FAC]  }
0x2b: {  	s6 =	sld [smem:$0x3FAD]  }
0x2c: {  	s7 =	sld [smem:$0x3FAE]  }
0x2d: {  	s3 =	simm.s32 $0x108;
	s8 =	sld [smem:$0x3FAF]  }
0x2e: {  	s3 =	simm.s32 @!p0 $0x1082;
	s9 =	sld [smem:$0x3FB0]  }
0x2f: {  	lr =	sadd.s32 s0, s3;
	s0 =	sld [smem:$0x3FA7]  }
0x30: {  	s3 =	sld [smem:$0x3FAA]  }
0x31: {  	[smem:$0x3FB3] =	sst s10  }
0x32: {  	s10 =	sld [smem:$0x3FB1];
	_ =	sdelay $0x3  }
0x33: {  	p0 =	seq.s32 s10, $0x1;
	s10 =	sld [smem:$0x3FB3];
	_ =	sdelay $0x3  }
0x34: {  	[smem:$0x3FB3] =	sst s10  }
0x35: {  	s10 =	sld [smem:$0x3FB2];
	_ =	sdelay $0x3  }
0x36: {  	p1 =	seq.s32 s10, $0x1;
	s10 =	sld [smem:$0x3FB3];
	_ =	sdelay $0x3  }
0x37: {  	[smem:$0x3FB3] =	sst s10  }
0x38: {  	s10 =	sld [smem:$0x3FB4]  }
0x39: {  	_ = 	snop;
	(pc) =	sbr.ind lr, $3  }
0x3a: {  	_ = 	snop  }
0x3b: {  	_ = 	snop  }
0x3c: {  	p2 =	seq.s32 s10, $0x1;
	s10 =	sld [smem:$0x3FB3]  }
0x3d: {  	_ =	shalt  }
0x3e: {  	_ =	shalt  }
0x3f: {  	_ =	shalt  }
0x40: {  	_ =	shalt  }
0x41: {  	_ =	shalt  }
0x42: {  	_ =	shalt  }
0x43: {  	_ =	shalt  }
0x44: {  	_ =	shalt  }
0x45: {  	_ =	shalt  }
0x46: {  	_ =	shalt  }
0x47: {  	_ =	shalt  }
0x48: {  	_ =	shalt  }
0x49: {  	_ =	shalt  }
0x4a: {  	_ =	shalt  }
0x4b: {  	_ =	shalt  }
0x4c: {  	_ =	shalt  }
0x4d: {  	_ =	shalt  }
0x4e: {  	_ =	shalt  }
0x4f: {  	_ =	shalt  }
0x50: {  	_ =	shalt  }
0x51: {  	_ =	shalt  }
0x52: {  	_ =	shalt  }
0x53: {  	_ =	shalt  }
0x54: {  	_ =	shalt  }
0x55: {  	_ =	shalt  }
0x56: {  	_ =	shalt  }
0x57: {  	_ =	shalt  }
0x58: {  	_ =	shalt  }
0x59: {  	_ =	shalt  }
0x5a: {  	_ =	shalt  }
0x5b: {  	_ =	shalt  }
0x5c: {  	_ =	shalt  }
0x5d: {  	_ =	shalt  }
0x5e: {  	_ =	shalt  }
0x5f: {  	_ =	shalt  }
0x60: {  	_ =	shalt  }
0x61: {  	_ =	shalt  }
0x62: {  	_ =	shalt  }
0x63: {  	_ =	shalt  }
0x64: {  	_ =	shalt  }
0x65: {  	_ =	shalt  }
0x66: {  	_ =	shalt  }
0x67: {  	_ =	shalt  }
0x68: {  	_ =	shalt  }
0x69: {  	_ =	shalt  }
0x6a: {  	_ =	shalt  }
0x6b: {  	_ =	shalt  }
0x6c: {  	_ =	shalt  }
0x6d: {  	_ =	shalt  }
0x6e: {  	_ =	shalt  }
0x6f: {  	_ =	shalt  }
0x70: {  	_ =	shalt  }
0x71: {  	_ =	shalt  }
0x72: {  	_ =	shalt  }
0x73: {  	_ =	shalt  }
0x74: {  	_ =	shalt  }
0x75: {  	_ =	shalt  }
0x76: {  	_ =	shalt  }
0x77: {  	_ =	shalt  }
0x78: {  	_ =	shalt  }
0x79: {  	_ =	shalt  }
0x7a: {  	_ =	shalt  }
0x7b: {  	_ =	shalt  }
0x7c: {  	_ =	shalt  }
0x7d: {  	_ =	shalt  }
0x7e: {  	_ =	shalt  }
0x7f: {  	_ =	shalt  }
0x80: {  	_ =	shalt  }
0x81: {  	_ =	shalt  }
0x82: {  	_ =	shalt  }
0x83: {  	_ =	shalt  }
0x84: {  	_ =	shalt  }
0x85: {  	_ =	shalt  }
0x86: {  	_ =	shalt  }
0x87: {  	_ =	shalt  }
.Lfunc_end0:
.L_simem_size_0:
called_computation.2_lowered:
.L_overlay_start_0:
0x88: {  	s2 =	sld [smem:$0x3FD9]  }
0x89: {  	s3 =	sld [smem:$0x3FFE];
	_ =	sdelay $0x1  }
0x8a: {  	s1 =	srdreg.scid  }
0x8b: {  	s0 =	sand.u32 $0x1, s1  }
0x8c: {  	s16 =	sshll.u32 s0, $0xA;
	s2 =	sadd.s32 s3, s2  }
0x8d: {  	s2 =	sadd.s32 s2, s16  }
0x8e: {  	[smem:$0x3FBF] =	sst s2  }
0x8f: {  	_ = 	snop  }
0x90: {  	(tm) =	ssettm $0x1  }
0x91: {  	s17 =	sld [smem:$0x3FFB];
	_ =	sdelay $0x3  }
0x92: {  	_ =	strace s17  }
0x93: {  	s2 =	sld [smem:$0x3FFC];
	_ =	sdelay $0x3  }
0x94: {  	_ =	strace s2  }
0x95: {  	s2 =	sld [smem:$0x3FFD];
	_ =	sdelay $0x3  }
0x96: {  	_ =	strace s2  }
0x97: {  	_ =	strace $0x8FFFFFFF  }
0x98: {  	s18 =	sld [smem:$0x3FDB];
	_ =	sdelay $0x1  }
0x99: {  	s19 =	simm.s32 $_scs_section_size  }
0x9a: {  	s4 =	simm.s32 $_size__tile_overlayer_lowered;
	s5 =	simm.s32 $_tile_overlayer_lowered  }
0x9b: {  	s22 =	simm.s32 $0x1BFF;
	s21 =	sshll.u32 s5, $0x1;
	s2 =	sadd.s32 s19, s18  }
0x9c: {  	s6 =	simm.s32 $0x0;
	s20 =	sshll.u32 s4, $0x1;
	s4 =	sadd.s32 s21, s2  }
0x9d: {  	[timem:s6], [sflag:s22] =	dma.local [hbm:s4], s20  }
0x9e: {  	_ =	swait.ge [sflag:s22], s20  }
0x9f: {  	s3 =	ssub.s32 $0x0, s20;
	[sflag:s22] =	ssyncset.done $0x0  }
0xa0: {  	[sflag:s22] =	ssyncadd.s32 s3;
	_ =	sdelay $0x1  }
0xa1: {  	s23 =	simm.s32 $0x1B8B  }
0xa2: {  	_ =	swait.ge [sflag:s23], $0x1  }
0xa3: {  	[sflag:s23] =	ssyncset.done $0x0  }
0xa4: {  	s25 =	simm.s32 $0x1B8E;
	s24 =	sld [smem:$0x3FFE];
	[sflag:s23] =	ssyncadd.s32 $0xFFFFFFFF  }
0xa5: {  	s26 =	simm.s32 $execute0_lowered;
	[smem:$0x3FD2] =	sst s25  }
0xa6: {  	s4 =	sshll.u32 s26, $0x1;
	_ =	strace $0x8000004C;
	[dreg:$0x1] =	wrdreg $0xFFFFFFFF  }
0xa7: {  	s28 =	simm.s32 $_size_execute0_lowered;
	s2 =	sadd.s32 s2, s4;
	[dreg:$0x0] =	wrdreg $0x0  }
0xa8: {  	s4 =	sshll.u32 s28, $0x1;
	[dreg:$0x2] =	wrdreg s2  }
0xa9: {  	[dreg:$0x3] =	wrdreg s4  }
0xaa: {  	[dreg:$0x4] =	wrdreg $0xC0  }
0xab: {  	_ =	task [dreg:s6], $0x5FFFF  }
0xac: {  	[dreg:$0x1] =	wrdreg $0xFFFFFFFF  }
0xad: {  	[dreg:$0x0] =	wrdreg $0x60  }
0xae: {  	[dreg:$0x2] =	wrdreg s24  }
0xaf: {  	[dreg:$0x3] =	wrdreg $0x0  }
0xb0: {  	[dreg:$0x4] =	wrdreg $0x9  }
0xb1: {  	_ =	task.clear_ibuf [dreg:s6], $0x5FFFF;
	_ =	strace $0x9000004C  }
0xb2: {  	s29 =	simm.s32 $0x9;
	_ =	strace $0x8000004E  }
0xb3: {  	_ =	swait.ge [sflag:s29], $0x1  }
0xb4: {  	[sflag:s29] =	ssyncadd.s32 $0xFFFFFFFF  }
0xb5: {  	_ =	strace $0x9000004E  }
0xb6: {  	_ =	sfence  }
0xb7: {  	s30 =	sld [smem:$0x0];
	_ =	sdelay $0x2  }
0xb8: {  	s31 =	sshll.u32 s1, $0xD;
	s1 =	sshrl.u32 s1, $0x2  }
0xb9: {  	s3 =	sand.u32 $0x4000, s31;
	s1 =	sadd.s32 s1, s30  }
0xba: {  	s0 =	sor.u32 s3, s0;
	s1 =	sshll.u32 s1, $0x11  }
0xbb: {  	s0 =	sor.u32 s1, s0  }
0xbc: {  	s0 =	sadd.s32 $0x8F2B, s0  }
0xbd: {  	[sflag:s0] =	ssyncadd.remote.s32 $0x1  }
0xbe: {  	_ =	sfence.sel $0xFFFF  }
0xbf: {  	[dreg:$0x0] =	wrdreg $0xFFFFFFFF;
	(pc) =	sbr.abs _section_cstart, $3  }
0xc0: {  	[dreg:$0x1] =	wrdreg $0xFFFFFFFF  }
0xc1: {  	_ =	task.clear_ibuf [dreg:s6], $0x2FFFF;
	_ =	strace $0x9FFFFFFF  }
0xc2: {  	(tm) =	ssettm $0x7FFFFFFF  }
0xc3: {  	_ =	shalt  }
tec
execute0_lowered:
.L_overlay_start_1:
0x0: {  	(tag) =	ssettag $0x1  }
0x1: {  	s0 =	rddreg [dreg:$0x0]  }
0x2: {  	s2 =	rddreg [dreg:$0x1];
	s1 =	srdreg.scid  }
0x3: {  	s13 =	stileid.u32;
	s3 =	simm.s32 $0x0;
	s17 =	simm.s32 $0x14000  }
0x4: {  	s18 =	simm.s32 $0x3;
	s20 =	simm.s32 $0x1A780;
	s21 =	simm.s32 $0x50  }
0x5: {  	s23 =	simm.s32 $0x1CF80;
	s24 =	simm.s32 $0x1;
	s25 =	simm.s32 $0x2  }
0x6: {  	s26 =	simm.s32 $0x1A480;
	s28 =	simm.s32 $0x166C0;
	s29 =	simm.s32 $0x1A500  }
0x7: {  	s30 =	simm.s32 $0x1A580;
	s1 =	sand.u32 $0x1, s1;
	s8 =	smul.u32 $0x50000, s13  }
0x8: {  	s4 =	sshll.u32 s13, $0x1;
	[smem:$0x7FF] =	sst s3;
	s16 =	smul.u32 $0x2800, s13  }
0x9: {  	s5 =	sor.u32 s1, s4;
	_ =	strace $0x8000004D;
	s4 =	sadd.s32 $0x27E00, s0  }
0xa: {  	s7 =	ssub.s32 $0x2, s1;
	p0 =	seq.s32 s1, $0x1;
	s1 =	simm.s32 $0x77E00  }
0xb: {  	s6 =	smul.u32 $0x4E2, s5;
	s5 =	sshll.u32 s5, $0xB;
	s9 =	sshrl.u32 s7, $0x1  }
0xc: {  	s31 =	sshrl.u32 s8, $0x2;
	s1 =	simm.s32 @!p0 $0x4FE00;
	s10 =	sadd.s32 s5, s0  }
0xd: {  	s15 =	ssub.s32 s7, s9;
	s7 =	sadd.s32 s31, s2;
	s6 =	sadd.s32 s6, s0  }
0xe: {  	s8 =	sadd.s32 $0x2800, s7;
	s9 =	sadd.s32 $0x5000, s7;
	s11 =	sadd.s32 $0xA000, s7  }
0xf: {  	s12 =	sadd.s32 $0xC800, s7;
	s13 =	sadd.s32 $0xF000, s7;
	s14 =	sadd.s32 $0x11800, s7  }
0x10: {  	s0 =	sadd.s32 s1, s0;
	s15 =	smax.u32 s15, $0x1;
	s5 =	sadd.s32 $0x4200, s6  }
0x11: {  	v0 =	vimm.f32 $0.0e+00;
	s6 =	sadd.s32 $0x17E00, s10;
	s10 =	sadd.s32 $0x7800, s7;
	s16 =	sadd.s32 s0, s16  }
.LBB2_1:
0x12: {  	s0 =	simm.s32 $0x0;
	s1 =	simm.s32 $0x200  }
.LBB2_2:
0x13: {  	p0 =	sne.s32 s1, $0x9E00;
	[tilespmem:s0+$0x1A7F0] =	vst v0  }
0x14: {  	[tilespmem:s0+$0x1A780] =	vst v0  }
0x15: {  	[tilespmem:s0+$0x1A790] =	vst v0  }
.Ltmp0:
0x16: {  	[tilespmem:s0+$0x1A7A0] =	vst v0;
	(pc) =	sbr.rel @p0 .LBB2_2-.Ltmp0, $4  }
0x17: {  	[tilespmem:s0+$0x1A7B0] =	vst v0  }
0x18: {  	[tilespmem:s0+$0x1A7C0] =	vst v0  }
0x19: {  	[tilespmem:s0+$0x1A7D0] =	vst v0  }
0x1a: {  	[tilespmem:s0+$0x1A7E0] =	vst v0;
	s0 =	sshra.s32 s1, $0x2;
	s1 =	sadd.s32 $0x200, s1  }
0x1b: {  	[tilespmem:s0+$0x1A7F0] =	vst v0  }
0x1c: {  	[tilespmem:s0+$0x1A780] =	vst v0  }
0x1d: {  	[tilespmem:s0+$0x1A790] =	vst v0  }
0x1e: {  	[tilespmem:s0+$0x1A7A0] =	vst v0  }
0x1f: {  	[tilespmem:s0+$0x1A7B0] =	vst v0  }
0x20: {  	[tilespmem:s0+$0x1A7C0] =	vst v0  }
0x21: {  	[tilespmem:s0+$0x1A7D0] =	vst v0  }
0x22: {  	[tilespmem:s0+$0x1A7E0] =	vst v0;
	s19 =	simm.s32 $0x0  }
0x23: {  	[tilespmem:s17], [sflag:$0x3] =	stream.linear.gather [hbm4b:s5+s19], $0x2710, $0x38;
	[tilespmem:$0x1F780] =	vst v63  }
0x24: {  	_ =	swait.ge [sflag:s18], $0x2710  }
0x25: {  	[sflag:s18] =	ssyncset.done $0x0  }
0x26: {  	s1 =	simm.s32 $0x16780;
	[sflag:s18] =	ssyncadd.s32 $0xFFFFD8F0  }
0x27: {  	[tilespmem:s1], [sflag:$0x3] =	stream.linear.gather [hbm4b:s6+s19], $0x3E80, $0x38;
	[tilespmem:$0x1F780] =	vst v63  }
0x28: {  	_ =	swait.ge [sflag:s18], $0x3E80  }
0x29: {  	[sflag:s18] =	ssyncset.done $0x0  }
0x2a: {  	[sflag:s18] =	ssyncadd.s32 $0xFFFFC180  }
0x2b: {  	[spmem:s7] =	stream.linear.scatter [tilespmem:s20], [sflag:$0x3], $0x2800, $0x38;
	[tilespmem:$0x1F780] =	vst v63  }
0x2c: {  	_ =	swait.ge [sflag:s18], $0x2800  }
0x2d: {  	[sflag:s18] =	ssyncset.done $0x0  }
0x2e: {  	[sflag:s18] =	ssyncadd.s32 $0xFFFFD800  }
0x2f: {  	[spmem:s8] =	stream.linear.scatter [tilespmem:s20], [sflag:$0x3], $0x2800, $0x38;
	[tilespmem:$0x1F780] =	vst v63  }
0x30: {  	_ =	swait.ge [sflag:s18], $0x2800  }
0x31: {  	[sflag:s18] =	ssyncset.done $0x0  }
0x32: {  	[sflag:s18] =	ssyncadd.s32 $0xFFFFD800  }
0x33: {  	[spmem:s9] =	stream.linear.scatter [tilespmem:s20], [sflag:$0x3], $0x2800, $0x38;
	[tilespmem:$0x1F780] =	vst v63  }
0x34: {  	_ =	swait.ge [sflag:s18], $0x2800  }
0x35: {  	[sflag:s18] =	ssyncset.done $0x0  }
0x36: {  	[sflag:s18] =	ssyncadd.s32 $0xFFFFD800  }
0x37: {  	[spmem:s10] =	stream.linear.scatter [tilespmem:s20], [sflag:$0x3], $0x2800, $0x38;
	[tilespmem:$0x1F780] =	vst v63  }
0x38: {  	_ =	swait.ge [sflag:s18], $0x2800  }
0x39: {  	[sflag:s18] =	ssyncset.done $0x0  }
0x3a: {  	[sflag:s18] =	ssyncadd.s32 $0xFFFFD800  }
0x3b: {  	[spmem:s11] =	stream.linear.scatter [tilespmem:s20], [sflag:$0x3], $0x2800, $0x38;
	[tilespmem:$0x1F780] =	vst v63  }
0x3c: {  	_ =	swait.ge [sflag:s18], $0x2800  }
0x3d: {  	[sflag:s18] =	ssyncset.done $0x0  }
0x3e: {  	[sflag:s18] =	ssyncadd.s32 $0xFFFFD800  }
0x3f: {  	[spmem:s12] =	stream.linear.scatter [tilespmem:s20], [sflag:$0x3], $0x2800, $0x38;
	[tilespmem:$0x1F780] =	vst v63  }
0x40: {  	_ =	swait.ge [sflag:s18], $0x2800  }
0x41: {  	[sflag:s18] =	ssyncset.done $0x0  }
0x42: {  	[sflag:s18] =	ssyncadd.s32 $0xFFFFD800  }
0x43: {  	[spmem:s13] =	stream.linear.scatter [tilespmem:s20], [sflag:$0x3], $0x2800, $0x38;
	[tilespmem:$0x1F780] =	vst v63  }
0x44: {  	_ =	swait.ge [sflag:s18], $0x2800  }
0x45: {  	[sflag:s18] =	ssyncset.done $0x0  }
0x46: {  	[sflag:s18] =	ssyncadd.s32 $0xFFFFD800  }
0x47: {  	[spmem:s14] =	stream.linear.scatter [tilespmem:s20], [sflag:$0x3], $0x2800, $0x38;
	[tilespmem:$0x1F780] =	vst v63  }
0x48: {  	_ =	swait.ge [sflag:s18], $0x2800  }
0x49: {  	[sflag:s18] =	ssyncset.done $0x0  }
0x4a: {  	[sflag:s18] =	ssyncadd.s32 $0xFFFFD800  }
0x4b: {  	[bflag:$0x0] =	sbarrier.arrive $0xFFFF  }
0x4c: {  	[tilespmem:s20], [sflag:$0x1] =	stream.indirect.gather [hbm4b:s4+s21], $0x80, s17, s21, $0xb8;
	[tilespmem:$0x1F780] =	vst v63  }
0x4d: {  	s22 =	simm.s32 $0x14050  }
0x4e: {  	[tilespmem:s23], [sflag:$0x2] =	stream.indirect.gather [hbm4b:s4+s21], $0x80, s22, s21, $0xb8;
	[tilespmem:$0x1F780] =	vst v63  }
0x4f: {  	_ =	swait.ge [sflag:s24], $0x2800  }
0x50: {  	[sflag:s24] =	ssyncset.done $0x0  }
0x51: {  	s1 =	simm.s32 $0x16780;
	[sflag:s24] =	ssyncadd.s32 $0xFFFFD800  }
0x52: {  	[spmem:s2] =	stream.indirect.scatter.add.f32 [tilespmem:s20], [sflag:$0x3], $0x80, s1, s21, $0xb8;
	[tilespmem:$0x1F780] =	vst v63  }
0x53: {  	_ =	swait.ge [sflag:s18], $0x2800  }
0x54: {  	[sflag:s18] =	ssyncset.done $0x0  }
0x55: {  	s19 =	simm.s32 $0x140A0;
	[sflag:s18] =	ssyncadd.s32 $0xFFFFD800  }
0x56: {  	[tilespmem:s20], [sflag:$0x1] =	stream.indirect.gather [hbm4b:s4+s21], $0x80, s19, s21, $0xb8;
	[tilespmem:$0x1F780] =	vst v63  }
0x57: {  	_ =	swait.ge [sflag:s25], $0x2800  }
0x58: {  	[sflag:s25] =	ssyncset.done $0x0  }
0x59: {  	s22 =	simm.s32 $0x16800;
	[sflag:s25] =	ssyncadd.s32 $0xFFFFD800  }
0x5a: {  	[spmem:s2] =	stream.indirect.scatter.add.f32 [tilespmem:s23], [sflag:$0x3], $0x80, s22, s21, $0xb8;
	[tilespmem:$0x1F780] =	vst v63  }
0x5b: {  	_ =	swait.ge [sflag:s18], $0x2800  }
0x5c: {  	s31 =	simm.s32 $0x140F0;
	[sflag:s18] =	ssyncset.done $0x0  }
0x5d: {  	s0 =	simm.s32 $0x400;
	s1 =	simm.s32 $0x14190;
	[sflag:s18] =	ssyncadd.s32 $0xFFFFD800  }
.LBB2_4:
0x5e: {  	[tilespmem:s23], [sflag:$0x2] =	stream.indirect.gather [hbm4b:s4+s21], $0x80, s31, s21, $0xb8;
	[tilespmem:$0x1F780] =	vst v63  }
0x5f: {  	s19 =	smov.u32 s0;
	s31 =	smov.u32 s1  }
0x60: {  	p0 =	sne.s32 s0, $0xF000;
	s0 =	sadd.s32 $0x400, s0;
	_ =	swait.ge [sflag:s24], $0x2800  }
0x61: {  	s19 =	sshra.s32 s19, $0x2;
	[sflag:s24] =	ssyncset.done $0x0  }
0x62: {  	s22 =	sadd.s32 $0x16780, s19;
	[sflag:s24] =	ssyncadd.s32 $0xFFFFD800  }
0x63: {  	[spmem:s2] =	stream.indirect.scatter.add.f32 [tilespmem:s20], [sflag:$0x3], $0x80, s22, s21, $0xb8;
	[tilespmem:$0x1F780] =	vst v63  }
0x64: {  	_ =	swait.ge [sflag:s18], $0x2800  }
0x65: {  	[sflag:s18] =	ssyncset.done $0x0  }
0x66: {  	s22 =	sadd.s32 $0xFFFFFFB0, s1;
	[sflag:s18] =	ssyncadd.s32 $0xFFFFD800  }
0x67: {  	[tilespmem:s20], [sflag:$0x1] =	stream.indirect.gather [hbm4b:s4+s21], $0x80, s22, s21, $0xb8;
	[tilespmem:$0x1F780] =	vst v63  }
0x68: {  	_ =	swait.ge [sflag:s25], $0x2800  }
0x69: {  	[sflag:s25] =	ssyncset.done $0x0  }
.Ltmp1:
0x6a: {  	s19 =	sadd.s32 $0x16800, s19;
	[sflag:s25] =	ssyncadd.s32 $0xFFFFD800;
	(pc) =	sbr.rel @p0 .LBB2_4-.Ltmp1, $4  }
0x6b: {  	[spmem:s2] =	stream.indirect.scatter.add.f32 [tilespmem:s23], [sflag:$0x3], $0x80, s19, s21, $0xb8;
	[tilespmem:$0x1F780] =	vst v63  }
0x6c: {  	_ =	swait.ge [sflag:s18], $0x2800  }
0x6d: {  	[sflag:s18] =	ssyncset.done $0x0  }
0x6e: {  	s1 =	sadd.s32 $0xA0, s1;
	[sflag:s18] =	ssyncadd.s32 $0xFFFFD800  }
0x6f: {  	[tilespmem:s23], [sflag:$0x2] =	stream.indirect.gather [hbm4b:s4+s21], $0x80, s31, s21, $0xb8;
	[tilespmem:$0x1F780] =	vst v63  }
0x70: {  	_ =	swait.ge [sflag:s24], $0x2800  }
0x71: {  	[sflag:s24] =	ssyncset.done $0x0  }
0x72: {  	[sflag:s24] =	ssyncadd.s32 $0xFFFFD800  }
0x73: {  	[spmem:s2] =	stream.indirect.scatter.add.f32 [tilespmem:s20], [sflag:$0x3], $0x80, s26, s21, $0xb8;
	[tilespmem:$0x1F780] =	vst v63  }
0x74: {  	_ =	swait.ge [sflag:s18], $0x2800  }
0x75: {  	[sflag:s18] =	ssyncset.done $0x0  }
0x76: {  	[sflag:s18] =	ssyncadd.s32 $0xFFFFD800  }
0x77: {  	[tilespmem:s20], [sflag:$0x1] =	stream.indirect.gather [hbm4b:s4+s21], $0x80, s28, s21, $0xb8;
	[tilespmem:$0x1F780] =	vst v63  }
0x78: {  	_ =	swait.ge [sflag:s25], $0x2800  }
0x79: {  	[sflag:s25] =	ssyncset.done $0x0  }
0x7a: {  	[sflag:s25] =	ssyncadd.s32 $0xFFFFD800  }
0x7b: {  	[spmem:s2] =	stream.indirect.scatter.add.f32 [tilespmem:s23], [sflag:$0x3], $0x80, s29, s21, $0xb8;
	[tilespmem:$0x1F780] =	vst v63  }
0x7c: {  	_ =	swait.ge [sflag:s18], $0x2800  }
0x7d: {  	[sflag:s18] =	ssyncset.done $0x0  }
0x7e: {  	[sflag:s18] =	ssyncadd.s32 $0xFFFFD800  }
0x7f: {  	_ =	swait.ge [sflag:s24], $0x2800  }
0x80: {  	[sflag:s24] =	ssyncset.done $0x0  }
0x81: {  	[sflag:s24] =	ssyncadd.s32 $0xFFFFD800  }
0x82: {  	[spmem:s2] =	stream.indirect.scatter.add.f32 [tilespmem:s20], [sflag:$0x3], $0x80, s30, s21, $0xb8;
	[tilespmem:$0x1F780] =	vst v63  }
0x83: {  	s0 =	stileid.u32;
	_ =	swait.ge [sflag:s18], $0x2800  }
0x84: {  	s1 =	sshrl.u32 s7, $0x3;
	s3 =	sadd.s32 $0x1, s3;
	[sflag:s18] =	ssyncset.done $0x0  }
0x85: {  	s0 =	sshll.u32 s0, $0x6;
	p0 =	sne.s32 s3, s15;
	[sflag:s18] =	ssyncadd.s32 $0xFFFFD800  }
.Ltmp2:
0x86: {  	s0 =	sor.u32 $0x1C03, s0;
	[bflag:$0x0] =	sbarrier.arrive $0xFFFF;
	(pc) =	sbr.rel @p0 .LBB2_1-.Ltmp2, $4  }
0x87: {  	[hbm:s16], [sflag:s0] =	dma.local [spmem:s1], $0x2800  }
0x88: {  	_ =	swait.ge [sflag:s18], $0x2800  }
0x89: {  	[sflag:s18] =	ssyncset.done $0x0  }
0x8a: {  	[sflag:s18] =	ssyncadd.s32 $0xFFFFD800  }
0x8b: {  	_ =	sfence.sel $0x180000  }
0x8c: {  	[bflag:$0x0] =	sbarrier.arrive $0xFFFF  }
0x8d: {  	_ =	strace $0x9000004D  }
0x8e: {  	s0 =	stileid.u32;
	[bflag:$0x2] =	sbarrier.arrive $0xFFFF  }
0x8f: {  	p0 =	sne.s32 s0, $0x0;
	s0 =	rddreg [dreg:$0x2]  }
0x90: {  	s0 =	sadd.s32 @!p0 $0x100000, s0  }
0x91: {  	[sflag:s0] =	ssyncadd.tile.s32 @!p0 $0x1;
	_ =	shalt  }
.Lfunc_end2:
_tile_overlayer_lowered:
.L_overlay_start_2:
0x92: {  	(tag) =	ssettag $0x2  }
0x93: {  	s0 =	rddreg [dreg:$0x0];
	s2 =	stileid.u32  }
0x94: {  	s1 =	rddreg [dreg:$0x1];
	p0 =	sne.s32 s2, $0x0  }
0x95: {  	s3 =	rddreg [dreg:$0x2];
	[bflag:$0x3] =	sbarrier.arrive $0xFFFF;
	s2 =	simm.s32 @!p0 $0x1C03  }
0x96: {  	[timem:s3], [sflag:s2] =	dma.local @!p0 [hbm:s0], s1  }
0x97: {  	s0 =	simm.s32 @!p0 $0x3  }
0x98: {  	_ =	swait.ge @!p0 [sflag:s0], s1  }
0x99: {  	s1 =	ssub.s32 @!p0 $0x0, s1;
	[sflag:s0] =	ssyncset.done @!p0 $0x0  }
0x9a: {  	[sflag:s0] =	ssyncadd.s32 @!p0 s1  }
0x9b: {  	[bflag:$0x3] =	sbarrier.arrive $0xFFFF  }
0x9c: {  	_ =	shalt  }

// kernel: kernel.18.cloned.1.call-start
scs
__scs_entry_jumppad:
0x0: {  	(pc) =	sbr.rel $0x88, $3  }
0x1: {  	(tag) =	ssettag $0x0;
	lr =	simm.s32 $0x1  }
0x2: {  	[smem:$0x3F98] =	sst lr;
	_ =	strace $0xD0000000  }
0x3: {  	_ = 	snop  }
0x4: {  	_ = 	snop  }
0x5: {  	_ = 	snop  }
0x6: {  	_ = 	snop  }
0x7: {  	_ = 	snop  }
__scs_overlays_trampoline_lowered:
0x8: {  	[smem:$0x3FA7] =	sst s0  }
0x9: {  	[smem:$0x3FA8] =	sst s1  }
0xa: {  	[smem:$0x3FA9] =	sst s2  }
0xb: {  	[smem:$0x3FAA] =	sst s3  }
0xc: {  	[smem:$0x3FAB] =	sst s4  }
0xd: {  	[smem:$0x3FAC] =	sst s5  }
0xe: {  	[smem:$0x3FAD] =	sst s6  }
0xf: {  	[smem:$0x3FAE] =	sst s7  }
0x10: {  	[smem:$0x3FAF] =	sst s8  }
0x11: {  	[smem:$0x3FB0] =	sst s9;
	s0 =	simm.s32 @!p0 $0x0  }
0x12: {  	s1 =	sld [smem:$0x3F96];
	s0 =	simm.s32 @p0 $0x1  }
0x13: {  	[smem:$0x3FB1] =	sst s0;
	s0 =	simm.s32 @!p1 $0x0  }
0x14: {  	s2 =	sld [smem:$0x3F95];
	s0 =	simm.s32 @p1 $0x1  }
0x15: {  	[smem:$0x3FB2] =	sst s0;
	s0 =	simm.s32 @!p2 $0x0  }
0x16: {  	s3 =	sld [smem:$0x3FDB];
	s0 =	simm.s32 @p2 $0x1  }
0x17: {  	s4 =	simm.s32 $0x1BF5;
	[smem:$0x3FB4] =	sst s0  }
0x18: {  	s0 =	sld [smem:$0x3F97];
	_ =	swait.ge [sflag:s4], $0x0  }
0x19: {  	s7 =	sld [smem:$0x3F98]  }
0x1a: {  	s8 =	sadd.s32 $0xFFFFE003, lr  }
0x1b: {  	s9 =	sadd.s32 $0xFFFFFEF7, lr;
	s5 =	simm.s32 $0xFFFFFFFF;
	p2 =	slt.u32 s8, $0xFFFFF086  }
0x1c: {  	p1 =	slt.u32 s9, $0xF7A;
	s5 =	simm.s32 @!p2 $0x0  }
0x1d: {  	s5 =	simm.s32 @p1 $0x1;
	p0 =	seq.s32 s7, s2  }
0x1e: {  	s7 =	smul.u32 @!p0 $0xF7A, s2;
	p2 =	seq.s32 @!p0 s5, $0x0  }
0x1f: {  	s9 =	smul.u32 $0xF7A, s1;
	s8 =	simm.s32 @!p0 $0x1BF5;
	p2 =	por !p2, p0  }
0x20: {  	[sflag:s8] =	ssyncset.s32 @!p0 $0xFFFFF086;
	s6 =	sadd.s32 @!p0 s3, s7;
	s7 =	simm.s32 @!p0 $0x108  }
0x21: {  	s3 =	sadd.s32 s3, s9;
	s6 =	sadd.s32 @!p0 $0x88, s6;
	s7 =	simm.s32 @p2 $0x1082  }
0x22: {  	[simem:s7], [sflag:s8] =	dma.local @!p0 [hbm:s6], $0xF7A  }
0x23: {  	s9 =	sor.u32 $0xD0000000, s2;
	s6 =	simm.s32 $0x108;
	_ =	swait.ge @!p0 [sflag:s8], $0x0  }
0x24: {  	s3 =	sadd.s32 $0x88, s3;
	s6 =	simm.s32 @!p1 $0x1082;
	[sflag:s4] =	ssyncset.s32 $0xFFFFF086  }
0x25: {  	[simem:s6], [sflag:s4] =	dma.local [hbm:s3], $0xF7A  }
0x26: {  	[smem:$0x3F98] =	sst s1;
	(tag) =	ssettag s2;
	_ =	strace s9  }
0x27: {  	s1 =	sld [smem:$0x3FA8]  }
0x28: {  	s2 =	sld [smem:$0x3FA9]  }
0x29: {  	s4 =	sld [smem:$0x3FAB]  }
0x2a: {  	p0 =	seq.s32 s5, $0x0;
	s5 =	sld [smem:$0x3FAC]  }
0x2b: {  	s6 =	sld [smem:$0x3FAD]  }
0x2c: {  	s7 =	sld [smem:$0x3FAE]  }
0x2d: {  	s3 =	simm.s32 $0x108;
	s8 =	sld [smem:$0x3FAF]  }
0x2e: {  	s3 =	simm.s32 @!p0 $0x1082;
	s9 =	sld [smem:$0x3FB0]  }
0x2f: {  	lr =	sadd.s32 s0, s3;
	s0 =	sld [smem:$0x3FA7]  }
0x30: {  	s3 =	sld [smem:$0x3FAA]  }
0x31: {  	[smem:$0x3FB3] =	sst s10  }
0x32: {  	s10 =	sld [smem:$0x3FB1];
	_ =	sdelay $0x3  }
0x33: {  	p0 =	seq.s32 s10, $0x1;
	s10 =	sld [smem:$0x3FB3];
	_ =	sdelay $0x3  }
0x34: {  	[smem:$0x3FB3] =	sst s10  }
0x35: {  	s10 =	sld [smem:$0x3FB2];
	_ =	sdelay $0x3  }
0x36: {  	p1 =	seq.s32 s10, $0x1;
	s10 =	sld [smem:$0x3FB3];
	_ =	sdelay $0x3  }
0x37: {  	[smem:$0x3FB3] =	sst s10  }
0x38: {  	s10 =	sld [smem:$0x3FB4]  }
0x39: {  	_ = 	snop;
	(pc) =	sbr.ind lr, $3  }
0x3a: {  	_ = 	snop  }
0x3b: {  	_ = 	snop  }
0x3c: {  	p2 =	seq.s32 s10, $0x1;
	s10 =	sld [smem:$0x3FB3]  }
0x3d: {  	_ =	shalt  }
0x3e: {  	_ =	shalt  }
0x3f: {  	_ =	shalt  }
0x40: {  	_ =	shalt  }
0x41: {  	_ =	shalt  }
0x42: {  	_ =	shalt  }
0x43: {  	_ =	shalt  }
0x44: {  	_ =	shalt  }
0x45: {  	_ =	shalt  }
0x46: {  	_ =	shalt  }
0x47: {  	_ =	shalt  }
0x48: {  	_ =	shalt  }
0x49: {  	_ =	shalt  }
0x4a: {  	_ =	shalt  }
0x4b: {  	_ =	shalt  }
0x4c: {  	_ =	shalt  }
0x4d: {  	_ =	shalt  }
0x4e: {  	_ =	shalt  }
0x4f: {  	_ =	shalt  }
0x50: {  	_ =	shalt  }
0x51: {  	_ =	shalt  }
0x52: {  	_ =	shalt  }
0x53: {  	_ =	shalt  }
0x54: {  	_ =	shalt  }
0x55: {  	_ =	shalt  }
0x56: {  	_ =	shalt  }
0x57: {  	_ =	shalt  }
0x58: {  	_ =	shalt  }
0x59: {  	_ =	shalt  }
0x5a: {  	_ =	shalt  }
0x5b: {  	_ =	shalt  }
0x5c: {  	_ =	shalt  }
0x5d: {  	_ =	shalt  }
0x5e: {  	_ =	shalt  }
0x5f: {  	_ =	shalt  }
0x60: {  	_ =	shalt  }
0x61: {  	_ =	shalt  }
0x62: {  	_ =	shalt  }
0x63: {  	_ =	shalt  }
0x64: {  	_ =	shalt  }
0x65: {  	_ =	shalt  }
0x66: {  	_ =	shalt  }
0x67: {  	_ =	shalt  }
0x68: {  	_ =	shalt  }
0x69: {  	_ =	shalt  }
0x6a: {  	_ =	shalt  }
0x6b: {  	_ =	shalt  }
0x6c: {  	_ =	shalt  }
0x6d: {  	_ =	shalt  }
0x6e: {  	_ =	shalt  }
0x6f: {  	_ =	shalt  }
0x70: {  	_ =	shalt  }
0x71: {  	_ =	shalt  }
0x72: {  	_ =	shalt  }
0x73: {  	_ =	shalt  }
0x74: {  	_ =	shalt  }
0x75: {  	_ =	shalt  }
0x76: {  	_ =	shalt  }
0x77: {  	_ =	shalt  }
0x78: {  	_ =	shalt  }
0x79: {  	_ =	shalt  }
0x7a: {  	_ =	shalt  }
0x7b: {  	_ =	shalt  }
0x7c: {  	_ =	shalt  }
0x7d: {  	_ =	shalt  }
0x7e: {  	_ =	shalt  }
0x7f: {  	_ =	shalt  }
0x80: {  	_ =	shalt  }
0x81: {  	_ =	shalt  }
0x82: {  	_ =	shalt  }
0x83: {  	_ =	shalt  }
0x84: {  	_ =	shalt  }
0x85: {  	_ =	shalt  }
0x86: {  	_ =	shalt  }
0x87: {  	_ =	shalt  }
.Lfunc_end0:
.L_simem_size_0:
called_computation.3_lowered:
.L_overlay_start_0:
0x88: {  	s2 =	sld [smem:$0x3FD9]  }
0x89: {  	s3 =	sld [smem:$0x3FFE];
	_ =	sdelay $0x1  }
0x8a: {  	s1 =	srdreg.scid  }
0x8b: {  	s0 =	sand.u32 $0x1, s1  }
0x8c: {  	s17 =	sshll.u32 s0, $0xA;
	s2 =	sadd.s32 s3, s2  }
0x8d: {  	s2 =	sadd.s32 s2, s17  }
0x8e: {  	[smem:$0x3FBF] =	sst s2  }
0x8f: {  	_ = 	snop  }
0x90: {  	s2 =	sld [smem:$0x3FD0];
	(tm) =	ssettm $0x1  }
0x91: {  	s18 =	sld [smem:$0x3FFB];
	_ =	sdelay $0x3  }
0x92: {  	_ =	strace s18  }
0x93: {  	s3 =	sld [smem:$0x3FFC];
	_ =	sdelay $0x3  }
0x94: {  	_ =	strace s3  }
0x95: {  	s3 =	sld [smem:$0x3FFD];
	_ =	sdelay $0x3  }
0x96: {  	_ =	strace s3  }
0x97: {  	_ =	strace $0x8FFFFFFF  }
0x98: {  	s19 =	sld [smem:$0x3FDB];
	_ =	sdelay $0x1  }
0x99: {  	s4 =	simm.s32 $_scs_section_size  }
0x9a: {  	s5 =	simm.s32 $_size__tile_overlayer_lowered;
	s6 =	simm.s32 $_tile_overlayer_lowered  }
0x9b: {  	s22 =	simm.s32 $0x1BFF;
	s21 =	sshll.u32 s6, $0x1;
	s3 =	sadd.s32 s4, s19  }
0x9c: {  	s7 =	simm.s32 $0x0;
	s20 =	sshll.u32 s5, $0x1;
	s5 =	sadd.s32 s21, s3  }
0x9d: {  	[timem:s7], [sflag:s22] =	dma.local [hbm:s5], s20  }
0x9e: {  	_ =	swait.ge [sflag:s22], s20  }
0x9f: {  	s4 =	ssub.s32 $0x0, s20;
	[sflag:s22] =	ssyncset.done $0x0  }
0xa0: {  	[sflag:s22] =	ssyncadd.s32 s4;
	_ =	sdelay $0x1  }
0xa1: {  	s23 =	simm.s32 $0x1B8B  }
0xa2: {  	_ =	swait.ge [sflag:s23], $0x1  }
0xa3: {  	[sflag:s23] =	ssyncset.done $0x0  }
0xa4: {  	s25 =	simm.s32 $0x1B8E;
	s24 =	sld [smem:$0x3FFE];
	[sflag:s23] =	ssyncadd.s32 $0xFFFFFFFF  }
0xa5: {  	s26 =	simm.s32 $execute0_lowered;
	[smem:$0x3FD2] =	sst s25  }
0xa6: {  	s5 =	sshll.u32 s26, $0x1;
	_ =	strace $0x8000004F;
	[dreg:$0x1] =	wrdreg $0xFFFFFFFF  }
0xa7: {  	s28 =	simm.s32 $_size_execute0_lowered;
	s3 =	sadd.s32 s3, s5;
	[dreg:$0x0] =	wrdreg $0x0  }
0xa8: {  	s5 =	sshll.u32 s28, $0x1;
	[dreg:$0x2] =	wrdreg s3  }
0xa9: {  	[dreg:$0x3] =	wrdreg s5  }
0xaa: {  	[dreg:$0x4] =	wrdreg $0xC0  }
0xab: {  	_ =	task [dreg:s7], $0x5FFFF  }
0xac: {  	[dreg:$0x1] =	wrdreg $0xFFFFFFFF  }
0xad: {  	[dreg:$0x0] =	wrdreg $0x60  }
0xae: {  	[dreg:$0x2] =	wrdreg s2  }
0xaf: {  	[dreg:$0x3] =	wrdreg s24  }
0xb0: {  	[dreg:$0x4] =	wrdreg $0x9  }
0xb1: {  	_ =	task.clear_ibuf [dreg:s7], $0x5FFFF;
	_ =	strace $0x9000004F  }
0xb2: {  	s29 =	simm.s32 $0x9;
	_ =	strace $0x80000051  }
0xb3: {  	_ =	swait.ge [sflag:s29], $0x1  }
0xb4: {  	[sflag:s29] =	ssyncadd.s32 $0xFFFFFFFF  }
0xb5: {  	_ =	strace $0x90000051  }
0xb6: {  	_ =	sfence  }
0xb7: {  	s30 =	sld [smem:$0x0];
	_ =	sdelay $0x2  }
0xb8: {  	s31 =	sshll.u32 s1, $0xD;
	s1 =	sshrl.u32 s1, $0x2  }
0xb9: {  	s3 =	sand.u32 $0x4000, s31;
	s1 =	sadd.s32 s1, s30  }
0xba: {  	s0 =	sor.u32 s3, s0;
	s1 =	sshll.u32 s1, $0x11  }
0xbb: {  	s0 =	sor.u32 s1, s0  }
0xbc: {  	s0 =	sadd.s32 $0x8F2B, s0  }
0xbd: {  	[sflag:s0] =	ssyncadd.remote.s32 $0x1  }
0xbe: {  	_ =	sfence.sel $0xFFFF  }
0xbf: {  	[dreg:$0x0] =	wrdreg $0xFFFFFFFF;
	(pc) =	sbr.abs _section_cstart, $3  }
0xc0: {  	[dreg:$0x1] =	wrdreg $0xFFFFFFFF  }
0xc1: {  	_ =	task.clear_ibuf [dreg:s7], $0x2FFFF;
	_ =	strace $0x9FFFFFFF  }
0xc2: {  	(tm) =	ssettm $0x7FFFFFFF  }
0xc3: {  	_ =	shalt  }
tec
execute0_lowered:
.L_overlay_start_1:
0x0: {  	(tag) =	ssettag $0x1  }
0x1: {  	s2 =	rddreg [dreg:$0x0];
	s1 =	srdreg.scid  }
0x2: {  	s0 =	stileid.u32;
	s5 =	rddreg [dreg:$0x1];
	s3 =	simm.s32 $0x0  }
0x3: {  	s11 =	simm.s32 $0x2800;
	s12 =	simm.s32 $0x5000;
	s13 =	simm.s32 $0x7780  }
0x4: {  	s14 =	simm.s32 $0x9F00;
	s4 =	sand.u32 $0x1, s1;
	s6 =	sshll.u32 s0, $0x1  }
0x5: {  	s15 =	simm.s32 $0xC680;
	s16 =	simm.s32 $0x0;
	s6 =	sor.u32 s4, s6  }
0x6: {  	[smem:$0x7FF] =	sst s3;
	s7 =	ssub.s32 $0x2, s4;
	s6 =	smul.u32 $0x4E2, s6  }
0x7: {  	s1 =	rddreg [dreg:$0x2];
	_ =	strace $0x80000050;
	s8 =	sshrl.u32 s7, $0x1  }
0x8: {  	s4 =	sadd.s32 $0x17E00, s5;
	s10 =	ssub.s32 s7, s8;
	s9 =	sadd.s32 s6, s5  }
0x9: {  	s5 =	sadd.s32 $0x4200, s9;
	s6 =	sadd.s32 $0xE000, s9;
	s7 =	sadd.s32 $0x18400, s9  }
0xa: {  	s8 =	sadd.s32 $0x22200, s9;
	s9 =	smax.u32 s10, $0x1;
	s10 =	simm.s32 $0x1  }
.LBB2_1:
0xb: {  	[tilespmem:s3], [sflag:$0x1] =	stream.linear.gather [hbm4b:s2+s3], $0x2800, $0x38;
	[tilespmem:$0xEE00] =	vst v63  }
0xc: {  	_ =	swait.ge [sflag:s10], $0x2800  }
0xd: {  	[sflag:s10] =	ssyncset.done $0x0  }
0xe: {  	[sflag:s10] =	ssyncadd.s32 $0xFFFFD800  }
0xf: {  	[tilespmem:s11], [sflag:$0x1] =	stream.linear.gather [hbm4b:s4+s3], $0x2800, $0x38;
	[tilespmem:$0xEE00] =	vst v63  }
0x10: {  	_ =	swait.ge [sflag:s10], $0x2800  }
0x11: {  	[sflag:s10] =	ssyncset.done $0x0  }
0x12: {  	[sflag:s10] =	ssyncadd.s32 $0xFFFFD800  }
0x13: {  	[tilespmem:s12], [sflag:$0x1] =	stream.linear.gather [hbm4b:s5+s3], $0x2710, $0x38;
	[tilespmem:$0xEE00] =	vst v63  }
0x14: {  	_ =	swait.ge [sflag:s10], $0x2710  }
0x15: {  	[sflag:s10] =	ssyncset.done $0x0  }
0x16: {  	[sflag:s10] =	ssyncadd.s32 $0xFFFFD8F0  }
0x17: {  	[tilespmem:s13], [sflag:$0x1] =	stream.linear.gather [hbm4b:s6+s3], $0x2710, $0x38;
	[tilespmem:$0xEE00] =	vst v63  }
0x18: {  	_ =	swait.ge [sflag:s10], $0x2710  }
0x19: {  	[sflag:s10] =	ssyncset.done $0x0  }
0x1a: {  	[sflag:s10] =	ssyncadd.s32 $0xFFFFD8F0  }
0x1b: {  	[tilespmem:s14], [sflag:$0x1] =	stream.linear.gather [hbm4b:s7+s3], $0x2710, $0x38;
	[tilespmem:$0xEE00] =	vst v63  }
0x1c: {  	_ =	swait.ge [sflag:s10], $0x2710  }
0x1d: {  	[sflag:s10] =	ssyncset.done $0x0  }
0x1e: {  	s17 =	simm.s32 $0x0;
	[sflag:s10] =	ssyncadd.s32 $0xFFFFD8F0  }
0x1f: {  	v0 =	vld [tilespmem:s17+$0x7780]  }
0x20: {  	v1 =	vld [tilespmem:s17+$0x5000];
	_ =	sdelay $0x6  }
0x21: {  	v0 =	vld.idx.msk [tilespmem:v0+s11+$0x0], $0xffff  }
0x22: {  	v2 =	vld.idx.msk [tilespmem:v1+s3+$0x0], $0xffff  }
0x23: {  	s18 =	simm.s32 $0x10;
	v3 =	vld [tilespmem:s17+$0x9F00]  }
0x24: {  	s19 =	simm.s32 $0x80;
	v1 =	vld [tilespmem:s18+$0x7780]  }
.LBB2_2:
0x25: {  	p0 =	sne.s32 s19, $0x9C00;
	v4 =	vld [tilespmem:s18+$0x5000];
	_ =	sdelay $0x1  }
0x26: {  	v0 =	vadd.f32 v0, v2;
	_ =	sdelay $0x1  }
0x27: {  	v0 =	vadd.f32 v3, v0;
	_ =	sdelay $0x1  }
0x28: {  	[tilespmem:s17+$0xC680] =	vst v0;
	s17 =	smov.u32 s18  }
.Ltmp0:
0x29: {  	v0 =	vld.idx.msk [tilespmem:v1+s11+$0x0], $0xffff;
	(pc) =	sbr.rel @p0 .LBB2_2-.Ltmp0, $3  }
0x2a: {  	v2 =	vld.idx.msk [tilespmem:v4+s3+$0x0], $0xffff;
	_ =	sdelay $0x1  }
0x2b: {  	s18 =	sshra.s32 s19, $0x2;
	v3 =	vld [tilespmem:s17+$0x9F00]  }
0x2c: {  	s19 =	sadd.s32 $0x40, s19;
	v1 =	vld [tilespmem:s18+$0x7780]  }
0x2d: {  	_ = 	snop  }
0x2e: {  	v4 =	vld [tilespmem:s18+$0x5000];
	_ =	sdelay $0x1  }
0x2f: {  	v0 =	vadd.f32 v0, v2;
	_ =	sdelay $0x1  }
0x30: {  	v0 =	vadd.f32 v3, v0;
	_ =	sdelay $0x1  }
0x31: {  	[tilespmem:s17+$0xC680] =	vst v0  }
0x32: {  	v0 =	vld.idx.msk [tilespmem:v1+s11+$0x0], $0xffff  }
0x33: {  	v62 =	vld.idx.msk [tilespmem:v4+s3+$0x0], $0xffff;
	_ =	sdelay $0x1  }
0x34: {  	v63 =	vld [tilespmem:s18+$0x9F00];
	_ =	sdelay $0x2  }
0x35: {  	v0 =	vadd.f32 v0, v62;
	_ =	sdelay $0x1  }
0x36: {  	s16 =	sadd.s32 $0x1, s16;
	v0 =	vadd.f32 v63, v0  }
0x37: {  	p0 =	sne.s32 s16, s9  }
.Ltmp1:
0x38: {  	[tilespmem:s18+$0xC680] =	vst v0;
	(pc) =	sbr.rel @p0 .LBB2_1-.Ltmp1, $4  }
0x39: {  	[hbm4b:s8+s3] =	stream.linear.scatter [tilespmem:s15], [sflag:$0x1], $0x2710, $0x38;
	[tilespmem:$0xEE00] =	vst v63  }
0x3a: {  	_ =	swait.ge [sflag:s10], $0x2710  }
0x3b: {  	[sflag:s10] =	ssyncset.done $0x0  }
0x3c: {  	[sflag:s10] =	ssyncadd.s32 $0xFFFFD8F0  }
0x3d: {  	_ =	sfence.sel $0x180000  }
0x3e: {  	[bflag:$0x0] =	sbarrier.arrive $0xFFFF  }
0x3f: {  	p0 =	sne.s32 s0, $0x0;
	_ =	strace $0x90000050  }
0x40: {  	s0 =	sadd.s32 @!p0 $0x100000, s1;
	[bflag:$0x2] =	sbarrier.arrive $0xFFFF  }
0x41: {  	[sflag:s0] =	ssyncadd.tile.s32 @!p0 $0x1;
	_ =	shalt  }
.Lfunc_end2:
_tile_overlayer_lowered:
.L_overlay_start_2:
0x42: {  	(tag) =	ssettag $0x2  }
0x43: {  	s0 =	rddreg [dreg:$0x0];
	s2 =	stileid.u32  }
0x44: {  	s1 =	rddreg [dreg:$0x1];
	p0 =	sne.s32 s2, $0x0  }
0x45: {  	s3 =	rddreg [dreg:$0x2];
	[bflag:$0x3] =	sbarrier.arrive $0xFFFF;
	s2 =	simm.s32 @!p0 $0x1C01  }
0x46: {  	[timem:s3], [sflag:s2] =	dma.local @!p0 [hbm:s0], s1  }
0x47: {  	s0 =	simm.s32 @!p0 $0x1  }
0x48: {  	_ =	swait.ge @!p0 [sflag:s0], s1  }
0x49: {  	s1 =	ssub.s32 @!p0 $0x0, s1;
	[sflag:s0] =	ssyncset.done @!p0 $0x0  }
0x4a: {  	[sflag:s0] =	ssyncadd.s32 @!p0 s1  }
0x4b: {  	[bflag:$0x3] =	sbarrier.arrive $0xFFFF  }
0x4c: {  	_ =	shalt  }

// kernel: kernel.9.cloned.1.call-start
scs
__scs_entry_jumppad:
0x0: {  	(pc) =	sbr.rel $0x88, $3  }
0x1: {  	(tag) =	ssettag $0x0;
	lr =	simm.s32 $0x1  }
0x2: {  	[smem:$0x3F98] =	sst lr;
	_ =	strace $0xD0000000  }
0x3: {  	_ = 	snop  }
0x4: {  	_ = 	snop  }
0x5: {  	_ = 	snop  }
0x6: {  	_ = 	snop  }
0x7: {  	_ = 	snop  }
__scs_overlays_trampoline_lowered:
0x8: {  	[smem:$0x3FA7] =	sst s0  }
0x9: {  	[smem:$0x3FA8] =	sst s1  }
0xa: {  	[smem:$0x3FA9] =	sst s2  }
0xb: {  	[smem:$0x3FAA] =	sst s3  }
0xc: {  	[smem:$0x3FAB] =	sst s4  }
0xd: {  	[smem:$0x3FAC] =	sst s5  }
0xe: {  	[smem:$0x3FAD] =	sst s6  }
0xf: {  	[smem:$0x3FAE] =	sst s7  }
0x10: {  	[smem:$0x3FAF] =	sst s8  }
0x11: {  	[smem:$0x3FB0] =	sst s9;
	s0 =	simm.s32 @!p0 $0x0  }
0x12: {  	s1 =	sld [smem:$0x3F96];
	s0 =	simm.s32 @p0 $0x1  }
0x13: {  	[smem:$0x3FB1] =	sst s0;
	s0 =	simm.s32 @!p1 $0x0  }
0x14: {  	s2 =	sld [smem:$0x3F95];
	s0 =	simm.s32 @p1 $0x1  }
0x15: {  	[smem:$0x3FB2] =	sst s0;
	s0 =	simm.s32 @!p2 $0x0  }
0x16: {  	s3 =	sld [smem:$0x3FDB];
	s0 =	simm.s32 @p2 $0x1  }
0x17: {  	s4 =	simm.s32 $0x1BF5;
	[smem:$0x3FB4] =	sst s0  }
0x18: {  	s0 =	sld [smem:$0x3F97];
	_ =	swait.ge [sflag:s4], $0x0  }
0x19: {  	s7 =	sld [smem:$0x3F98]  }
0x1a: {  	s8 =	sadd.s32 $0xFFFFE003, lr  }
0x1b: {  	s9 =	sadd.s32 $0xFFFFFEF7, lr;
	s5 =	simm.s32 $0xFFFFFFFF;
	p2 =	slt.u32 s8, $0xFFFFF086  }
0x1c: {  	p1 =	slt.u32 s9, $0xF7A;
	s5 =	simm.s32 @!p2 $0x0  }
0x1d: {  	s5 =	simm.s32 @p1 $0x1;
	p0 =	seq.s32 s7, s2  }
0x1e: {  	s7 =	smul.u32 @!p0 $0xF7A, s2;
	p2 =	seq.s32 @!p0 s5, $0x0  }
0x1f: {  	s9 =	smul.u32 $0xF7A, s1;
	s8 =	simm.s32 @!p0 $0x1BF5;
	p2 =	por !p2, p0  }
0x20: {  	[sflag:s8] =	ssyncset.s32 @!p0 $0xFFFFF086;
	s6 =	sadd.s32 @!p0 s3, s7;
	s7 =	simm.s32 @!p0 $0x108  }
0x21: {  	s3 =	sadd.s32 s3, s9;
	s6 =	sadd.s32 @!p0 $0x88, s6;
	s7 =	simm.s32 @p2 $0x1082  }
0x22: {  	[simem:s7], [sflag:s8] =	dma.local @!p0 [hbm:s6], $0xF7A  }
0x23: {  	s9 =	sor.u32 $0xD0000000, s2;
	s6 =	simm.s32 $0x108;
	_ =	swait.ge @!p0 [sflag:s8], $0x0  }
0x24: {  	s3 =	sadd.s32 $0x88, s3;
	s6 =	simm.s32 @!p1 $0x1082;
	[sflag:s4] =	ssyncset.s32 $0xFFFFF086  }
0x25: {  	[simem:s6], [sflag:s4] =	dma.local [hbm:s3], $0xF7A  }
0x26: {  	[smem:$0x3F98] =	sst s1;
	(tag) =	ssettag s2;
	_ =	strace s9  }
0x27: {  	s1 =	sld [smem:$0x3FA8]  }
0x28: {  	s2 =	sld [smem:$0x3FA9]  }
0x29: {  	s4 =	sld [smem:$0x3FAB]  }
0x2a: {  	p0 =	seq.s32 s5, $0x0;
	s5 =	sld [smem:$0x3FAC]  }
0x2b: {  	s6 =	sld [smem:$0x3FAD]  }
0x2c: {  	s7 =	sld [smem:$0x3FAE]  }
0x2d: {  	s3 =	simm.s32 $0x108;
	s8 =	sld [smem:$0x3FAF]  }
0x2e: {  	s3 =	simm.s32 @!p0 $0x1082;
	s9 =	sld [smem:$0x3FB0]  }
0x2f: {  	lr =	sadd.s32 s0, s3;
	s0 =	sld [smem:$0x3FA7]  }
0x30: {  	s3 =	sld [smem:$0x3FAA]  }
0x31: {  	[smem:$0x3FB3] =	sst s10  }
0x32: {  	s10 =	sld [smem:$0x3FB1];
	_ =	sdelay $0x3  }
0x33: {  	p0 =	seq.s32 s10, $0x1;
	s10 =	sld [smem:$0x3FB3];
	_ =	sdelay $0x3  }
0x34: {  	[smem:$0x3FB3] =	sst s10  }
0x35: {  	s10 =	sld [smem:$0x3FB2];
	_ =	sdelay $0x3  }
0x36: {  	p1 =	seq.s32 s10, $0x1;
	s10 =	sld [smem:$0x3FB3];
	_ =	sdelay $0x3  }
0x37: {  	[smem:$0x3FB3] =	sst s10  }
0x38: {  	s10 =	sld [smem:$0x3FB4]  }
0x39: {  	_ = 	snop;
	(pc) =	sbr.ind lr, $3  }
0x3a: {  	_ = 	snop  }
0x3b: {  	_ = 	snop  }
0x3c: {  	p2 =	seq.s32 s10, $0x1;
	s10 =	sld [smem:$0x3FB3]  }
0x3d: {  	_ =	shalt  }
0x3e: {  	_ =	shalt  }
0x3f: {  	_ =	shalt  }
0x40: {  	_ =	shalt  }
0x41: {  	_ =	shalt  }
0x42: {  	_ =	shalt  }
0x43: {  	_ =	shalt  }
0x44: {  	_ =	shalt  }
0x45: {  	_ =	shalt  }
0x46: {  	_ =	shalt  }
0x47: {  	_ =	shalt  }
0x48: {  	_ =	shalt  }
0x49: {  	_ =	shalt  }
0x4a: {  	_ =	shalt  }
0x4b: {  	_ =	shalt  }
0x4c: {  	_ =	shalt  }
0x4d: {  	_ =	shalt  }
0x4e: {  	_ =	shalt  }
0x4f: {  	_ =	shalt  }
0x50: {  	_ =	shalt  }
0x51: {  	_ =	shalt  }
0x52: {  	_ =	shalt  }
0x53: {  	_ =	shalt  }
0x54: {  	_ =	shalt  }
0x55: {  	_ =	shalt  }
0x56: {  	_ =	shalt  }
0x57: {  	_ =	shalt  }
0x58: {  	_ =	shalt  }
0x59: {  	_ =	shalt  }
0x5a: {  	_ =	shalt  }
0x5b: {  	_ =	shalt  }
0x5c: {  	_ =	shalt  }
0x5d: {  	_ =	shalt  }
0x5e: {  	_ =	shalt  }
0x5f: {  	_ =	shalt  }
0x60: {  	_ =	shalt  }
0x61: {  	_ =	shalt  }
0x62: {  	_ =	shalt  }
0x63: {  	_ =	shalt  }
0x64: {  	_ =	shalt  }
0x65: {  	_ =	shalt  }
0x66: {  	_ =	shalt  }
0x67: {  	_ =	shalt  }
0x68: {  	_ =	shalt  }
0x69: {  	_ =	shalt  }
0x6a: {  	_ =	shalt  }
0x6b: {  	_ =	shalt  }
0x6c: {  	_ =	shalt  }
0x6d: {  	_ =	shalt  }
0x6e: {  	_ =	shalt  }
0x6f: {  	_ =	shalt  }
0x70: {  	_ =	shalt  }
0x71: {  	_ =	shalt  }
0x72: {  	_ =	shalt  }
0x73: {  	_ =	shalt  }
0x74: {  	_ =	shalt  }
0x75: {  	_ =	shalt  }
0x76: {  	_ =	shalt  }
0x77: {  	_ =	shalt  }
0x78: {  	_ =	shalt  }
0x79: {  	_ =	shalt  }
0x7a: {  	_ =	shalt  }
0x7b: {  	_ =	shalt  }
0x7c: {  	_ =	shalt  }
0x7d: {  	_ =	shalt  }
0x7e: {  	_ =	shalt  }
0x7f: {  	_ =	shalt  }
0x80: {  	_ =	shalt  }
0x81: {  	_ =	shalt  }
0x82: {  	_ =	shalt  }
0x83: {  	_ =	shalt  }
0x84: {  	_ =	shalt  }
0x85: {  	_ =	shalt  }
0x86: {  	_ =	shalt  }
0x87: {  	_ =	shalt  }
.Lfunc_end0:
.L_simem_size_0:
called_computation_lowered:
.L_overlay_start_0:
0x88: {  	s2 =	sld [smem:$0x3FD9]  }
0x89: {  	s3 =	sld [smem:$0x3FFE];
	_ =	sdelay $0x1  }
0x8a: {  	s1 =	srdreg.scid  }
0x8b: {  	s0 =	sand.u32 $0x1, s1  }
0x8c: {  	s17 =	sshll.u32 s0, $0xA;
	s2 =	sadd.s32 s3, s2  }
0x8d: {  	s2 =	sadd.s32 s2, s17  }
0x8e: {  	[smem:$0x3FBF] =	sst s2  }
0x8f: {  	_ = 	snop  }
0x90: {  	s2 =	sld [smem:$0x3FD0];
	(tm) =	ssettm $0x1  }
0x91: {  	s18 =	sld [smem:$0x3FFB];
	_ =	sdelay $0x3  }
0x92: {  	_ =	strace s18  }
0x93: {  	s3 =	sld [smem:$0x3FFC];
	_ =	sdelay $0x3  }
0x94: {  	_ =	strace s3  }
0x95: {  	s3 =	sld [smem:$0x3FFD];
	_ =	sdelay $0x3  }
0x96: {  	_ =	strace s3  }
0x97: {  	_ =	strace $0x8FFFFFFF  }
0x98: {  	s19 =	sld [smem:$0x3FDB];
	_ =	sdelay $0x1  }
0x99: {  	s4 =	simm.s32 $_scs_section_size  }
0x9a: {  	s5 =	simm.s32 $_size__tile_overlayer_lowered;
	s6 =	simm.s32 $_tile_overlayer_lowered  }
0x9b: {  	s22 =	simm.s32 $0x1BFF;
	s21 =	sshll.u32 s6, $0x1;
	s3 =	sadd.s32 s4, s19  }
0x9c: {  	s7 =	simm.s32 $0x0;
	s20 =	sshll.u32 s5, $0x1;
	s5 =	sadd.s32 s21, s3  }
0x9d: {  	[timem:s7], [sflag:s22] =	dma.local [hbm:s5], s20  }
0x9e: {  	_ =	swait.ge [sflag:s22], s20  }
0x9f: {  	s4 =	ssub.s32 $0x0, s20;
	[sflag:s22] =	ssyncset.done $0x0  }
0xa0: {  	[sflag:s22] =	ssyncadd.s32 s4;
	_ =	sdelay $0x1  }
0xa1: {  	s23 =	simm.s32 $0x1B8B  }
0xa2: {  	_ =	swait.ge [sflag:s23], $0x1  }
0xa3: {  	[sflag:s23] =	ssyncset.done $0x0  }
0xa4: {  	s25 =	simm.s32 $0x1B8E;
	s24 =	sld [smem:$0x3FFE];
	[sflag:s23] =	ssyncadd.s32 $0xFFFFFFFF  }
0xa5: {  	s26 =	simm.s32 $execute0_lowered;
	[smem:$0x3FD2] =	sst s25  }
0xa6: {  	s5 =	sshll.u32 s26, $0x1;
	_ =	strace $0x80000046;
	[dreg:$0x1] =	wrdreg $0xFFFFFFFF  }
0xa7: {  	s28 =	simm.s32 $_size_execute0_lowered;
	s3 =	sadd.s32 s3, s5;
	[dreg:$0x0] =	wrdreg $0x0  }
0xa8: {  	s5 =	sshll.u32 s28, $0x1;
	[dreg:$0x2] =	wrdreg s3  }
0xa9: {  	[dreg:$0x3] =	wrdreg s5  }
0xaa: {  	[dreg:$0x4] =	wrdreg $0xC0  }
0xab: {  	_ =	task [dreg:s7], $0x5FFFF  }
0xac: {  	[dreg:$0x1] =	wrdreg $0xFFFFFFFF  }
0xad: {  	[dreg:$0x0] =	wrdreg $0x60  }
0xae: {  	[dreg:$0x2] =	wrdreg s24  }
0xaf: {  	[dreg:$0x3] =	wrdreg s2  }
0xb0: {  	[dreg:$0x4] =	wrdreg $0x0  }
0xb1: {  	[dreg:$0x5] =	wrdreg $0x9  }
0xb2: {  	_ =	task.clear_ibuf [dreg:s7], $0x6FFFF;
	_ =	strace $0x90000046  }
0xb3: {  	s29 =	simm.s32 $0x9;
	_ =	strace $0x80000048  }
0xb4: {  	_ =	swait.ge [sflag:s29], $0x1  }
0xb5: {  	[sflag:s29] =	ssyncadd.s32 $0xFFFFFFFF  }
0xb6: {  	_ =	strace $0x90000048  }
0xb7: {  	_ =	sfence  }
0xb8: {  	s30 =	sld [smem:$0x0];
	_ =	sdelay $0x2  }
0xb9: {  	s31 =	sshll.u32 s1, $0xD;
	s1 =	sshrl.u32 s1, $0x2  }
0xba: {  	s3 =	sand.u32 $0x4000, s31;
	s1 =	sadd.s32 s1, s30  }
0xbb: {  	s0 =	sor.u32 s3, s0;
	s1 =	sshll.u32 s1, $0x11  }
0xbc: {  	s0 =	sor.u32 s1, s0  }
0xbd: {  	s0 =	sadd.s32 $0x8F2B, s0  }
0xbe: {  	[sflag:s0] =	ssyncadd.remote.s32 $0x1  }
0xbf: {  	_ =	sfence.sel $0xFFFF  }
0xc0: {  	[dreg:$0x0] =	wrdreg $0xFFFFFFFF;
	(pc) =	sbr.abs _section_cstart, $3  }
0xc1: {  	[dreg:$0x1] =	wrdreg $0xFFFFFFFF  }
0xc2: {  	_ =	task.clear_ibuf [dreg:s7], $0x2FFFF;
	_ =	strace $0x9FFFFFFF  }
0xc3: {  	(tm) =	ssettm $0x7FFFFFFF  }
tec
execute0_lowered:
.L_overlay_start_1:
0x0: {  	(tag) =	ssettag $0x1  }
0x1: {  	s4 =	rddreg [dreg:$0x0]  }
0x2: {  	s6 =	rddreg [dreg:$0x1]  }
0x3: {  	s1 =	rddreg [dreg:$0x2]  }
0x4: {  	s0 =	rddreg [dreg:$0x3];
	s2 =	simm.s32 $0x0  }
0x5: {  	s3 =	srdreg.scid;
	s11 =	simm.s32 $0x50;
	s12 =	simm.s32 $0x4280  }
0x6: {  	s15 =	simm.s32 $0x20;
	s16 =	simm.s32 $0x10;
	s17 =	simm.s32 $0x0  }
0x7: {  	[smem:$0x7FF] =	sst s2;
	s5 =	sand.u32 $0x1, s3;
	s3 =	stileid.u32  }
0x8: {  	_ =	strace $0x80000047;
	s7 =	sshll.u32 s5, $0xB;
	s8 =	smul.u32 $0x500, s3  }
0x9: {  	s28 =	ssub.s32 $0x2, s5;
	s10 =	smul.u32 $0xA00, s3;
	s5 =	sshll.u32 s5, $0x7  }
0xa: {  	s29 =	sshll.u32 s3, $0xC;
	s13 =	sshll.u32 s3, $0x6;
	s9 =	sshrl.u32 s28, $0x1  }
0xb: {  	s4 =	sadd.s32 s7, s4;
	s13 =	sor.u32 $0x1C01, s13;
	s7 =	ssub.s32 s28, s9  }
0xc: {  	s5 =	sor.u32 s5, s8;
	s4 =	sadd.s32 s29, s4;
	s30 =	sshrl.u32 s10, $0x2  }
0xd: {  	s8 =	simm.s32 $0x280;
	s9 =	simm.s32 $0x1;
	s10 =	simm.s32 $0x4300  }
0xe: {  	s31 =	sshrl.u32 s5, $0x3;
	s4 =	sadd.s32 $0x17E00, s4;
	s5 =	sadd.s32 s30, s1  }
0xf: {  	v0 =	vimm.f32 $0.0e+00;
	v1 =	vimm.f32 $1.000000000e+00;
	s7 =	smax.u32 s7, $0x1;
	s6 =	sadd.s32 s6, s31;
	s14 =	sshrl.u32 s5, $0x3  }
.LBB2_1:
0x10: {  	[tilespmem:$0x4300] =	vst v0  }
0x11: {  	[tilespmem:$0x4310] =	vst v0  }
0x12: {  	[tilespmem:$0x4320] =	vst v0  }
0x13: {  	[tilespmem:$0x4330] =	vst v0  }
0x14: {  	[tilespmem:$0x4340] =	vst v0  }
0x15: {  	[tilespmem:$0x4350] =	vst v0  }
0x16: {  	[tilespmem:$0x4360] =	vst v0  }
0x17: {  	[tilespmem:$0x4370] =	vst v0  }
0x18: {  	[tilespmem:$0x4380] =	vst v0  }
0x19: {  	[tilespmem:$0x4390] =	vst v0  }
0x1a: {  	[tilespmem:$0x43A0] =	vst v0  }
0x1b: {  	[tilespmem:$0x43B0] =	vst v0  }
0x1c: {  	[tilespmem:$0x43C0] =	vst v0  }
0x1d: {  	[tilespmem:$0x43D0] =	vst v0  }
0x1e: {  	[tilespmem:$0x43E0] =	vst v0  }
0x1f: {  	[tilespmem:$0x43F0] =	vst v0  }
0x20: {  	[tilespmem:$0x4400] =	vst v0  }
0x21: {  	[tilespmem:$0x4410] =	vst v0  }
0x22: {  	[tilespmem:$0x4420] =	vst v0  }
0x23: {  	[tilespmem:$0x4430] =	vst v0  }
0x24: {  	[tilespmem:$0x4440] =	vst v0  }
0x25: {  	[tilespmem:$0x4450] =	vst v0  }
0x26: {  	[tilespmem:$0x4460] =	vst v0  }
0x27: {  	[tilespmem:$0x4470] =	vst v0  }
0x28: {  	[tilespmem:$0x4480] =	vst v0  }
0x29: {  	[tilespmem:$0x4490] =	vst v0  }
0x2a: {  	[tilespmem:$0x44A0] =	vst v0  }
0x2b: {  	[tilespmem:$0x44B0] =	vst v0  }
0x2c: {  	[tilespmem:$0x44C0] =	vst v0  }
0x2d: {  	[tilespmem:$0x44D0] =	vst v0  }
0x2e: {  	[tilespmem:$0x44E0] =	vst v0  }
0x2f: {  	[tilespmem:$0x44F0] =	vst v0  }
0x30: {  	[tilespmem:$0x4500] =	vst v0  }
0x31: {  	[tilespmem:$0x4510] =	vst v0  }
0x32: {  	[tilespmem:$0x4520] =	vst v0  }
0x33: {  	[tilespmem:$0x4530] =	vst v0  }
0x34: {  	[tilespmem:$0x4540] =	vst v0  }
0x35: {  	[tilespmem:$0x4550] =	vst v0  }
0x36: {  	[tilespmem:$0x4560] =	vst v0  }
0x37: {  	[tilespmem:$0x4570] =	vst v0  }
0x38: {  	[tilespmem:$0x4280] =	vst v1  }
0x39: {  	[tilespmem:$0x4290] =	vst v1  }
0x3a: {  	[tilespmem:$0x42A0] =	vst v1  }
0x3b: {  	[tilespmem:$0x42B0] =	vst v1  }
0x3c: {  	[tilespmem:$0x42C0] =	vst v1  }
0x3d: {  	[tilespmem:s8], [sflag:$0x1] =	stream.linear.gather [hbm4b:s4+s2], $0x3E80, $0x38;
	[tilespmem:$0x4580] =	vst v63  }
0x3e: {  	_ =	swait.ge [sflag:s9], $0x3E80  }
0x3f: {  	[sflag:s9] =	ssyncset.done $0x0  }
0x40: {  	[sflag:s9] =	ssyncadd.s32 $0xFFFFC180  }
0x41: {  	[spmem:s5] =	stream.linear.scatter [tilespmem:s10], [sflag:$0x1], $0x280, $0x38;
	[tilespmem:$0x4580] =	vst v63  }
0x42: {  	_ =	swait.ge [sflag:s9], $0x280  }
0x43: {  	[sflag:s9] =	ssyncset.done $0x0  }
0x44: {  	[sflag:s9] =	ssyncadd.s32 $0xFFFFFD80  }
0x45: {  	s18 =	simm.s32 $0x280;
	[bflag:$0x0] =	sbarrier.arrive $0xFFFF  }
0x46: {  	[spmem:s1] =	stream.indirect.scatter.add.f32 [tilespmem:s12], [sflag:$0x1], $0x1, s18, s11, $0xb8;
	[tilespmem:$0x4580] =	vst v63  }
0x47: {  	s18 =	simm.s32 $0x200;
	_ =	swait.ge [sflag:s9], $0x50  }
.LBB2_2:
0x48: {  	s19 =	sshra.s32 s18, $0x2;
	[sflag:s9] =	ssyncset.done $0x0;
	p0 =	sne.s32 s18, $0xF800  }
.Ltmp0:
0x49: {  	s19 =	sadd.s32 $0x280, s19;
	[sflag:s9] =	ssyncadd.s32 $0xFFFFFFB0;
	(pc) =	sbr.rel @p0 .LBB2_2-.Ltmp0, $3  }
0x4a: {  	[spmem:s1] =	stream.indirect.scatter.add.f32 [tilespmem:s12], [sflag:$0x1], $0x1, s19, s11, $0xb8;
	[tilespmem:$0x4580] =	vst v63  }
0x4b: {  	s18 =	sadd.s32 $0x200, s18;
	_ =	sdelay $0x1  }
0x4c: {  	_ =	swait.ge [sflag:s9], $0x50  }
0x4d: {  	[sflag:s9] =	ssyncset.done $0x0;
	s17 =	sadd.s32 $0x1, s17  }
0x4e: {  	[sflag:s9] =	ssyncadd.s32 $0xFFFFFFB0;
	p0 =	sne.s32 s17, s7  }
.Ltmp1:
0x4f: {  	[bflag:$0x0] =	sbarrier.arrive $0xFFFF;
	(pc) =	sbr.rel @p0 .LBB2_1-.Ltmp1, $4  }
0x50: {  	[hbm:s6@s15], [sflag:s13] =	dma.strided [spmem:s14@s16], $0x50, s9, $0x10   }
0x51: {  	_ =	swait.ge [sflag:s9], $0x50  }
0x52: {  	[sflag:s9] =	ssyncset.done $0x0  }
0x53: {  	[sflag:s9] =	ssyncadd.s32 $0xFFFFFFB0  }
0x54: {  	_ =	sfence.sel $0x180000  }
0x55: {  	[bflag:$0x0] =	sbarrier.arrive $0xFFFF  }
0x56: {  	p0 =	sne.s32 s3, $0x0;
	_ =	strace $0x90000047  }
0x57: {  	s0 =	sadd.s32 @!p0 $0x100000, s0;
	[bflag:$0x2] =	sbarrier.arrive $0xFFFF  }
0x58: {  	[sflag:s0] =	ssyncadd.tile.s32 @!p0 $0x1;
	_ =	shalt  }
.Lfunc_end2:
_tile_overlayer_lowered:
.L_overlay_start_2:
0x59: {  	(tag) =	ssettag $0x2  }
0x5a: {  	s0 =	rddreg [dreg:$0x0];
	s2 =	stileid.u32  }
0x5b: {  	s1 =	rddreg [dreg:$0x1];
	p0 =	sne.s32 s2, $0x0  }
0x5c: {  	s3 =	rddreg [dreg:$0x2];
	[bflag:$0x3] =	sbarrier.arrive $0xFFFF;
	s2 =	simm.s32 @!p0 $0x1C01  }
0x5d: {  	[timem:s3], [sflag:s2] =	dma.local @!p0 [hbm:s0], s1  }
0x5e: {  	s0 =	simm.s32 @!p0 $0x1  }
0x5f: {  	_ =	swait.ge @!p0 [sflag:s0], s1  }
0x60: {  	s1 =	ssub.s32 @!p0 $0x0, s1;
	[sflag:s0] =	ssyncset.done @!p0 $0x0  }
0x61: {  	[sflag:s0] =	ssyncadd.s32 @!p0 s1  }
0x62: {  	[bflag:$0x3] =	sbarrier.arrive $0xFFFF  }
0x63: {  	_ =	shalt  }

</sc_bundles>
